<compile_context>
chip_gen: v7x
topology: tpu7x:2x2x1
jax: 0.10.2.dev20260603
libtpu: 0.0.44.dev20260713+nightly
codegen_flags: <defaults>
</compile_context>

<pallas_src>
import functools

import jax
import jax.numpy as jnp
from jax import lax
from jax.experimental import pallas as pl
from jax.experimental.pallas import tpu as pltpu
from jax.experimental.pallas import tpu_sc as plsc

N = 10000
NP = 10240
E = 320000
D = 128
F = 64

NC = 2
NS = 16
NW = NC * NS
K = 80
EPT = E // NW
NBLK = EPT // K
NBUF = 5
NGRP = NBLK // NBUF
ZPT = NP // NS

_mesh = plsc.VectorSubcoreMesh(core_axis_name="c", subcore_axis_name="s")


def _deg_body(col_hbm, ones_hbm, zeros_hbm, degp_hbm, deg_sh, idx_v, ones_v, sem):
    c = lax.axis_index("c")
    s = lax.axis_index("s")
    wid = c * NS + s
    pltpu.sync_copy(zeros_hbm.at[pl.ds(s * ZPT, ZPT)], deg_sh.at[pl.ds(s * ZPT, ZPT)])
    pltpu.sync_copy(ones_hbm, ones_v)
    pltpu.sync_copy(col_hbm.at[wid], idx_v)
    plsc.subcore_barrier()

    def body(j, carry):
        pltpu.sync_copy(ones_v, deg_sh.at[idx_v.at[j]], add=True)
        return carry

    lax.fori_loop(0, NBLK, body, 0)
    plsc.subcore_barrier()
    pltpu.sync_copy(deg_sh.at[pl.ds(s * ZPT, ZPT)],
                    degp_hbm.at[c].at[pl.ds(s * ZPT, ZPT)])


_deg_call = functools.partial(
    pl.kernel,
    out_type=jax.ShapeDtypeStruct((NC, NP), jnp.float32),
    mesh=_mesh,
    scratch_types=[
        pltpu.VMEM_SHARED((NP,), jnp.float32),
        pltpu.VMEM((NBLK, K), jnp.int32),
        pltpu.VMEM((K,), jnp.float32),
        pltpu.SemaphoreType.DMA,
    ],
)(_deg_body)


def _scat_body(hp_hbm, row_hbm, col_hbm, zeros_hbm, out_hbm,
               acc_sh, ridx, cidx, gbuf, *sems):
    gsems, ssems = sems[:NBUF], sems[NBUF:]
    c = lax.axis_index("c")
    s = lax.axis_index("s")
    wid = c * NS + s

    @pl.when(c == 0)
    def _():
        pltpu.sync_copy(hp_hbm.at[pl.ds(s * ZPT, ZPT)],
                        acc_sh.at[pl.ds(s * ZPT, ZPT)])

    @pl.when(c != 0)
    def _():
        pltpu.sync_copy(zeros_hbm.at[pl.ds(s * ZPT, ZPT)],
                        acc_sh.at[pl.ds(s * ZPT, ZPT)])

    pltpu.sync_copy(row_hbm.at[wid], ridx)
    pltpu.sync_copy(col_hbm.at[wid], cidx)
    plsc.subcore_barrier()

    for b in range(NBUF):
        pltpu.async_copy(hp_hbm.at[ridx.at[b]], gbuf.at[b], gsems[b])

    def group(g, carry):
        for b in range(NBUF):
            j = g * NBUF + b
            pltpu.make_async_copy(hp_hbm.at[ridx.at[j]], gbuf.at[b], gsems[b]).wait()
            pltpu.async_copy(gbuf.at[b], acc_sh.at[cidx.at[j]], ssems[b], add=True)

            @pl.when(g < NGRP - 1)
            def _():
                pltpu.make_async_copy(gbuf.at[b], acc_sh.at[cidx.at[j]],
                                      ssems[b]).wait()
                pltpu.async_copy(hp_hbm.at[ridx.at[j + NBUF]], gbuf.at[b], gsems[b])

        return carry

    lax.fori_loop(0, NGRP, group, 0)
    for b in range(NBUF):
        j = (NGRP - 1) * NBUF + b
        pltpu.make_async_copy(gbuf.at[b], acc_sh.at[cidx.at[j]], ssems[b]).wait()
    plsc.subcore_barrier()
    pltpu.sync_copy(acc_sh.at[pl.ds(s * ZPT, ZPT)],
                    out_hbm.at[c].at[pl.ds(s * ZPT, ZPT)])


_scat_call = functools.partial(
    pl.kernel,
    out_type=jax.ShapeDtypeStruct((NC, NP, F), jnp.float32),
    mesh=_mesh,
    scratch_types=[
        pltpu.VMEM_SHARED((NP, F), jnp.float32),
        pltpu.VMEM((NBLK, K), jnp.int32),
        pltpu.VMEM((NBLK, K), jnp.int32),
        pltpu.VMEM((NBUF, K, F), jnp.float32),
    ] + [pltpu.SemaphoreType.DMA] * (2 * NBUF),
    compiler_params=pltpu.CompilerParams(use_tc_tiling_on_sc=False),
)(_scat_body)


def _dis_body(dp_ref, o_ref):
    o_ref[...] = lax.rsqrt(dp_ref[0] + dp_ref[1] + 1.0)


def _dis_call(degp):
    return pl.pallas_call(
        _dis_body,
        out_shape=jax.ShapeDtypeStruct((NP,), jnp.float32),
    )(degp)


_RB = 640
_NRB = NP // _RB


def _mm1_body(x_ref, w_ref, dis_ref, o_ref):
    h = lax.dot_general(x_ref[...], w_ref[...], (((1,), (1,)), ((), ())),
                        preferred_element_type=jnp.float32)
    o_ref[...] = h * dis_ref[...]


def _mm1_call(x_p, W1, dis2):
    return pl.pallas_call(
        _mm1_body,
        grid=(_NRB,),
        in_specs=[
            pl.BlockSpec((_RB, D), lambda i: (i, 0)),
            pl.BlockSpec((F, D), lambda i: (0, 0)),
            pl.BlockSpec((_RB, 1), lambda i: (i, 0)),
        ],
        out_specs=pl.BlockSpec((_RB, F), lambda i: (i, 0)),
        out_shape=jax.ShapeDtypeStruct((NP, F), jnp.float32),
    )(x_p, W1, dis2)


def _epimm_body(p_ref, dis_ref, b_ref, w_ref, o_ref):
    g = jax.nn.sigmoid(dis_ref[...] * (p_ref[0] + p_ref[1]) + b_ref[...])
    h = lax.dot_general(g, w_ref[...], (((1,), (1,)), ((), ())),
                        preferred_element_type=jnp.float32)
    o_ref[...] = h * dis_ref[...]


def _epimm_call(parts, dis2, b, Wn):
    return pl.pallas_call(
        _epimm_body,
        grid=(_NRB,),
        in_specs=[
            pl.BlockSpec((NC, _RB, F), lambda i: (0, i, 0)),
            pl.BlockSpec((_RB, 1), lambda i: (i, 0)),
            pl.BlockSpec((1, F), lambda i: (0, 0)),
            pl.BlockSpec((F, F), lambda i: (0, 0)),
        ],
        out_specs=pl.BlockSpec((_RB, F), lambda i: (i, 0)),
        out_shape=jax.ShapeDtypeStruct((NP, F), jnp.float32),
    )(parts, dis2, b, Wn)


_MB = 400
_NMB = N // _MB


def _mean_body(p_ref, dis_ref, b3_ref, o_ref):
    i = pl.program_id(0)

    @pl.when(i == 0)
    def _():
        o_ref[...] = jnp.zeros_like(o_ref)

    o_ref[...] += jnp.sum(dis_ref[...] * (p_ref[0] + p_ref[1]), axis=0,
                          keepdims=True)

    @pl.when(i == _NMB - 1)
    def _():
        o_ref[...] = o_ref[...] * (1.0 / N) + b3_ref[...]


def _mean_call(parts, dis2, b3):
    return pl.pallas_call(
        _mean_body,
        grid=(_NMB,),
        in_specs=[
            pl.BlockSpec((NC, _MB, F), lambda i: (0, i, 0)),
            pl.BlockSpec((_MB, 1), lambda i: (i, 0)),
            pl.BlockSpec((1, F), lambda i: (0, 0)),
        ],
        out_specs=pl.BlockSpec((1, F), lambda i: (0, 0)),
        out_shape=jax.ShapeDtypeStruct((1, F), jnp.float32),
    )(parts, dis2, b3)


def kernel(x, edge_index, W1, b1, W2, b2, W3, b3):
    row = edge_index[0].reshape(NW, NBLK, K)
    col = edge_index[1].reshape(NW, NBLK, K)
    x_p = jnp.zeros((NP, D), jnp.float32).at[:N].set(x)
    zeros2 = jnp.zeros((NP, F), jnp.float32)
    zeros1 = jnp.zeros((NP,), jnp.float32)
    ones_k = jnp.ones((K,), jnp.float32)

    degp = _deg_call(col, ones_k, zeros1)
    dis2 = _dis_call(degp).reshape(NP, 1)

    hp = _mm1_call(x_p, W1, dis2)
    parts = _scat_call(hp, row, col, zeros2)
    hp = _epimm_call(parts, dis2, b1.reshape(1, F), W2)
    parts = _scat_call(hp, row, col, zeros2)
    hp = _epimm_call(parts, dis2, b2.reshape(1, F), W3)
    parts = _scat_call(hp, row, col, zeros2)
    out = _mean_call(parts, dis2, b3.reshape(1, F))
    return out.reshape(F)

# --- scband reference (transcript-rebuilt; emitter-appended) ---
"""Pipeline reference for scband-charge-model-5609227288972 (READ-ONLY COPY).

The authoritative reference and input builder live on the scoring server;
editing this copy changes nothing except your own understanding.
"""

import jax, jax.numpy as jnp
import numpy as np

N = 10000
E = 320000
D = 128
H1 = 64
H2 = 64
OUT = 64


def setup_inputs(seed: int = 0) -> dict:
    key = jax.random.key(seed)
    ks = jax.random.split(key, 8)
    x = jax.random.normal(ks[0], (N, D), dtype=jnp.float32)
    edge_index = jax.random.randint(ks[1], (2, E), 0, N, dtype=jnp.int32)
    W1 = jax.random.normal(ks[2], (H1, D), dtype=jnp.float32) * (1.0 / np.sqrt(D))
    b1 = jax.random.normal(ks[3], (H1,), dtype=jnp.float32) * 0.01
    W2 = jax.random.normal(ks[4], (H2, H1), dtype=jnp.float32) * (1.0 / np.sqrt(H1))
    b2 = jax.random.normal(ks[5], (H2,), dtype=jnp.float32) * 0.01
    W3 = jax.random.normal(ks[6], (OUT, H2), dtype=jnp.float32) * (1.0 / np.sqrt(H2))
    b3 = jax.random.normal(ks[7], (OUT,), dtype=jnp.float32) * 0.01
    return {"x": x, "edge_index": edge_index, "W1": W1, "b1": b1, "W2": W2, "b2": b2, "W3": W3, "b3": b3}


def gcn_layer(x, edge_index, W, b):
    n = x.shape[0]
    loops = jnp.arange(n, dtype=edge_index.dtype)
    ei = jnp.concatenate([edge_index, jnp.stack([loops, loops])], axis=1)
    row, col = ei[0], ei[1]
    h = x @ W.T  # Linear, no bias (bias added after aggregation like nn.Parameter bias)
    deg = jnp.zeros((n,), dtype=h.dtype).at[col].add(1.0)
    deg_inv_sqrt = jnp.where(deg > 0, deg ** -0.5, 0.0)
    norm = deg_inv_sqrt[row] * deg_inv_sqrt[col]
    msg = norm[:, None] * h[row]  # message: norm * x_j
    out = jnp.zeros((n, W.shape[0]), dtype=h.dtype).at[col].add(msg)  # aggr='add' at target
    return out + b


def reference(x, edge_index, W1, b1, W2, b2, W3, b3):
    h = jax.nn.sigmoid(gcn_layer(x, edge_index, W1, b1))
    h = jax.nn.sigmoid(gcn_layer(h, edge_index, W2, b2))
    h = gcn_layer(h, edge_index, W3, b3)
    return h.mean(axis=0)  # per-graph readout -> [out_channels]

if __name__ == "__main__":
    import jax
    _d = setup_inputs()
    print(jax.jit(kernel)(*tuple(_d.values())))

</pallas_src>

<mosaic_0001>
#map = affine_map<(d0, d1) -> (0, 0)>
#map1 = affine_map<(d0, d1) -> (0, 0, 0)>
module attributes {stable_mosaic.version = 14 : i64} {
  func.func @_scat_body(%arg0: i32, %arg1: i32, %arg2: memref<10240x64xf32, #tpu.memory_space<hbm>>, %arg3: memref<32x125x80xi32, #tpu.memory_space<hbm>>, %arg4: memref<32x125x80xi32, #tpu.memory_space<hbm>>, %arg5: memref<10240x64xf32, #tpu.memory_space<hbm>>, %arg6: memref<2x10240x64xf32, #tpu.memory_space<hbm>>, %arg7: memref<10240x64xf32, #tpu.memory_space<vmem_shared>>, %arg8: memref<125x80xi32, #tpu.memory_space<vmem>>, %arg9: memref<125x80xi32, #tpu.memory_space<vmem>>, %arg10: memref<5x80x64xf32, #tpu.memory_space<vmem>>, %arg11: memref<!tpu.dma_semaphore, #tpu.memory_space<semaphore_mem>>, %arg12: memref<!tpu.dma_semaphore, #tpu.memory_space<semaphore_mem>>, %arg13: memref<!tpu.dma_semaphore, #tpu.memory_space<semaphore_mem>>, %arg14: memref<!tpu.dma_semaphore, #tpu.memory_space<semaphore_mem>>, %arg15: memref<!tpu.dma_semaphore, #tpu.memory_space<semaphore_mem>>, %arg16: memref<!tpu.dma_semaphore, #tpu.memory_space<semaphore_mem>>, %arg17: memref<!tpu.dma_semaphore, #tpu.memory_space<semaphore_mem>>, %arg18: memref<!tpu.dma_semaphore, #tpu.memory_space<semaphore_mem>>, %arg19: memref<!tpu.dma_semaphore, #tpu.memory_space<semaphore_mem>>, %arg20: memref<!tpu.dma_semaphore, #tpu.memory_space<semaphore_mem>>) attributes {dimension_semantics = [#tpu.dimension_semantics<core_parallel>, #tpu.dimension_semantics<subcore_parallel>], iteration_bounds = array<i64: 2, 16>, scalar_prefetch = 0 : i64, scratch_operands = 14 : i64, tpu.core_type = #tpu.core_type<sc_vector_subcore>, window_params = [{transform_indices = #map}, {transform_indices = #map1}, {transform_indices = #map1}, {transform_indices = #map}, {transform_indices = #map1}]} {
    %mul3A = arith.constant 16 : i32
    %mul3A_0 = arith.muli %arg0, %mul3A : i32
    %add3A = arith.addi %mul3A_0, %arg1 : i32
    %eq3A = arith.constant 0 : i32
    %eq3A_1 = arith.cmpi eq, %arg0, %eq3A : i32
    %convert_element_type3A = arith.extui %eq3A_1 : i1 to i32
    %cond3A = arith.constant 0 : i32
    %cond3A_2 = arith.cmpi ne, %convert_element_type3A, %cond3A : i32
    scf.if %cond3A_2 {
      %mul3A_135 = arith.constant 640 : i32
      %mul3A_136 = arith.muli %arg1, %mul3A_135 : i32
      %mul3A_137 = arith.constant 640 : i32
      %mul3A_138 = arith.muli %arg1, %mul3A_137 : i32
      "tpu.region"() ({
        %run_scoped3A = tpu.sem_alloc : memref<!tpu.dma_semaphore, #tpu.memory_space<semaphore_mem>>
        %dma_start3A_139 = arith.constant 0 : i32
        %dma_start3A_140 = tpu.memref_slice %arg7[%mul3A_138, %dma_start3A_139] : memref<10240x64xf32, #tpu.memory_space<vmem_shared>> -> memref<640x64xf32, #tpu.memory_space<vmem_shared>>
        %dma_start3A_141 = arith.constant 0 : i32
        %dma_start3A_142 = tpu.memref_slice %arg2[%mul3A_136, %dma_start3A_141] : memref<10240x64xf32, #tpu.memory_space<hbm>> -> memref<640x64xf32, #tpu.memory_space<hbm>>
        tpu.enqueue_dma source(%dma_start3A_142 : memref<640x64xf32, #tpu.memory_space<hbm>>) target(%dma_start3A_140 : memref<640x64xf32, #tpu.memory_space<vmem_shared>>) target_semaphore(%run_scoped3A : memref<!tpu.dma_semaphore, #tpu.memory_space<semaphore_mem>>)
        %dma_wait3A_143 = arith.constant 0 : i32
        %dma_wait3A_144 = tpu.memref_slice %arg7[%mul3A_138, %dma_wait3A_143] : memref<10240x64xf32, #tpu.memory_space<vmem_shared>> -> memref<640x64xf32, #tpu.memory_space<vmem_shared>>
        %dma_wait3A_145 = arith.constant 0 : i32
        %dma_wait3A_146 = tpu.memref_slice %arg2[%mul3A_136, %dma_wait3A_145] : memref<10240x64xf32, #tpu.memory_space<hbm>> -> memref<640x64xf32, #tpu.memory_space<hbm>>
        tpu.wait_dma2 semaphore(%run_scoped3A : memref<!tpu.dma_semaphore, #tpu.memory_space<semaphore_mem>>) src(%dma_wait3A_146 : memref<640x64xf32, #tpu.memory_space<hbm>>) dst(%dma_wait3A_144 : memref<640x64xf32, #tpu.memory_space<vmem_shared>>)
        tpu.yield
      }) : () -> ()
    } else {
    }
    %ne3A = arith.constant 0 : i32
    %ne3A_3 = arith.cmpi ne, %arg0, %ne3A : i32
    %convert_element_type3A_4 = arith.extui %ne3A_3 : i1 to i32
    %cond3A_5 = arith.constant 0 : i32
    %cond3A_6 = arith.cmpi ne, %convert_element_type3A_4, %cond3A_5 : i32
    scf.if %cond3A_6 {
      %mul3A_135 = arith.constant 640 : i32
      %mul3A_136 = arith.muli %arg1, %mul3A_135 : i32
      %mul3A_137 = arith.constant 640 : i32
      %mul3A_138 = arith.muli %arg1, %mul3A_137 : i32
      "tpu.region"() ({
        %run_scoped3A = tpu.sem_alloc : memref<!tpu.dma_semaphore, #tpu.memory_space<semaphore_mem>>
        %dma_start3A_139 = arith.constant 0 : i32
        %dma_start3A_140 = tpu.memref_slice %arg7[%mul3A_138, %dma_start3A_139] : memref<10240x64xf32, #tpu.memory_space<vmem_shared>> -> memref<640x64xf32, #tpu.memory_space<vmem_shared>>
        %dma_start3A_141 = arith.constant 0 : i32
        %dma_start3A_142 = tpu.memref_slice %arg5[%mul3A_136, %dma_start3A_141] : memref<10240x64xf32, #tpu.memory_space<hbm>> -> memref<640x64xf32, #tpu.memory_space<hbm>>
        tpu.enqueue_dma source(%dma_start3A_142 : memref<640x64xf32, #tpu.memory_space<hbm>>) target(%dma_start3A_140 : memref<640x64xf32, #tpu.memory_space<vmem_shared>>) target_semaphore(%run_scoped3A : memref<!tpu.dma_semaphore, #tpu.memory_space<semaphore_mem>>)
        %dma_wait3A_143 = arith.constant 0 : i32
        %dma_wait3A_144 = tpu.memref_slice %arg7[%mul3A_138, %dma_wait3A_143] : memref<10240x64xf32, #tpu.memory_space<vmem_shared>> -> memref<640x64xf32, #tpu.memory_space<vmem_shared>>
        %dma_wait3A_145 = arith.constant 0 : i32
        %dma_wait3A_146 = tpu.memref_slice %arg5[%mul3A_136, %dma_wait3A_145] : memref<10240x64xf32, #tpu.memory_space<hbm>> -> memref<640x64xf32, #tpu.memory_space<hbm>>
        tpu.wait_dma2 semaphore(%run_scoped3A : memref<!tpu.dma_semaphore, #tpu.memory_space<semaphore_mem>>) src(%dma_wait3A_146 : memref<640x64xf32, #tpu.memory_space<hbm>>) dst(%dma_wait3A_144 : memref<640x64xf32, #tpu.memory_space<vmem_shared>>)
        tpu.yield
      }) : () -> ()
    } else {
    }
    "tpu.region"() ({
      %run_scoped3A = tpu.sem_alloc : memref<!tpu.dma_semaphore, #tpu.memory_space<semaphore_mem>>
      %dma_start3A_135 = arith.constant 0 : i32
      %dma_start3A_136 = arith.constant 0 : i32
      %dma_start3A_137 = tpu.memref_slice %arg3[%add3A, %dma_start3A_135, %dma_start3A_136] : memref<32x125x80xi32, #tpu.memory_space<hbm>> -> memref<1x125x80xi32, #tpu.memory_space<hbm>>
      %dma_start3A_138 = tpu.memref_squeeze %dma_start3A_137 : memref<1x125x80xi32, #tpu.memory_space<hbm>> -> memref<125x80xi32, #tpu.memory_space<hbm>>
      %dma_start3A_139 = arith.constant 0 : i32
      %dma_start3A_140 = arith.constant 0 : i32
      %dma_start3A_141 = tpu.memref_slice %arg3[%add3A, %dma_start3A_139, %dma_start3A_140] : memref<32x125x80xi32, #tpu.memory_space<hbm>> -> memref<1x125x80xi32, #tpu.memory_space<hbm>>
      %dma_start3A_142 = tpu.memref_squeeze %dma_start3A_141 : memref<1x125x80xi32, #tpu.memory_space<hbm>> -> memref<125x80xi32, #tpu.memory_space<hbm>>
      tpu.enqueue_dma source(%dma_start3A_142 : memref<125x80xi32, #tpu.memory_space<hbm>>) target(%arg8 : memref<125x80xi32, #tpu.memory_space<vmem>>) target_semaphore(%run_scoped3A : memref<!tpu.dma_semaphore, #tpu.memory_space<semaphore_mem>>)
      %dma_wait3A_143 = arith.constant 0 : i32
      %dma_wait3A_144 = arith.constant 0 : i32
      %dma_wait3A_145 = tpu.memref_slice %arg3[%add3A, %dma_wait3A_143, %dma_wait3A_144] : memref<32x125x80xi32, #tpu.memory_space<hbm>> -> memref<1x125x80xi32, #tpu.memory_space<hbm>>
      %dma_wait3A_146 = tpu.memref_squeeze %dma_wait3A_145 : memref<1x125x80xi32, #tpu.memory_space<hbm>> -> memref<125x80xi32, #tpu.memory_space<hbm>>
      %dma_wait3A_147 = arith.constant 0 : i32
      %dma_wait3A_148 = arith.constant 0 : i32
      %dma_wait3A_149 = tpu.memref_slice %arg3[%add3A, %dma_wait3A_147, %dma_wait3A_148] : memref<32x125x80xi32, #tpu.memory_space<hbm>> -> memref<1x125x80xi32, #tpu.memory_space<hbm>>
      %dma_wait3A_150 = tpu.memref_squeeze %dma_wait3A_149 : memref<1x125x80xi32, #tpu.memory_space<hbm>> -> memref<125x80xi32, #tpu.memory_space<hbm>>
      tpu.wait_dma2 semaphore(%run_scoped3A : memref<!tpu.dma_semaphore, #tpu.memory_space<semaphore_mem>>) src(%dma_wait3A_150 : memref<125x80xi32, #tpu.memory_space<hbm>>) dst(%arg8 : memref<125x80xi32, #tpu.memory_space<vmem>>)
      tpu.yield
    }) : () -> ()
    "tpu.region"() ({
      %run_scoped3A = tpu.sem_alloc : memref<!tpu.dma_semaphore, #tpu.memory_space<semaphore_mem>>
      %dma_start3A_135 = arith.constant 0 : i32
      %dma_start3A_136 = arith.constant 0 : i32
      %dma_start3A_137 = tpu.memref_slice %arg4[%add3A, %dma_start3A_135, %dma_start3A_136] : memref<32x125x80xi32, #tpu.memory_space<hbm>> -> memref<1x125x80xi32, #tpu.memory_space<hbm>>
      %dma_start3A_138 = tpu.memref_squeeze %dma_start3A_137 : memref<1x125x80xi32, #tpu.memory_space<hbm>> -> memref<125x80xi32, #tpu.memory_space<hbm>>
      %dma_start3A_139 = arith.constant 0 : i32
      %dma_start3A_140 = arith.constant 0 : i32
      %dma_start3A_141 = tpu.memref_slice %arg4[%add3A, %dma_start3A_139, %dma_start3A_140] : memref<32x125x80xi32, #tpu.memory_space<hbm>> -> memref<1x125x80xi32, #tpu.memory_space<hbm>>
      %dma_start3A_142 = tpu.memref_squeeze %dma_start3A_141 : memref<1x125x80xi32, #tpu.memory_space<hbm>> -> memref<125x80xi32, #tpu.memory_space<hbm>>
      tpu.enqueue_dma source(%dma_start3A_142 : memref<125x80xi32, #tpu.memory_space<hbm>>) target(%arg9 : memref<125x80xi32, #tpu.memory_space<vmem>>) target_semaphore(%run_scoped3A : memref<!tpu.dma_semaphore, #tpu.memory_space<semaphore_mem>>)
      %dma_wait3A_143 = arith.constant 0 : i32
      %dma_wait3A_144 = arith.constant 0 : i32
      %dma_wait3A_145 = tpu.memref_slice %arg4[%add3A, %dma_wait3A_143, %dma_wait3A_144] : memref<32x125x80xi32, #tpu.memory_space<hbm>> -> memref<1x125x80xi32, #tpu.memory_space<hbm>>
      %dma_wait3A_146 = tpu.memref_squeeze %dma_wait3A_145 : memref<1x125x80xi32, #tpu.memory_space<hbm>> -> memref<125x80xi32, #tpu.memory_space<hbm>>
      %dma_wait3A_147 = arith.constant 0 : i32
      %dma_wait3A_148 = arith.constant 0 : i32
      %dma_wait3A_149 = tpu.memref_slice %arg4[%add3A, %dma_wait3A_147, %dma_wait3A_148] : memref<32x125x80xi32, #tpu.memory_space<hbm>> -> memref<1x125x80xi32, #tpu.memory_space<hbm>>
      %dma_wait3A_150 = tpu.memref_squeeze %dma_wait3A_149 : memref<1x125x80xi32, #tpu.memory_space<hbm>> -> memref<125x80xi32, #tpu.memory_space<hbm>>
      tpu.wait_dma2 semaphore(%run_scoped3A : memref<!tpu.dma_semaphore, #tpu.memory_space<semaphore_mem>>) src(%dma_wait3A_150 : memref<125x80xi32, #tpu.memory_space<hbm>>) dst(%arg9 : memref<125x80xi32, #tpu.memory_space<vmem>>)
      tpu.yield
    }) : () -> ()
    %barrier3A = arith.constant 0 : index
    tpu.barrier barrier_id(%barrier3A)
    %dma_start3A = arith.constant 0 : i32
    %dma_start3A_7 = arith.constant 0 : i32
    %dma_start3A_8 = arith.constant 0 : i32
    %dma_start3A_9 = arith.constant 0 : i32
    %dma_start3A_10 = tpu.memref_slice %arg10[%dma_start3A_7, %dma_start3A_8, %dma_start3A_9] : memref<5x80x64xf32, #tpu.memory_space<vmem>> -> memref<1x80x64xf32, #tpu.memory_space<vmem>>
    %dma_start3A_11 = tpu.memref_squeeze %dma_start3A_10 : memref<1x80x64xf32, #tpu.memory_space<vmem>> -> memref<80x64xf32, #tpu.memory_space<vmem>>
    %dma_start3A_12 = arith.constant 0 : i32
    %dma_start3A_13 = tpu.memref_slice %arg8[%dma_start3A, %dma_start3A_12] : memref<125x80xi32, #tpu.memory_space<vmem>> -> memref<1x80xi32, #tpu.memory_space<vmem>>
    %dma_start3A_14 = tpu.memref_squeeze %dma_start3A_13 : memref<1x80xi32, #tpu.memory_space<vmem>> -> memref<80xi32, #tpu.memory_space<vmem>>
    %dma_start3A_15 = arith.constant 0 : i32
    %dma_start3A_16 = arith.constant 0 : i32
    %dma_start3A_17 = tpu.memref_slice %arg2[%dma_start3A_15, %dma_start3A_16] : memref<10240x64xf32, #tpu.memory_space<hbm>> -> memref<10240x64xf32, #tpu.memory_space<hbm>>
    tpu.enqueue_indirect_dma source(%dma_start3A_17 : memref<10240x64xf32, #tpu.memory_space<hbm>>) target(%dma_start3A_11 : memref<80x64xf32, #tpu.memory_space<vmem>>) offsets(%dma_start3A_14 : memref<80xi32, #tpu.memory_space<vmem>>) semaphore(%arg11 : memref<!tpu.dma_semaphore, #tpu.memory_space<semaphore_mem>>)
    %dma_start3A_18 = arith.constant 1 : i32
    %dma_start3A_19 = arith.constant 1 : i32
    %dma_start3A_20 = arith.constant 0 : i32
    %dma_start3A_21 = arith.constant 0 : i32
    %dma_start3A_22 = tpu.memref_slice %arg10[%dma_start3A_19, %dma_start3A_20, %dma_start3A_21] : memref<5x80x64xf32, #tpu.memory_space<vmem>> -> memref<1x80x64xf32, #tpu.memory_space<vmem>>
    %dma_start3A_23 = tpu.memref_squeeze %dma_start3A_22 : memref<1x80x64xf32, #tpu.memory_space<vmem>> -> memref<80x64xf32, #tpu.memory_space<vmem>>
    %dma_start3A_24 = arith.constant 0 : i32
    %dma_start3A_25 = tpu.memref_slice %arg8[%dma_start3A_18, %dma_start3A_24] : memref<125x80xi32, #tpu.memory_space<vmem>> -> memref<1x80xi32, #tpu.memory_space<vmem>>
    %dma_start3A_26 = tpu.memref_squeeze %dma_start3A_25 : memref<1x80xi32, #tpu.memory_space<vmem>> -> memref<80xi32, #tpu.memory_space<vmem>>
    %dma_start3A_27 = arith.constant 0 : i32
    %dma_start3A_28 = arith.constant 0 : i32
    %dma_start3A_29 = tpu.memref_slice %arg2[%dma_start3A_27, %dma_start3A_28] : memref<10240x64xf32, #tpu.memory_space<hbm>> -> memref<10240x64xf32, #tpu.memory_space<hbm>>
    tpu.enqueue_indirect_dma source(%dma_start3A_29 : memref<10240x64xf32, #tpu.memory_space<hbm>>) target(%dma_start3A_23 : memref<80x64xf32, #tpu.memory_space<vmem>>) offsets(%dma_start3A_26 : memref<80xi32, #tpu.memory_space<vmem>>) semaphore(%arg12 : memref<!tpu.dma_semaphore, #tpu.memory_space<semaphore_mem>>)
    %dma_start3A_30 = arith.constant 2 : i32
    %dma_start3A_31 = arith.constant 2 : i32
    %dma_start3A_32 = arith.constant 0 : i32
    %dma_start3A_33 = arith.constant 0 : i32
    %dma_start3A_34 = tpu.memref_slice %arg10[%dma_start3A_31, %dma_start3A_32, %dma_start3A_33] : memref<5x80x64xf32, #tpu.memory_space<vmem>> -> memref<1x80x64xf32, #tpu.memory_space<vmem>>
    %dma_start3A_35 = tpu.memref_squeeze %dma_start3A_34 : memref<1x80x64xf32, #tpu.memory_space<vmem>> -> memref<80x64xf32, #tpu.memory_space<vmem>>
    %dma_start3A_36 = arith.constant 0 : i32
    %dma_start3A_37 = tpu.memref_slice %arg8[%dma_start3A_30, %dma_start3A_36] : memref<125x80xi32, #tpu.memory_space<vmem>> -> memref<1x80xi32, #tpu.memory_space<vmem>>
    %dma_start3A_38 = tpu.memref_squeeze %dma_start3A_37 : memref<1x80xi32, #tpu.memory_space<vmem>> -> memref<80xi32, #tpu.memory_space<vmem>>
    %dma_start3A_39 = arith.constant 0 : i32
    %dma_start3A_40 = arith.constant 0 : i32
    %dma_start3A_41 = tpu.memref_slice %arg2[%dma_start3A_39, %dma_start3A_40] : memref<10240x64xf32, #tpu.memory_space<hbm>> -> memref<10240x64xf32, #tpu.memory_space<hbm>>
    tpu.enqueue_indirect_dma source(%dma_start3A_41 : memref<10240x64xf32, #tpu.memory_space<hbm>>) target(%dma_start3A_35 : memref<80x64xf32, #tpu.memory_space<vmem>>) offsets(%dma_start3A_38 : memref<80xi32, #tpu.memory_space<vmem>>) semaphore(%arg13 : memref<!tpu.dma_semaphore, #tpu.memory_space<semaphore_mem>>)
    %dma_start3A_42 = arith.constant 3 : i32
    %dma_start3A_43 = arith.constant 3 : i32
    %dma_start3A_44 = arith.constant 0 : i32
    %dma_start3A_45 = arith.constant 0 : i32
    %dma_start3A_46 = tpu.memref_slice %arg10[%dma_start3A_43, %dma_start3A_44, %dma_start3A_45] : memref<5x80x64xf32, #tpu.memory_space<vmem>> -> memref<1x80x64xf32, #tpu.memory_space<vmem>>
    %dma_start3A_47 = tpu.memref_squeeze %dma_start3A_46 : memref<1x80x64xf32, #tpu.memory_space<vmem>> -> memref<80x64xf32, #tpu.memory_space<vmem>>
    %dma_start3A_48 = arith.constant 0 : i32
    %dma_start3A_49 = tpu.memref_slice %arg8[%dma_start3A_42, %dma_start3A_48] : memref<125x80xi32, #tpu.memory_space<vmem>> -> memref<1x80xi32, #tpu.memory_space<vmem>>
    %dma_start3A_50 = tpu.memref_squeeze %dma_start3A_49 : memref<1x80xi32, #tpu.memory_space<vmem>> -> memref<80xi32, #tpu.memory_space<vmem>>
    %dma_start3A_51 = arith.constant 0 : i32
    %dma_start3A_52 = arith.constant 0 : i32
    %dma_start3A_53 = tpu.memref_slice %arg2[%dma_start3A_51, %dma_start3A_52] : memref<10240x64xf32, #tpu.memory_space<hbm>> -> memref<10240x64xf32, #tpu.memory_space<hbm>>
    tpu.enqueue_indirect_dma source(%dma_start3A_53 : memref<10240x64xf32, #tpu.memory_space<hbm>>) target(%dma_start3A_47 : memref<80x64xf32, #tpu.memory_space<vmem>>) offsets(%dma_start3A_50 : memref<80xi32, #tpu.memory_space<vmem>>) semaphore(%arg14 : memref<!tpu.dma_semaphore, #tpu.memory_space<semaphore_mem>>)
    %dma_start3A_54 = arith.constant 4 : i32
    %dma_start3A_55 = arith.constant 4 : i32
    %dma_start3A_56 = arith.constant 0 : i32
    %dma_start3A_57 = arith.constant 0 : i32
    %dma_start3A_58 = tpu.memref_slice %arg10[%dma_start3A_55, %dma_start3A_56, %dma_start3A_57] : memref<5x80x64xf32, #tpu.memory_space<vmem>> -> memref<1x80x64xf32, #tpu.memory_space<vmem>>
    %dma_start3A_59 = tpu.memref_squeeze %dma_start3A_58 : memref<1x80x64xf32, #tpu.memory_space<vmem>> -> memref<80x64xf32, #tpu.memory_space<vmem>>
    %dma_start3A_60 = arith.constant 0 : i32
    %dma_start3A_61 = tpu.memref_slice %arg8[%dma_start3A_54, %dma_start3A_60] : memref<125x80xi32, #tpu.memory_space<vmem>> -> memref<1x80xi32, #tpu.memory_space<vmem>>
    %dma_start3A_62 = tpu.memref_squeeze %dma_start3A_61 : memref<1x80xi32, #tpu.memory_space<vmem>> -> memref<80xi32, #tpu.memory_space<vmem>>
    %dma_start3A_63 = arith.constant 0 : i32
    %dma_start3A_64 = arith.constant 0 : i32
    %dma_start3A_65 = tpu.memref_slice %arg2[%dma_start3A_63, %dma_start3A_64] : memref<10240x64xf32, #tpu.memory_space<hbm>> -> memref<10240x64xf32, #tpu.memory_space<hbm>>
    tpu.enqueue_indirect_dma source(%dma_start3A_65 : memref<10240x64xf32, #tpu.memory_space<hbm>>) target(%dma_start3A_59 : memref<80x64xf32, #tpu.memory_space<vmem>>) offsets(%dma_start3A_62 : memref<80xi32, #tpu.memory_space<vmem>>) semaphore(%arg15 : memref<!tpu.dma_semaphore, #tpu.memory_space<semaphore_mem>>)
    %scan3A = arith.constant 0 : i32
    %scan3A_66 = arith.constant 0 : i32
    %scan3A_67 = arith.constant 25 : i32
    %scan3A_68 = arith.addi %scan3A_66, %scan3A_67 : i32
    %scan3A_69 = arith.constant 1 : i32
    scf.for %scan3A_135 = %scan3A_66 to %scan3A_68 step %scan3A_69  : i32 {
      %mul3A_136 = arith.constant 5 : i32
      %mul3A_137 = arith.muli %scan3A_135, %mul3A_136 : i32
      %add3A_138 = arith.constant 0 : i32
      %add3A_139 = arith.addi %mul3A_137, %add3A_138 : i32
      %dma_wait3A_140 = arith.constant 0 : i32
      %dma_wait3A_141 = arith.constant 0 : i32
      %dma_wait3A_142 = arith.constant 0 : i32
      %dma_wait3A_143 = tpu.memref_slice %arg10[%dma_wait3A_140, %dma_wait3A_141, %dma_wait3A_142] : memref<5x80x64xf32, #tpu.memory_space<vmem>> -> memref<1x80x64xf32, #tpu.memory_space<vmem>>
      %dma_wait3A_144 = tpu.memref_squeeze %dma_wait3A_143 : memref<1x80x64xf32, #tpu.memory_space<vmem>> -> memref<80x64xf32, #tpu.memory_space<vmem>>
      %dma_wait3A_145 = arith.constant 0 : i32
      %dma_wait3A_146 = tpu.memref_slice %arg8[%add3A_139, %dma_wait3A_145] : memref<125x80xi32, #tpu.memory_space<vmem>> -> memref<1x80xi32, #tpu.memory_space<vmem>>
      %dma_wait3A_147 = tpu.memref_squeeze %dma_wait3A_146 : memref<1x80xi32, #tpu.memory_space<vmem>> -> memref<80xi32, #tpu.memory_space<vmem>>
      %dma_wait3A_148 = arith.constant 0 : i32
      %dma_wait3A_149 = arith.constant 0 : i32
      %dma_wait3A_150 = tpu.memref_slice %arg2[%dma_wait3A_148, %dma_wait3A_149] : memref<10240x64xf32, #tpu.memory_space<hbm>> -> memref<10240x64xf32, #tpu.memory_space<hbm>>
      tpu.wait_indirect_dma semaphore(%arg11 : memref<!tpu.dma_semaphore, #tpu.memory_space<semaphore_mem>>) src(%dma_wait3A_150 : memref<10240x64xf32, #tpu.memory_space<hbm>>) dst(%dma_wait3A_144 : memref<80x64xf32, #tpu.memory_space<vmem>>)
      %dma_start3A_151 = arith.constant 0 : i32
      %dma_start3A_152 = arith.constant 0 : i32
      %dma_start3A_153 = arith.constant 0 : i32
      %dma_start3A_154 = tpu.memref_slice %arg10[%dma_start3A_151, %dma_start3A_152, %dma_start3A_153] : memref<5x80x64xf32, #tpu.memory_space<vmem>> -> memref<1x80x64xf32, #tpu.memory_space<vmem>>
      %dma_start3A_155 = tpu.memref_squeeze %dma_start3A_154 : memref<1x80x64xf32, #tpu.memory_space<vmem>> -> memref<80x64xf32, #tpu.memory_space<vmem>>
      %dma_start3A_156 = arith.constant 0 : i32
      %dma_start3A_157 = tpu.memref_slice %arg9[%add3A_139, %dma_start3A_156] : memref<125x80xi32, #tpu.memory_space<vmem>> -> memref<1x80xi32, #tpu.memory_space<vmem>>
      %dma_start3A_158 = tpu.memref_squeeze %dma_start3A_157 : memref<1x80xi32, #tpu.memory_space<vmem>> -> memref<80xi32, #tpu.memory_space<vmem>>
      %dma_start3A_159 = arith.constant 0 : i32
      %dma_start3A_160 = arith.constant 0 : i32
      %dma_start3A_161 = tpu.memref_slice %arg7[%dma_start3A_159, %dma_start3A_160] : memref<10240x64xf32, #tpu.memory_space<vmem_shared>> -> memref<10240x64xf32, #tpu.memory_space<vmem_shared>>
      tpu.enqueue_indirect_dma source(%dma_start3A_155 : memref<80x64xf32, #tpu.memory_space<vmem>>) target(%dma_start3A_161 : memref<10240x64xf32, #tpu.memory_space<vmem_shared>>) offsets(%dma_start3A_158 : memref<80xi32, #tpu.memory_space<vmem>>) semaphore(%arg16 : memref<!tpu.dma_semaphore, #tpu.memory_space<semaphore_mem>>) {add = true}
      %lt3A = arith.constant 24 : i32
      %lt3A_162 = arith.cmpi slt, %scan3A_135, %lt3A : i32
      %convert_element_type3A_163 = arith.extui %lt3A_162 : i1 to i32
      %cond3A_164 = arith.constant 0 : i32
      %cond3A_165 = arith.cmpi ne, %convert_element_type3A_163, %cond3A_164 : i32
      scf.if %cond3A_165 {
        %dma_wait3A_290 = arith.constant 0 : i32
        %dma_wait3A_291 = arith.constant 0 : i32
        %dma_wait3A_292 = arith.constant 0 : i32
        %dma_wait3A_293 = tpu.memref_slice %arg10[%dma_wait3A_290, %dma_wait3A_291, %dma_wait3A_292] : memref<5x80x64xf32, #tpu.memory_space<vmem>> -> memref<1x80x64xf32, #tpu.memory_space<vmem>>
        %dma_wait3A_294 = tpu.memref_squeeze %dma_wait3A_293 : memref<1x80x64xf32, #tpu.memory_space<vmem>> -> memref<80x64xf32, #tpu.memory_space<vmem>>
        %dma_wait3A_295 = arith.constant 0 : i32
        %dma_wait3A_296 = tpu.memref_slice %arg9[%add3A_139, %dma_wait3A_295] : memref<125x80xi32, #tpu.memory_space<vmem>> -> memref<1x80xi32, #tpu.memory_space<vmem>>
        %dma_wait3A_297 = tpu.memref_squeeze %dma_wait3A_296 : memref<1x80xi32, #tpu.memory_space<vmem>> -> memref<80xi32, #tpu.memory_space<vmem>>
        %dma_wait3A_298 = arith.constant 0 : i32
        %dma_wait3A_299 = arith.constant 0 : i32
        %dma_wait3A_300 = tpu.memref_slice %arg7[%dma_wait3A_298, %dma_wait3A_299] : memref<10240x64xf32, #tpu.memory_space<vmem_shared>> -> memref<10240x64xf32, #tpu.memory_space<vmem_shared>>
        tpu.wait_indirect_dma semaphore(%arg16 : memref<!tpu.dma_semaphore, #tpu.memory_space<semaphore_mem>>) src(%dma_wait3A_294 : memref<80x64xf32, #tpu.memory_space<vmem>>) dst(%dma_wait3A_300 : memref<10240x64xf32, #tpu.memory_space<vmem_shared>>)
        %add3A_301 = arith.constant 5 : i32
        %add3A_302 = arith.addi %add3A_139, %add3A_301 : i32
        %dma_start3A_303 = arith.constant 0 : i32
        %dma_start3A_304 = arith.constant 0 : i32
        %dma_start3A_305 = arith.constant 0 : i32
        %dma_start3A_306 = tpu.memref_slice %arg10[%dma_start3A_303, %dma_start3A_304, %dma_start3A_305] : memref<5x80x64xf32, #tpu.memory_space<vmem>> -> memref<1x80x64xf32, #tpu.memory_space<vmem>>
        %dma_start3A_307 = tpu.memref_squeeze %dma_start3A_306 : memref<1x80x64xf32, #tpu.memory_space<vmem>> -> memref<80x64xf32, #tpu.memory_space<vmem>>
        %dma_start3A_308 = arith.constant 0 : i32
        %dma_start3A_309 = tpu.memref_slice %arg8[%add3A_302, %dma_start3A_308] : memref<125x80xi32, #tpu.memory_space<vmem>> -> memref<1x80xi32, #tpu.memory_space<vmem>>
        %dma_start3A_310 = tpu.memref_squeeze %dma_start3A_309 : memref<1x80xi32, #tpu.memory_space<vmem>> -> memref<80xi32, #tpu.memory_space<vmem>>
        %dma_start3A_311 = arith.constant 0 : i32
        %dma_start3A_312 = arith.constant 0 : i32
        %dma_start3A_313 = tpu.memref_slice %arg2[%dma_start3A_311, %dma_start3A_312] : memref<10240x64xf32, #tpu.memory_space<hbm>> -> memref<10240x64xf32, #tpu.memory_space<hbm>>
        tpu.enqueue_indirect_dma source(%dma_start3A_313 : memref<10240x64xf32, #tpu.memory_space<hbm>>) target(%dma_start3A_307 : memref<80x64xf32, #tpu.memory_space<vmem>>) offsets(%dma_start3A_310 : memref<80xi32, #tpu.memory_space<vmem>>) semaphore(%arg11 : memref<!tpu.dma_semaphore, #tpu.memory_space<semaphore_mem>>)
      } else {
      }
      %mul3A_166 = arith.constant 5 : i32
      %mul3A_167 = arith.muli %scan3A_135, %mul3A_166 : i32
      %add3A_168 = arith.constant 1 : i32
      %add3A_169 = arith.addi %mul3A_167, %add3A_168 : i32
      %dma_wait3A_170 = arith.constant 1 : i32
      %dma_wait3A_171 = arith.constant 0 : i32
      %dma_wait3A_172 = arith.constant 0 : i32
      %dma_wait3A_173 = tpu.memref_slice %arg10[%dma_wait3A_170, %dma_wait3A_171, %dma_wait3A_172] : memref<5x80x64xf32, #tpu.memory_space<vmem>> -> memref<1x80x64xf32, #tpu.memory_space<vmem>>
      %dma_wait3A_174 = tpu.memref_squeeze %dma_wait3A_173 : memref<1x80x64xf32, #tpu.memory_space<vmem>> -> memref<80x64xf32, #tpu.memory_space<vmem>>
      %dma_wait3A_175 = arith.constant 0 : i32
      %dma_wait3A_176 = tpu.memref_slice %arg8[%add3A_169, %dma_wait3A_175] : memref<125x80xi32, #tpu.memory_space<vmem>> -> memref<1x80xi32, #tpu.memory_space<vmem>>
      %dma_wait3A_177 = tpu.memref_squeeze %dma_wait3A_176 : memref<1x80xi32, #tpu.memory_space<vmem>> -> memref<80xi32, #tpu.memory_space<vmem>>
      %dma_wait3A_178 = arith.constant 0 : i32
      %dma_wait3A_179 = arith.constant 0 : i32
      %dma_wait3A_180 = tpu.memref_slice %arg2[%dma_wait3A_178, %dma_wait3A_179] : memref<10240x64xf32, #tpu.memory_space<hbm>> -> memref<10240x64xf32, #tpu.memory_space<hbm>>
      tpu.wait_indirect_dma semaphore(%arg12 : memref<!tpu.dma_semaphore, #tpu.memory_space<semaphore_mem>>) src(%dma_wait3A_180 : memref<10240x64xf32, #tpu.memory_space<hbm>>) dst(%dma_wait3A_174 : memref<80x64xf32, #tpu.memory_space<vmem>>)
      %dma_start3A_181 = arith.constant 1 : i32
      %dma_start3A_182 = arith.constant 0 : i32
      %dma_start3A_183 = arith.constant 0 : i32
      %dma_start3A_184 = tpu.memref_slice %arg10[%dma_start3A_181, %dma_start3A_182, %dma_start3A_183] : memref<5x80x64xf32, #tpu.memory_space<vmem>> -> memref<1x80x64xf32, #tpu.memory_space<vmem>>
      %dma_start3A_185 = tpu.memref_squeeze %dma_start3A_184 : memref<1x80x64xf32, #tpu.memory_space<vmem>> -> memref<80x64xf32, #tpu.memory_space<vmem>>
      %dma_start3A_186 = arith.constant 0 : i32
      %dma_start3A_187 = tpu.memref_slice %arg9[%add3A_169, %dma_start3A_186] : memref<125x80xi32, #tpu.memory_space<vmem>> -> memref<1x80xi32, #tpu.memory_space<vmem>>
      %dma_start3A_188 = tpu.memref_squeeze %dma_start3A_187 : memref<1x80xi32, #tpu.memory_space<vmem>> -> memref<80xi32, #tpu.memory_space<vmem>>
      %dma_start3A_189 = arith.constant 0 : i32
      %dma_start3A_190 = arith.constant 0 : i32
      %dma_start3A_191 = tpu.memref_slice %arg7[%dma_start3A_189, %dma_start3A_190] : memref<10240x64xf32, #tpu.memory_space<vmem_shared>> -> memref<10240x64xf32, #tpu.memory_space<vmem_shared>>
      tpu.enqueue_indirect_dma source(%dma_start3A_185 : memref<80x64xf32, #tpu.memory_space<vmem>>) target(%dma_start3A_191 : memref<10240x64xf32, #tpu.memory_space<vmem_shared>>) offsets(%dma_start3A_188 : memref<80xi32, #tpu.memory_space<vmem>>) semaphore(%arg17 : memref<!tpu.dma_semaphore, #tpu.memory_space<semaphore_mem>>) {add = true}
      %lt3A_192 = arith.constant 24 : i32
      %lt3A_193 = arith.cmpi slt, %scan3A_135, %lt3A_192 : i32
      %convert_element_type3A_194 = arith.extui %lt3A_193 : i1 to i32
      %cond3A_195 = arith.constant 0 : i32
      %cond3A_196 = arith.cmpi ne, %convert_element_type3A_194, %cond3A_195 : i32
      scf.if %cond3A_196 {
        %dma_wait3A_290 = arith.constant 1 : i32
        %dma_wait3A_291 = arith.constant 0 : i32
        %dma_wait3A_292 = arith.constant 0 : i32
        %dma_wait3A_293 = tpu.memref_slice %arg10[%dma_wait3A_290, %dma_wait3A_291, %dma_wait3A_292] : memref<5x80x64xf32, #tpu.memory_space<vmem>> -> memref<1x80x64xf32, #tpu.memory_space<vmem>>
        %dma_wait3A_294 = tpu.memref_squeeze %dma_wait3A_293 : memref<1x80x64xf32, #tpu.memory_space<vmem>> -> memref<80x64xf32, #tpu.memory_space<vmem>>
        %dma_wait3A_295 = arith.constant 0 : i32
        %dma_wait3A_296 = tpu.memref_slice %arg9[%add3A_169, %dma_wait3A_295] : memref<125x80xi32, #tpu.memory_space<vmem>> -> memref<1x80xi32, #tpu.memory_space<vmem>>
        %dma_wait3A_297 = tpu.memref_squeeze %dma_wait3A_296 : memref<1x80xi32, #tpu.memory_space<vmem>> -> memref<80xi32, #tpu.memory_space<vmem>>
        %dma_wait3A_298 = arith.constant 0 : i32
        %dma_wait3A_299 = arith.constant 0 : i32
        %dma_wait3A_300 = tpu.memref_slice %arg7[%dma_wait3A_298, %dma_wait3A_299] : memref<10240x64xf32, #tpu.memory_space<vmem_shared>> -> memref<10240x64xf32, #tpu.memory_space<vmem_shared>>
        tpu.wait_indirect_dma semaphore(%arg17 : memref<!tpu.dma_semaphore, #tpu.memory_space<semaphore_mem>>) src(%dma_wait3A_294 : memref<80x64xf32, #tpu.memory_space<vmem>>) dst(%dma_wait3A_300 : memref<10240x64xf32, #tpu.memory_space<vmem_shared>>)
        %add3A_301 = arith.constant 5 : i32
        %add3A_302 = arith.addi %add3A_169, %add3A_301 : i32
        %dma_start3A_303 = arith.constant 1 : i32
        %dma_start3A_304 = arith.constant 0 : i32
        %dma_start3A_305 = arith.constant 0 : i32
        %dma_start3A_306 = tpu.memref_slice %arg10[%dma_start3A_303, %dma_start3A_304, %dma_start3A_305] : memref<5x80x64xf32, #tpu.memory_space<vmem>> -> memref<1x80x64xf32, #tpu.memory_space<vmem>>
        %dma_start3A_307 = tpu.memref_squeeze %dma_start3A_306 : memref<1x80x64xf32, #tpu.memory_space<vmem>> -> memref<80x64xf32, #tpu.memory_space<vmem>>
        %dma_start3A_308 = arith.constant 0 : i32
        %dma_start3A_309 = tpu.memref_slice %arg8[%add3A_302, %dma_start3A_308] : memref<125x80xi32, #tpu.memory_space<vmem>> -> memref<1x80xi32, #tpu.memory_space<vmem>>
        %dma_start3A_310 = tpu.memref_squeeze %dma_start3A_309 : memref<1x80xi32, #tpu.memory_space<vmem>> -> memref<80xi32, #tpu.memory_space<vmem>>
        %dma_start3A_311 = arith.constant 0 : i32
        %dma_start3A_312 = arith.constant 0 : i32
        %dma_start3A_313 = tpu.memref_slice %arg2[%dma_start3A_311, %dma_start3A_312] : memref<10240x64xf32, #tpu.memory_space<hbm>> -> memref<10240x64xf32, #tpu.memory_space<hbm>>
        tpu.enqueue_indirect_dma source(%dma_start3A_313 : memref<10240x64xf32, #tpu.memory_space<hbm>>) target(%dma_start3A_307 : memref<80x64xf32, #tpu.memory_space<vmem>>) offsets(%dma_start3A_310 : memref<80xi32, #tpu.memory_space<vmem>>) semaphore(%arg12 : memref<!tpu.dma_semaphore, #tpu.memory_space<semaphore_mem>>)
      } else {
      }
      %mul3A_197 = arith.constant 5 : i32
      %mul3A_198 = arith.muli %scan3A_135, %mul3A_197 : i32
      %add3A_199 = arith.constant 2 : i32
      %add3A_200 = arith.addi %mul3A_198, %add3A_199 : i32
      %dma_wait3A_201 = arith.constant 2 : i32
      %dma_wait3A_202 = arith.constant 0 : i32
      %dma_wait3A_203 = arith.constant 0 : i32
      %dma_wait3A_204 = tpu.memref_slice %arg10[%dma_wait3A_201, %dma_wait3A_202, %dma_wait3A_203] : memref<5x80x64xf32, #tpu.memory_space<vmem>> -> memref<1x80x64xf32, #tpu.memory_space<vmem>>
      %dma_wait3A_205 = tpu.memref_squeeze %dma_wait3A_204 : memref<1x80x64xf32, #tpu.memory_space<vmem>> -> memref<80x64xf32, #tpu.memory_space<vmem>>
      %dma_wait3A_206 = arith.constant 0 : i32
      %dma_wait3A_207 = tpu.memref_slice %arg8[%add3A_200, %dma_wait3A_206] : memref<125x80xi32, #tpu.memory_space<vmem>> -> memref<1x80xi32, #tpu.memory_space<vmem>>
      %dma_wait3A_208 = tpu.memref_squeeze %dma_wait3A_207 : memref<1x80xi32, #tpu.memory_space<vmem>> -> memref<80xi32, #tpu.memory_space<vmem>>
      %dma_wait3A_209 = arith.constant 0 : i32
      %dma_wait3A_210 = arith.constant 0 : i32
      %dma_wait3A_211 = tpu.memref_slice %arg2[%dma_wait3A_209, %dma_wait3A_210] : memref<10240x64xf32, #tpu.memory_space<hbm>> -> memref<10240x64xf32, #tpu.memory_space<hbm>>
      tpu.wait_indirect_dma semaphore(%arg13 : memref<!tpu.dma_semaphore, #tpu.memory_space<semaphore_mem>>) src(%dma_wait3A_211 : memref<10240x64xf32, #tpu.memory_space<hbm>>) dst(%dma_wait3A_205 : memref<80x64xf32, #tpu.memory_space<vmem>>)
      %dma_start3A_212 = arith.constant 2 : i32
      %dma_start3A_213 = arith.constant 0 : i32
      %dma_start3A_214 = arith.constant 0 : i32
      %dma_start3A_215 = tpu.memref_slice %arg10[%dma_start3A_212, %dma_start3A_213, %dma_start3A_214] : memref<5x80x64xf32, #tpu.memory_space<vmem>> -> memref<1x80x64xf32, #tpu.memory_space<vmem>>
      %dma_start3A_216 = tpu.memref_squeeze %dma_start3A_215 : memref<1x80x64xf32, #tpu.memory_space<vmem>> -> memref<80x64xf32, #tpu.memory_space<vmem>>
      %dma_start3A_217 = arith.constant 0 : i32
      %dma_start3A_218 = tpu.memref_slice %arg9[%add3A_200, %dma_start3A_217] : memref<125x80xi32, #tpu.memory_space<vmem>> -> memref<1x80xi32, #tpu.memory_space<vmem>>
      %dma_start3A_219 = tpu.memref_squeeze %dma_start3A_218 : memref<1x80xi32, #tpu.memory_space<vmem>> -> memref<80xi32, #tpu.memory_space<vmem>>
      %dma_start3A_220 = arith.constant 0 : i32
      %dma_start3A_221 = arith.constant 0 : i32
      %dma_start3A_222 = tpu.memref_slice %arg7[%dma_start3A_220, %dma_start3A_221] : memref<10240x64xf32, #tpu.memory_space<vmem_shared>> -> memref<10240x64xf32, #tpu.memory_space<vmem_shared>>
      tpu.enqueue_indirect_dma source(%dma_start3A_216 : memref<80x64xf32, #tpu.memory_space<vmem>>) target(%dma_start3A_222 : memref<10240x64xf32, #tpu.memory_space<vmem_shared>>) offsets(%dma_start3A_219 : memref<80xi32, #tpu.memory_space<vmem>>) semaphore(%arg18 : memref<!tpu.dma_semaphore, #tpu.memory_space<semaphore_mem>>) {add = true}
      %lt3A_223 = arith.constant 24 : i32
      %lt3A_224 = arith.cmpi slt, %scan3A_135, %lt3A_223 : i32
      %convert_element_type3A_225 = arith.extui %lt3A_224 : i1 to i32
      %cond3A_226 = arith.constant 0 : i32
      %cond3A_227 = arith.cmpi ne, %convert_element_type3A_225, %cond3A_226 : i32
      scf.if %cond3A_227 {
        %dma_wait3A_290 = arith.constant 2 : i32
        %dma_wait3A_291 = arith.constant 0 : i32
        %dma_wait3A_292 = arith.constant 0 : i32
        %dma_wait3A_293 = tpu.memref_slice %arg10[%dma_wait3A_290, %dma_wait3A_291, %dma_wait3A_292] : memref<5x80x64xf32, #tpu.memory_space<vmem>> -> memref<1x80x64xf32, #tpu.memory_space<vmem>>
        %dma_wait3A_294 = tpu.memref_squeeze %dma_wait3A_293 : memref<1x80x64xf32, #tpu.memory_space<vmem>> -> memref<80x64xf32, #tpu.memory_space<vmem>>
        %dma_wait3A_295 = arith.constant 0 : i32
        %dma_wait3A_296 = tpu.memref_slice %arg9[%add3A_200, %dma_wait3A_295] : memref<125x80xi32, #tpu.memory_space<vmem>> -> memref<1x80xi32, #tpu.memory_space<vmem>>
        %dma_wait3A_297 = tpu.memref_squeeze %dma_wait3A_296 : memref<1x80xi32, #tpu.memory_space<vmem>> -> memref<80xi32, #tpu.memory_space<vmem>>
        %dma_wait3A_298 = arith.constant 0 : i32
        %dma_wait3A_299 = arith.constant 0 : i32
        %dma_wait3A_300 = tpu.memref_slice %arg7[%dma_wait3A_298, %dma_wait3A_299] : memref<10240x64xf32, #tpu.memory_space<vmem_shared>> -> memref<10240x64xf32, #tpu.memory_space<vmem_shared>>
        tpu.wait_indirect_dma semaphore(%arg18 : memref<!tpu.dma_semaphore, #tpu.memory_space<semaphore_mem>>) src(%dma_wait3A_294 : memref<80x64xf32, #tpu.memory_space<vmem>>) dst(%dma_wait3A_300 : memref<10240x64xf32, #tpu.memory_space<vmem_shared>>)
        %add3A_301 = arith.constant 5 : i32
        %add3A_302 = arith.addi %add3A_200, %add3A_301 : i32
        %dma_start3A_303 = arith.constant 2 : i32
        %dma_start3A_304 = arith.constant 0 : i32
        %dma_start3A_305 = arith.constant 0 : i32
        %dma_start3A_306 = tpu.memref_slice %arg10[%dma_start3A_303, %dma_start3A_304, %dma_start3A_305] : memref<5x80x64xf32, #tpu.memory_space<vmem>> -> memref<1x80x64xf32, #tpu.memory_space<vmem>>
        %dma_start3A_307 = tpu.memref_squeeze %dma_start3A_306 : memref<1x80x64xf32, #tpu.memory_space<vmem>> -> memref<80x64xf32, #tpu.memory_space<vmem>>
        %dma_start3A_308 = arith.constant 0 : i32
        %dma_start3A_309 = tpu.memref_slice %arg8[%add3A_302, %dma_start3A_308] : memref<125x80xi32, #tpu.memory_space<vmem>> -> memref<1x80xi32, #tpu.memory_space<vmem>>
        %dma_start3A_310 = tpu.memref_squeeze %dma_start3A_309 : memref<1x80xi32, #tpu.memory_space<vmem>> -> memref<80xi32, #tpu.memory_space<vmem>>
        %dma_start3A_311 = arith.constant 0 : i32
        %dma_start3A_312 = arith.constant 0 : i32
        %dma_start3A_313 = tpu.memref_slice %arg2[%dma_start3A_311, %dma_start3A_312] : memref<10240x64xf32, #tpu.memory_space<hbm>> -> memref<10240x64xf32, #tpu.memory_space<hbm>>
        tpu.enqueue_indirect_dma source(%dma_start3A_313 : memref<10240x64xf32, #tpu.memory_space<hbm>>) target(%dma_start3A_307 : memref<80x64xf32, #tpu.memory_space<vmem>>) offsets(%dma_start3A_310 : memref<80xi32, #tpu.memory_space<vmem>>) semaphore(%arg13 : memref<!tpu.dma_semaphore, #tpu.memory_space<semaphore_mem>>)
      } else {
      }
      %mul3A_228 = arith.constant 5 : i32
      %mul3A_229 = arith.muli %scan3A_135, %mul3A_228 : i32
      %add3A_230 = arith.constant 3 : i32
      %add3A_231 = arith.addi %mul3A_229, %add3A_230 : i32
      %dma_wait3A_232 = arith.constant 3 : i32
      %dma_wait3A_233 = arith.constant 0 : i32
      %dma_wait3A_234 = arith.constant 0 : i32
      %dma_wait3A_235 = tpu.memref_slice %arg10[%dma_wait3A_232, %dma_wait3A_233, %dma_wait3A_234] : memref<5x80x64xf32, #tpu.memory_space<vmem>> -> memref<1x80x64xf32, #tpu.memory_space<vmem>>
      %dma_wait3A_236 = tpu.memref_squeeze %dma_wait3A_235 : memref<1x80x64xf32, #tpu.memory_space<vmem>> -> memref<80x64xf32, #tpu.memory_space<vmem>>
      %dma_wait3A_237 = arith.constant 0 : i32
      %dma_wait3A_238 = tpu.memref_slice %arg8[%add3A_231, %dma_wait3A_237] : memref<125x80xi32, #tpu.memory_space<vmem>> -> memref<1x80xi32, #tpu.memory_space<vmem>>
      %dma_wait3A_239 = tpu.memref_squeeze %dma_wait3A_238 : memref<1x80xi32, #tpu.memory_space<vmem>> -> memref<80xi32, #tpu.memory_space<vmem>>
      %dma_wait3A_240 = arith.constant 0 : i32
      %dma_wait3A_241 = arith.constant 0 : i32
      %dma_wait3A_242 = tpu.memref_slice %arg2[%dma_wait3A_240, %dma_wait3A_241] : memref<10240x64xf32, #tpu.memory_space<hbm>> -> memref<10240x64xf32, #tpu.memory_space<hbm>>
      tpu.wait_indirect_dma semaphore(%arg14 : memref<!tpu.dma_semaphore, #tpu.memory_space<semaphore_mem>>) src(%dma_wait3A_242 : memref<10240x64xf32, #tpu.memory_space<hbm>>) dst(%dma_wait3A_236 : memref<80x64xf32, #tpu.memory_space<vmem>>)
      %dma_start3A_243 = arith.constant 3 : i32
      %dma_start3A_244 = arith.constant 0 : i32
      %dma_start3A_245 = arith.constant 0 : i32
      %dma_start3A_246 = tpu.memref_slice %arg10[%dma_start3A_243, %dma_start3A_244, %dma_start3A_245] : memref<5x80x64xf32, #tpu.memory_space<vmem>> -> memref<1x80x64xf32, #tpu.memory_space<vmem>>
      %dma_start3A_247 = tpu.memref_squeeze %dma_start3A_246 : memref<1x80x64xf32, #tpu.memory_space<vmem>> -> memref<80x64xf32, #tpu.memory_space<vmem>>
      %dma_start3A_248 = arith.constant 0 : i32
      %dma_start3A_249 = tpu.memref_slice %arg9[%add3A_231, %dma_start3A_248] : memref<125x80xi32, #tpu.memory_space<vmem>> -> memref<1x80xi32, #tpu.memory_space<vmem>>
      %dma_start3A_250 = tpu.memref_squeeze %dma_start3A_249 : memref<1x80xi32, #tpu.memory_space<vmem>> -> memref<80xi32, #tpu.memory_space<vmem>>
      %dma_start3A_251 = arith.constant 0 : i32
      %dma_start3A_252 = arith.constant 0 : i32
      %dma_start3A_253 = tpu.memref_slice %arg7[%dma_start3A_251, %dma_start3A_252] : memref<10240x64xf32, #tpu.memory_space<vmem_shared>> -> memref<10240x64xf32, #tpu.memory_space<vmem_shared>>
      tpu.enqueue_indirect_dma source(%dma_start3A_247 : memref<80x64xf32, #tpu.memory_space<vmem>>) target(%dma_start3A_253 : memref<10240x64xf32, #tpu.memory_space<vmem_shared>>) offsets(%dma_start3A_250 : memref<80xi32, #tpu.memory_space<vmem>>) semaphore(%arg19 : memref<!tpu.dma_semaphore, #tpu.memory_space<semaphore_mem>>) {add = true}
      %lt3A_254 = arith.constant 24 : i32
      %lt3A_255 = arith.cmpi slt, %scan3A_135, %lt3A_254 : i32
      %convert_element_type3A_256 = arith.extui %lt3A_255 : i1 to i32
      %cond3A_257 = arith.constant 0 : i32
      %cond3A_258 = arith.cmpi ne, %convert_element_type3A_256, %cond3A_257 : i32
      scf.if %cond3A_258 {
        %dma_wait3A_290 = arith.constant 3 : i32
        %dma_wait3A_291 = arith.constant 0 : i32
        %dma_wait3A_292 = arith.constant 0 : i32
        %dma_wait3A_293 = tpu.memref_slice %arg10[%dma_wait3A_290, %dma_wait3A_291, %dma_wait3A_292] : memref<5x80x64xf32, #tpu.memory_space<vmem>> -> memref<1x80x64xf32, #tpu.memory_space<vmem>>
        %dma_wait3A_294 = tpu.memref_squeeze %dma_wait3A_293 : memref<1x80x64xf32, #tpu.memory_space<vmem>> -> memref<80x64xf32, #tpu.memory_space<vmem>>
        %dma_wait3A_295 = arith.constant 0 : i32
        %dma_wait3A_296 = tpu.memref_slice %arg9[%add3A_231, %dma_wait3A_295] : memref<125x80xi32, #tpu.memory_space<vmem>> -> memref<1x80xi32, #tpu.memory_space<vmem>>
        %dma_wait3A_297 = tpu.memref_squeeze %dma_wait3A_296 : memref<1x80xi32, #tpu.memory_space<vmem>> -> memref<80xi32, #tpu.memory_space<vmem>>
        %dma_wait3A_298 = arith.constant 0 : i32
        %dma_wait3A_299 = arith.constant 0 : i32
        %dma_wait3A_300 = tpu.memref_slice %arg7[%dma_wait3A_298, %dma_wait3A_299] : memref<10240x64xf32, #tpu.memory_space<vmem_shared>> -> memref<10240x64xf32, #tpu.memory_space<vmem_shared>>
        tpu.wait_indirect_dma semaphore(%arg19 : memref<!tpu.dma_semaphore, #tpu.memory_space<semaphore_mem>>) src(%dma_wait3A_294 : memref<80x64xf32, #tpu.memory_space<vmem>>) dst(%dma_wait3A_300 : memref<10240x64xf32, #tpu.memory_space<vmem_shared>>)
        %add3A_301 = arith.constant 5 : i32
        %add3A_302 = arith.addi %add3A_231, %add3A_301 : i32
        %dma_start3A_303 = arith.constant 3 : i32
        %dma_start3A_304 = arith.constant 0 : i32
        %dma_start3A_305 = arith.constant 0 : i32
        %dma_start3A_306 = tpu.memref_slice %arg10[%dma_start3A_303, %dma_start3A_304, %dma_start3A_305] : memref<5x80x64xf32, #tpu.memory_space<vmem>> -> memref<1x80x64xf32, #tpu.memory_space<vmem>>
        %dma_start3A_307 = tpu.memref_squeeze %dma_start3A_306 : memref<1x80x64xf32, #tpu.memory_space<vmem>> -> memref<80x64xf32, #tpu.memory_space<vmem>>
        %dma_start3A_308 = arith.constant 0 : i32
        %dma_start3A_309 = tpu.memref_slice %arg8[%add3A_302, %dma_start3A_308] : memref<125x80xi32, #tpu.memory_space<vmem>> -> memref<1x80xi32, #tpu.memory_space<vmem>>
        %dma_start3A_310 = tpu.memref_squeeze %dma_start3A_309 : memref<1x80xi32, #tpu.memory_space<vmem>> -> memref<80xi32, #tpu.memory_space<vmem>>
        %dma_start3A_311 = arith.constant 0 : i32
        %dma_start3A_312 = arith.constant 0 : i32
        %dma_start3A_313 = tpu.memref_slice %arg2[%dma_start3A_311, %dma_start3A_312] : memref<10240x64xf32, #tpu.memory_space<hbm>> -> memref<10240x64xf32, #tpu.memory_space<hbm>>
        tpu.enqueue_indirect_dma source(%dma_start3A_313 : memref<10240x64xf32, #tpu.memory_space<hbm>>) target(%dma_start3A_307 : memref<80x64xf32, #tpu.memory_space<vmem>>) offsets(%dma_start3A_310 : memref<80xi32, #tpu.memory_space<vmem>>) semaphore(%arg14 : memref<!tpu.dma_semaphore, #tpu.memory_space<semaphore_mem>>)
      } else {
      }
      %mul3A_259 = arith.constant 5 : i32
      %mul3A_260 = arith.muli %scan3A_135, %mul3A_259 : i32
      %add3A_261 = arith.constant 4 : i32
      %add3A_262 = arith.addi %mul3A_260, %add3A_261 : i32
      %dma_wait3A_263 = arith.constant 4 : i32
      %dma_wait3A_264 = arith.constant 0 : i32
      %dma_wait3A_265 = arith.constant 0 : i32
      %dma_wait3A_266 = tpu.memref_slice %arg10[%dma_wait3A_263, %dma_wait3A_264, %dma_wait3A_265] : memref<5x80x64xf32, #tpu.memory_space<vmem>> -> memref<1x80x64xf32, #tpu.memory_space<vmem>>
      %dma_wait3A_267 = tpu.memref_squeeze %dma_wait3A_266 : memref<1x80x64xf32, #tpu.memory_space<vmem>> -> memref<80x64xf32, #tpu.memory_space<vmem>>
      %dma_wait3A_268 = arith.constant 0 : i32
      %dma_wait3A_269 = tpu.memref_slice %arg8[%add3A_262, %dma_wait3A_268] : memref<125x80xi32, #tpu.memory_space<vmem>> -> memref<1x80xi32, #tpu.memory_space<vmem>>
      %dma_wait3A_270 = tpu.memref_squeeze %dma_wait3A_269 : memref<1x80xi32, #tpu.memory_space<vmem>> -> memref<80xi32, #tpu.memory_space<vmem>>
      %dma_wait3A_271 = arith.constant 0 : i32
      %dma_wait3A_272 = arith.constant 0 : i32
      %dma_wait3A_273 = tpu.memref_slice %arg2[%dma_wait3A_271, %dma_wait3A_272] : memref<10240x64xf32, #tpu.memory_space<hbm>> -> memref<10240x64xf32, #tpu.memory_space<hbm>>
      tpu.wait_indirect_dma semaphore(%arg15 : memref<!tpu.dma_semaphore, #tpu.memory_space<semaphore_mem>>) src(%dma_wait3A_273 : memref<10240x64xf32, #tpu.memory_space<hbm>>) dst(%dma_wait3A_267 : memref<80x64xf32, #tpu.memory_space<vmem>>)
      %dma_start3A_274 = arith.constant 4 : i32
      %dma_start3A_275 = arith.constant 0 : i32
      %dma_start3A_276 = arith.constant 0 : i32
      %dma_start3A_277 = tpu.memref_slice %arg10[%dma_start3A_274, %dma_start3A_275, %dma_start3A_276] : memref<5x80x64xf32, #tpu.memory_space<vmem>> -> memref<1x80x64xf32, #tpu.memory_space<vmem>>
      %dma_start3A_278 = tpu.memref_squeeze %dma_start3A_277 : memref<1x80x64xf32, #tpu.memory_space<vmem>> -> memref<80x64xf32, #tpu.memory_space<vmem>>
      %dma_start3A_279 = arith.constant 0 : i32
      %dma_start3A_280 = tpu.memref_slice %arg9[%add3A_262, %dma_start3A_279] : memref<125x80xi32, #tpu.memory_space<vmem>> -> memref<1x80xi32, #tpu.memory_space<vmem>>
      %dma_start3A_281 = tpu.memref_squeeze %dma_start3A_280 : memref<1x80xi32, #tpu.memory_space<vmem>> -> memref<80xi32, #tpu.memory_space<vmem>>
      %dma_start3A_282 = arith.constant 0 : i32
      %dma_start3A_283 = arith.constant 0 : i32
      %dma_start3A_284 = tpu.memref_slice %arg7[%dma_start3A_282, %dma_start3A_283] : memref<10240x64xf32, #tpu.memory_space<vmem_shared>> -> memref<10240x64xf32, #tpu.memory_space<vmem_shared>>
      tpu.enqueue_indirect_dma source(%dma_start3A_278 : memref<80x64xf32, #tpu.memory_space<vmem>>) target(%dma_start3A_284 : memref<10240x64xf32, #tpu.memory_space<vmem_shared>>) offsets(%dma_start3A_281 : memref<80xi32, #tpu.memory_space<vmem>>) semaphore(%arg20 : memref<!tpu.dma_semaphore, #tpu.memory_space<semaphore_mem>>) {add = true}
      %lt3A_285 = arith.constant 24 : i32
      %lt3A_286 = arith.cmpi slt, %scan3A_135, %lt3A_285 : i32
      %convert_element_type3A_287 = arith.extui %lt3A_286 : i1 to i32
      %cond3A_288 = arith.constant 0 : i32
      %cond3A_289 = arith.cmpi ne, %convert_element_type3A_287, %cond3A_288 : i32
      scf.if %cond3A_289 {
        %dma_wait3A_290 = arith.constant 4 : i32
        %dma_wait3A_291 = arith.constant 0 : i32
        %dma_wait3A_292 = arith.constant 0 : i32
        %dma_wait3A_293 = tpu.memref_slice %arg10[%dma_wait3A_290, %dma_wait3A_291, %dma_wait3A_292] : memref<5x80x64xf32, #tpu.memory_space<vmem>> -> memref<1x80x64xf32, #tpu.memory_space<vmem>>
        %dma_wait3A_294 = tpu.memref_squeeze %dma_wait3A_293 : memref<1x80x64xf32, #tpu.memory_space<vmem>> -> memref<80x64xf32, #tpu.memory_space<vmem>>
        %dma_wait3A_295 = arith.constant 0 : i32
        %dma_wait3A_296 = tpu.memref_slice %arg9[%add3A_262, %dma_wait3A_295] : memref<125x80xi32, #tpu.memory_space<vmem>> -> memref<1x80xi32, #tpu.memory_space<vmem>>
        %dma_wait3A_297 = tpu.memref_squeeze %dma_wait3A_296 : memref<1x80xi32, #tpu.memory_space<vmem>> -> memref<80xi32, #tpu.memory_space<vmem>>
        %dma_wait3A_298 = arith.constant 0 : i32
        %dma_wait3A_299 = arith.constant 0 : i32
        %dma_wait3A_300 = tpu.memref_slice %arg7[%dma_wait3A_298, %dma_wait3A_299] : memref<10240x64xf32, #tpu.memory_space<vmem_shared>> -> memref<10240x64xf32, #tpu.memory_space<vmem_shared>>
        tpu.wait_indirect_dma semaphore(%arg20 : memref<!tpu.dma_semaphore, #tpu.memory_space<semaphore_mem>>) src(%dma_wait3A_294 : memref<80x64xf32, #tpu.memory_space<vmem>>) dst(%dma_wait3A_300 : memref<10240x64xf32, #tpu.memory_space<vmem_shared>>)
        %add3A_301 = arith.constant 5 : i32
        %add3A_302 = arith.addi %add3A_262, %add3A_301 : i32
        %dma_start3A_303 = arith.constant 4 : i32
        %dma_start3A_304 = arith.constant 0 : i32
        %dma_start3A_305 = arith.constant 0 : i32
        %dma_start3A_306 = tpu.memref_slice %arg10[%dma_start3A_303, %dma_start3A_304, %dma_start3A_305] : memref<5x80x64xf32, #tpu.memory_space<vmem>> -> memref<1x80x64xf32, #tpu.memory_space<vmem>>
        %dma_start3A_307 = tpu.memref_squeeze %dma_start3A_306 : memref<1x80x64xf32, #tpu.memory_space<vmem>> -> memref<80x64xf32, #tpu.memory_space<vmem>>
        %dma_start3A_308 = arith.constant 0 : i32
        %dma_start3A_309 = tpu.memref_slice %arg8[%add3A_302, %dma_start3A_308] : memref<125x80xi32, #tpu.memory_space<vmem>> -> memref<1x80xi32, #tpu.memory_space<vmem>>
        %dma_start3A_310 = tpu.memref_squeeze %dma_start3A_309 : memref<1x80xi32, #tpu.memory_space<vmem>> -> memref<80xi32, #tpu.memory_space<vmem>>
        %dma_start3A_311 = arith.constant 0 : i32
        %dma_start3A_312 = arith.constant 0 : i32
        %dma_start3A_313 = tpu.memref_slice %arg2[%dma_start3A_311, %dma_start3A_312] : memref<10240x64xf32, #tpu.memory_space<hbm>> -> memref<10240x64xf32, #tpu.memory_space<hbm>>
        tpu.enqueue_indirect_dma source(%dma_start3A_313 : memref<10240x64xf32, #tpu.memory_space<hbm>>) target(%dma_start3A_307 : memref<80x64xf32, #tpu.memory_space<vmem>>) offsets(%dma_start3A_310 : memref<80xi32, #tpu.memory_space<vmem>>) semaphore(%arg15 : memref<!tpu.dma_semaphore, #tpu.memory_space<semaphore_mem>>)
      } else {
      }
    }
    %scan3A_70 = arith.constant 25 : i32
    %dma_wait3A = arith.constant 0 : i32
    %dma_wait3A_71 = arith.constant 120 : i32
    %dma_wait3A_72 = arith.constant 0 : i32
    %dma_wait3A_73 = arith.constant 0 : i32
    %dma_wait3A_74 = tpu.memref_slice %arg10[%dma_wait3A, %dma_wait3A_72, %dma_wait3A_73] : memref<5x80x64xf32, #tpu.memory_space<vmem>> -> memref<1x80x64xf32, #tpu.memory_space<vmem>>
    %dma_wait3A_75 = tpu.memref_squeeze %dma_wait3A_74 : memref<1x80x64xf32, #tpu.memory_space<vmem>> -> memref<80x64xf32, #tpu.memory_space<vmem>>
    %dma_wait3A_76 = arith.constant 0 : i32
    %dma_wait3A_77 = tpu.memref_slice %arg9[%dma_wait3A_71, %dma_wait3A_76] : memref<125x80xi32, #tpu.memory_space<vmem>> -> memref<1x80xi32, #tpu.memory_space<vmem>>
    %dma_wait3A_78 = tpu.memref_squeeze %dma_wait3A_77 : memref<1x80xi32, #tpu.memory_space<vmem>> -> memref<80xi32, #tpu.memory_space<vmem>>
    %dma_wait3A_79 = arith.constant 0 : i32
    %dma_wait3A_80 = arith.constant 0 : i32
    %dma_wait3A_81 = tpu.memref_slice %arg7[%dma_wait3A_79, %dma_wait3A_80] : memref<10240x64xf32, #tpu.memory_space<vmem_shared>> -> memref<10240x64xf32, #tpu.memory_space<vmem_shared>>
    tpu.wait_indirect_dma semaphore(%arg16 : memref<!tpu.dma_semaphore, #tpu.memory_space<semaphore_mem>>) src(%dma_wait3A_75 : memref<80x64xf32, #tpu.memory_space<vmem>>) dst(%dma_wait3A_81 : memref<10240x64xf32, #tpu.memory_space<vmem_shared>>)
    %dma_wait3A_82 = arith.constant 1 : i32
    %dma_wait3A_83 = arith.constant 121 : i32
    %dma_wait3A_84 = arith.constant 0 : i32
    %dma_wait3A_85 = arith.constant 0 : i32
    %dma_wait3A_86 = tpu.memref_slice %arg10[%dma_wait3A_82, %dma_wait3A_84, %dma_wait3A_85] : memref<5x80x64xf32, #tpu.memory_space<vmem>> -> memref<1x80x64xf32, #tpu.memory_space<vmem>>
    %dma_wait3A_87 = tpu.memref_squeeze %dma_wait3A_86 : memref<1x80x64xf32, #tpu.memory_space<vmem>> -> memref<80x64xf32, #tpu.memory_space<vmem>>
    %dma_wait3A_88 = arith.constant 0 : i32
    %dma_wait3A_89 = tpu.memref_slice %arg9[%dma_wait3A_83, %dma_wait3A_88] : memref<125x80xi32, #tpu.memory_space<vmem>> -> memref<1x80xi32, #tpu.memory_space<vmem>>
    %dma_wait3A_90 = tpu.memref_squeeze %dma_wait3A_89 : memref<1x80xi32, #tpu.memory_space<vmem>> -> memref<80xi32, #tpu.memory_space<vmem>>
    %dma_wait3A_91 = arith.constant 0 : i32
    %dma_wait3A_92 = arith.constant 0 : i32
    %dma_wait3A_93 = tpu.memref_slice %arg7[%dma_wait3A_91, %dma_wait3A_92] : memref<10240x64xf32, #tpu.memory_space<vmem_shared>> -> memref<10240x64xf32, #tpu.memory_space<vmem_shared>>
    tpu.wait_indirect_dma semaphore(%arg17 : memref<!tpu.dma_semaphore, #tpu.memory_space<semaphore_mem>>) src(%dma_wait3A_87 : memref<80x64xf32, #tpu.memory_space<vmem>>) dst(%dma_wait3A_93 : memref<10240x64xf32, #tpu.memory_space<vmem_shared>>)
    %dma_wait3A_94 = arith.constant 2 : i32
    %dma_wait3A_95 = arith.constant 122 : i32
    %dma_wait3A_96 = arith.constant 0 : i32
    %dma_wait3A_97 = arith.constant 0 : i32
    %dma_wait3A_98 = tpu.memref_slice %arg10[%dma_wait3A_94, %dma_wait3A_96, %dma_wait3A_97] : memref<5x80x64xf32, #tpu.memory_space<vmem>> -> memref<1x80x64xf32, #tpu.memory_space<vmem>>
    %dma_wait3A_99 = tpu.memref_squeeze %dma_wait3A_98 : memref<1x80x64xf32, #tpu.memory_space<vmem>> -> memref<80x64xf32, #tpu.memory_space<vmem>>
    %dma_wait3A_100 = arith.constant 0 : i32
    %dma_wait3A_101 = tpu.memref_slice %arg9[%dma_wait3A_95, %dma_wait3A_100] : memref<125x80xi32, #tpu.memory_space<vmem>> -> memref<1x80xi32, #tpu.memory_space<vmem>>
    %dma_wait3A_102 = tpu.memref_squeeze %dma_wait3A_101 : memref<1x80xi32, #tpu.memory_space<vmem>> -> memref<80xi32, #tpu.memory_space<vmem>>
    %dma_wait3A_103 = arith.constant 0 : i32
    %dma_wait3A_104 = arith.constant 0 : i32
    %dma_wait3A_105 = tpu.memref_slice %arg7[%dma_wait3A_103, %dma_wait3A_104] : memref<10240x64xf32, #tpu.memory_space<vmem_shared>> -> memref<10240x64xf32, #tpu.memory_space<vmem_shared>>
    tpu.wait_indirect_dma semaphore(%arg18 : memref<!tpu.dma_semaphore, #tpu.memory_space<semaphore_mem>>) src(%dma_wait3A_99 : memref<80x64xf32, #tpu.memory_space<vmem>>) dst(%dma_wait3A_105 : memref<10240x64xf32, #tpu.memory_space<vmem_shared>>)
    %dma_wait3A_106 = arith.constant 3 : i32
    %dma_wait3A_107 = arith.constant 123 : i32
    %dma_wait3A_108 = arith.constant 0 : i32
    %dma_wait3A_109 = arith.constant 0 : i32
    %dma_wait3A_110 = tpu.memref_slice %arg10[%dma_wait3A_106, %dma_wait3A_108, %dma_wait3A_109] : memref<5x80x64xf32, #tpu.memory_space<vmem>> -> memref<1x80x64xf32, #tpu.memory_space<vmem>>
    %dma_wait3A_111 = tpu.memref_squeeze %dma_wait3A_110 : memref<1x80x64xf32, #tpu.memory_space<vmem>> -> memref<80x64xf32, #tpu.memory_space<vmem>>
    %dma_wait3A_112 = arith.constant 0 : i32
    %dma_wait3A_113 = tpu.memref_slice %arg9[%dma_wait3A_107, %dma_wait3A_112] : memref<125x80xi32, #tpu.memory_space<vmem>> -> memref<1x80xi32, #tpu.memory_space<vmem>>
    %dma_wait3A_114 = tpu.memref_squeeze %dma_wait3A_113 : memref<1x80xi32, #tpu.memory_space<vmem>> -> memref<80xi32, #tpu.memory_space<vmem>>
    %dma_wait3A_115 = arith.constant 0 : i32
    %dma_wait3A_116 = arith.constant 0 : i32
    %dma_wait3A_117 = tpu.memref_slice %arg7[%dma_wait3A_115, %dma_wait3A_116] : memref<10240x64xf32, #tpu.memory_space<vmem_shared>> -> memref<10240x64xf32, #tpu.memory_space<vmem_shared>>
    tpu.wait_indirect_dma semaphore(%arg19 : memref<!tpu.dma_semaphore, #tpu.memory_space<semaphore_mem>>) src(%dma_wait3A_111 : memref<80x64xf32, #tpu.memory_space<vmem>>) dst(%dma_wait3A_117 : memref<10240x64xf32, #tpu.memory_space<vmem_shared>>)
    %dma_wait3A_118 = arith.constant 4 : i32
    %dma_wait3A_119 = arith.constant 124 : i32
    %dma_wait3A_120 = arith.constant 0 : i32
    %dma_wait3A_121 = arith.constant 0 : i32
    %dma_wait3A_122 = tpu.memref_slice %arg10[%dma_wait3A_118, %dma_wait3A_120, %dma_wait3A_121] : memref<5x80x64xf32, #tpu.memory_space<vmem>> -> memref<1x80x64xf32, #tpu.memory_space<vmem>>
    %dma_wait3A_123 = tpu.memref_squeeze %dma_wait3A_122 : memref<1x80x64xf32, #tpu.memory_space<vmem>> -> memref<80x64xf32, #tpu.memory_space<vmem>>
    %dma_wait3A_124 = arith.constant 0 : i32
    %dma_wait3A_125 = tpu.memref_slice %arg9[%dma_wait3A_119, %dma_wait3A_124] : memref<125x80xi32, #tpu.memory_space<vmem>> -> memref<1x80xi32, #tpu.memory_space<vmem>>
    %dma_wait3A_126 = tpu.memref_squeeze %dma_wait3A_125 : memref<1x80xi32, #tpu.memory_space<vmem>> -> memref<80xi32, #tpu.memory_space<vmem>>
    %dma_wait3A_127 = arith.constant 0 : i32
    %dma_wait3A_128 = arith.constant 0 : i32
    %dma_wait3A_129 = tpu.memref_slice %arg7[%dma_wait3A_127, %dma_wait3A_128] : memref<10240x64xf32, #tpu.memory_space<vmem_shared>> -> memref<10240x64xf32, #tpu.memory_space<vmem_shared>>
    tpu.wait_indirect_dma semaphore(%arg20 : memref<!tpu.dma_semaphore, #tpu.memory_space<semaphore_mem>>) src(%dma_wait3A_123 : memref<80x64xf32, #tpu.memory_space<vmem>>) dst(%dma_wait3A_129 : memref<10240x64xf32, #tpu.memory_space<vmem_shared>>)
    %barrier3A_130 = arith.constant 0 : index
    tpu.barrier barrier_id(%barrier3A_130)
    %mul3A_131 = arith.constant 640 : i32
    %mul3A_132 = arith.muli %arg1, %mul3A_131 : i32
    %mul3A_133 = arith.constant 640 : i32
    %mul3A_134 = arith.muli %arg1, %mul3A_133 : i32
    "tpu.region"() ({
      %run_scoped3A = tpu.sem_alloc : memref<!tpu.dma_semaphore, #tpu.memory_space<semaphore_mem>>
      %dma_start3A_135 = arith.constant 0 : i32
      %dma_start3A_136 = arith.constant 0 : i32
      %dma_start3A_137 = tpu.memref_slice %arg6[%arg0, %dma_start3A_135, %dma_start3A_136] : memref<2x10240x64xf32, #tpu.memory_space<hbm>> -> memref<1x10240x64xf32, #tpu.memory_space<hbm>>
      %dma_start3A_138 = tpu.memref_squeeze %dma_start3A_137 : memref<1x10240x64xf32, #tpu.memory_space<hbm>> -> memref<10240x64xf32, #tpu.memory_space<hbm>>
      %dma_start3A_139 = arith.constant 0 : i32
      %dma_start3A_140 = tpu.memref_slice %dma_start3A_138[%mul3A_134, %dma_start3A_139] : memref<10240x64xf32, #tpu.memory_space<hbm>> -> memref<640x64xf32, #tpu.memory_space<hbm>>
      %dma_start3A_141 = arith.constant 0 : i32
      %dma_start3A_142 = tpu.memref_slice %arg7[%mul3A_132, %dma_start3A_141] : memref<10240x64xf32, #tpu.memory_space<vmem_shared>> -> memref<640x64xf32, #tpu.memory_space<vmem_shared>>
      tpu.enqueue_dma source(%dma_start3A_142 : memref<640x64xf32, #tpu.memory_space<vmem_shared>>) target(%dma_start3A_140 : memref<640x64xf32, #tpu.memory_space<hbm>>) target_semaphore(%run_scoped3A : memref<!tpu.dma_semaphore, #tpu.memory_space<semaphore_mem>>)
      %dma_wait3A_143 = arith.constant 0 : i32
      %dma_wait3A_144 = arith.constant 0 : i32
      %dma_wait3A_145 = tpu.memref_slice %arg6[%arg0, %dma_wait3A_143, %dma_wait3A_144] : memref<2x10240x64xf32, #tpu.memory_space<hbm>> -> memref<1x10240x64xf32, #tpu.memory_space<hbm>>
      %dma_wait3A_146 = tpu.memref_squeeze %dma_wait3A_145 : memref<1x10240x64xf32, #tpu.memory_space<hbm>> -> memref<10240x64xf32, #tpu.memory_space<hbm>>
      %dma_wait3A_147 = arith.constant 0 : i32
      %dma_wait3A_148 = tpu.memref_slice %dma_wait3A_146[%mul3A_134, %dma_wait3A_147] : memref<10240x64xf32, #tpu.memory_space<hbm>> -> memref<640x64xf32, #tpu.memory_space<hbm>>
      %dma_wait3A_149 = arith.constant 0 : i32
      %dma_wait3A_150 = tpu.memref_slice %arg7[%mul3A_132, %dma_wait3A_149] : memref<10240x64xf32, #tpu.memory_space<vmem_shared>> -> memref<640x64xf32, #tpu.memory_space<vmem_shared>>
      tpu.wait_dma2 semaphore(%run_scoped3A : memref<!tpu.dma_semaphore, #tpu.memory_space<semaphore_mem>>) src(%dma_wait3A_150 : memref<640x64xf32, #tpu.memory_space<vmem_shared>>) dst(%dma_wait3A_148 : memref<640x64xf32, #tpu.memory_space<hbm>>)
      tpu.yield
    }) : () -> ()
    return
  }
}

#map = affine_map<(d0, d1) -> (0, 0, 0)>
#map1 = affine_map<(d0, d1) -> (0)>
#map2 = affine_map<(d0, d1) -> (0, 0)>
module attributes {stable_mosaic.version = 14 : i64} {
  func.func @_deg_body(%arg0: i32, %arg1: i32, %arg2: memref<32x125x80xi32, #tpu.memory_space<hbm>>, %arg3: memref<80xf32, #tpu.memory_space<hbm>>, %arg4: memref<10240xf32, #tpu.memory_space<hbm>>, %arg5: memref<2x10240xf32, #tpu.memory_space<hbm>>, %arg6: memref<10240xf32, #tpu.memory_space<vmem_shared>>, %arg7: memref<125x80xi32, #tpu.memory_space<vmem>>, %arg8: memref<80xf32, #tpu.memory_space<vmem>>, %arg9: memref<!tpu.dma_semaphore, #tpu.memory_space<semaphore_mem>>) attributes {dimension_semantics = [#tpu.dimension_semantics<core_parallel>, #tpu.dimension_semantics<subcore_parallel>], iteration_bounds = array<i64: 2, 16>, scalar_prefetch = 0 : i64, scratch_operands = 4 : i64, tpu.core_type = #tpu.core_type<sc_vector_subcore>, window_params = [{transform_indices = #map}, {transform_indices = #map1}, {transform_indices = #map1}, {transform_indices = #map2}]} {
    %mul3A = arith.constant 16 : i32
    %mul3A_0 = arith.muli %arg0, %mul3A : i32
    %add3A = arith.addi %mul3A_0, %arg1 : i32
    %mul3A_1 = arith.constant 640 : i32
    %mul3A_2 = arith.muli %arg1, %mul3A_1 : i32
    %mul3A_3 = arith.constant 640 : i32
    %mul3A_4 = arith.muli %arg1, %mul3A_3 : i32
    "tpu.region"() ({
      %run_scoped3A = tpu.sem_alloc : memref<!tpu.dma_semaphore, #tpu.memory_space<semaphore_mem>>
      %dma_start3A = tpu.memref_slice %arg6[%mul3A_4] : memref<10240xf32, #tpu.memory_space<vmem_shared>> -> memref<640xf32, #tpu.memory_space<vmem_shared>>
      %dma_start3A_15 = tpu.memref_slice %arg4[%mul3A_2] : memref<10240xf32, #tpu.memory_space<hbm>> -> memref<640xf32, #tpu.memory_space<hbm>>
      tpu.enqueue_dma source(%dma_start3A_15 : memref<640xf32, #tpu.memory_space<hbm>>) target(%dma_start3A : memref<640xf32, #tpu.memory_space<vmem_shared>>) target_semaphore(%run_scoped3A : memref<!tpu.dma_semaphore, #tpu.memory_space<semaphore_mem>>)
      %dma_wait3A = tpu.memref_slice %arg6[%mul3A_4] : memref<10240xf32, #tpu.memory_space<vmem_shared>> -> memref<640xf32, #tpu.memory_space<vmem_shared>>
      %dma_wait3A_16 = tpu.memref_slice %arg4[%mul3A_2] : memref<10240xf32, #tpu.memory_space<hbm>> -> memref<640xf32, #tpu.memory_space<hbm>>
      tpu.wait_dma2 semaphore(%run_scoped3A : memref<!tpu.dma_semaphore, #tpu.memory_space<semaphore_mem>>) src(%dma_wait3A_16 : memref<640xf32, #tpu.memory_space<hbm>>) dst(%dma_wait3A : memref<640xf32, #tpu.memory_space<vmem_shared>>)
      tpu.yield
    }) : () -> ()
    "tpu.region"() ({
      %run_scoped3A = tpu.sem_alloc : memref<!tpu.dma_semaphore, #tpu.memory_space<semaphore_mem>>
      tpu.enqueue_dma source(%arg3 : memref<80xf32, #tpu.memory_space<hbm>>) target(%arg8 : memref<80xf32, #tpu.memory_space<vmem>>) target_semaphore(%run_scoped3A : memref<!tpu.dma_semaphore, #tpu.memory_space<semaphore_mem>>)
      tpu.wait_dma2 semaphore(%run_scoped3A : memref<!tpu.dma_semaphore, #tpu.memory_space<semaphore_mem>>) src(%arg3 : memref<80xf32, #tpu.memory_space<hbm>>) dst(%arg8 : memref<80xf32, #tpu.memory_space<vmem>>)
      tpu.yield
    }) : () -> ()
    "tpu.region"() ({
      %run_scoped3A = tpu.sem_alloc : memref<!tpu.dma_semaphore, #tpu.memory_space<semaphore_mem>>
      %dma_start3A = arith.constant 0 : i32
      %dma_start3A_15 = arith.constant 0 : i32
      %dma_start3A_16 = tpu.memref_slice %arg2[%add3A, %dma_start3A, %dma_start3A_15] : memref<32x125x80xi32, #tpu.memory_space<hbm>> -> memref<1x125x80xi32, #tpu.memory_space<hbm>>
      %dma_start3A_17 = tpu.memref_squeeze %dma_start3A_16 : memref<1x125x80xi32, #tpu.memory_space<hbm>> -> memref<125x80xi32, #tpu.memory_space<hbm>>
      %dma_start3A_18 = arith.constant 0 : i32
      %dma_start3A_19 = arith.constant 0 : i32
      %dma_start3A_20 = tpu.memref_slice %arg2[%add3A, %dma_start3A_18, %dma_start3A_19] : memref<32x125x80xi32, #tpu.memory_space<hbm>> -> memref<1x125x80xi32, #tpu.memory_space<hbm>>
      %dma_start3A_21 = tpu.memref_squeeze %dma_start3A_20 : memref<1x125x80xi32, #tpu.memory_space<hbm>> -> memref<125x80xi32, #tpu.memory_space<hbm>>
      tpu.enqueue_dma source(%dma_start3A_21 : memref<125x80xi32, #tpu.memory_space<hbm>>) target(%arg7 : memref<125x80xi32, #tpu.memory_space<vmem>>) target_semaphore(%run_scoped3A : memref<!tpu.dma_semaphore, #tpu.memory_space<semaphore_mem>>)
      %dma_wait3A = arith.constant 0 : i32
      %dma_wait3A_22 = arith.constant 0 : i32
      %dma_wait3A_23 = tpu.memref_slice %arg2[%add3A, %dma_wait3A, %dma_wait3A_22] : memref<32x125x80xi32, #tpu.memory_space<hbm>> -> memref<1x125x80xi32, #tpu.memory_space<hbm>>
      %dma_wait3A_24 = tpu.memref_squeeze %dma_wait3A_23 : memref<1x125x80xi32, #tpu.memory_space<hbm>> -> memref<125x80xi32, #tpu.memory_space<hbm>>
      %dma_wait3A_25 = arith.constant 0 : i32
      %dma_wait3A_26 = arith.constant 0 : i32
      %dma_wait3A_27 = tpu.memref_slice %arg2[%add3A, %dma_wait3A_25, %dma_wait3A_26] : memref<32x125x80xi32, #tpu.memory_space<hbm>> -> memref<1x125x80xi32, #tpu.memory_space<hbm>>
      %dma_wait3A_28 = tpu.memref_squeeze %dma_wait3A_27 : memref<1x125x80xi32, #tpu.memory_space<hbm>> -> memref<125x80xi32, #tpu.memory_space<hbm>>
      tpu.wait_dma2 semaphore(%run_scoped3A : memref<!tpu.dma_semaphore, #tpu.memory_space<semaphore_mem>>) src(%dma_wait3A_28 : memref<125x80xi32, #tpu.memory_space<hbm>>) dst(%arg7 : memref<125x80xi32, #tpu.memory_space<vmem>>)
      tpu.yield
    }) : () -> ()
    %barrier3A = arith.constant 0 : index
    tpu.barrier barrier_id(%barrier3A)
    %scan3A = arith.constant 0 : i32
    %scan3A_5 = arith.constant 0 : i32
    %scan3A_6 = arith.constant 125 : i32
    %scan3A_7 = arith.addi %scan3A_5, %scan3A_6 : i32
    %scan3A_8 = arith.constant 1 : i32
    scf.for %scan3A_15 = %scan3A_5 to %scan3A_7 step %scan3A_8  : i32 {
      "tpu.region"() ({
        %run_scoped3A = tpu.sem_alloc : memref<!tpu.dma_semaphore, #tpu.memory_space<semaphore_mem>>
        %dma_start3A = arith.constant 0 : i32
        %dma_start3A_16 = tpu.memref_slice %arg7[%scan3A_15, %dma_start3A] : memref<125x80xi32, #tpu.memory_space<vmem>> -> memref<1x80xi32, #tpu.memory_space<vmem>>
        %dma_start3A_17 = tpu.memref_squeeze %dma_start3A_16 : memref<1x80xi32, #tpu.memory_space<vmem>> -> memref<80xi32, #tpu.memory_space<vmem>>
        %dma_start3A_18 = arith.constant 0 : i32
        %dma_start3A_19 = tpu.memref_slice %arg6[%dma_start3A_18] : memref<10240xf32, #tpu.memory_space<vmem_shared>> -> memref<10240xf32, #tpu.memory_space<vmem_shared>>
        tpu.enqueue_indirect_dma source(%arg8 : memref<80xf32, #tpu.memory_space<vmem>>) target(%dma_start3A_19 : memref<10240xf32, #tpu.memory_space<vmem_shared>>) offsets(%dma_start3A_17 : memref<80xi32, #tpu.memory_space<vmem>>) semaphore(%run_scoped3A : memref<!tpu.dma_semaphore, #tpu.memory_space<semaphore_mem>>) {add = true}
        %dma_wait3A = arith.constant 0 : i32
        %dma_wait3A_20 = tpu.memref_slice %arg7[%scan3A_15, %dma_wait3A] : memref<125x80xi32, #tpu.memory_space<vmem>> -> memref<1x80xi32, #tpu.memory_space<vmem>>
        %dma_wait3A_21 = tpu.memref_squeeze %dma_wait3A_20 : memref<1x80xi32, #tpu.memory_space<vmem>> -> memref<80xi32, #tpu.memory_space<vmem>>
        %dma_wait3A_22 = arith.constant 0 : i32
        %dma_wait3A_23 = tpu.memref_slice %arg6[%dma_wait3A_22] : memref<10240xf32, #tpu.memory_space<vmem_shared>> -> memref<10240xf32, #tpu.memory_space<vmem_shared>>
        tpu.wait_indirect_dma semaphore(%run_scoped3A : memref<!tpu.dma_semaphore, #tpu.memory_space<semaphore_mem>>) src(%arg8 : memref<80xf32, #tpu.memory_space<vmem>>) dst(%dma_wait3A_23 : memref<10240xf32, #tpu.memory_space<vmem_shared>>)
        tpu.yield
      }) : () -> ()
    }
    %scan3A_9 = arith.constant 125 : i32
    %barrier3A_10 = arith.constant 0 : index
    tpu.barrier barrier_id(%barrier3A_10)
    %mul3A_11 = arith.constant 640 : i32
    %mul3A_12 = arith.muli %arg1, %mul3A_11 : i32
    %mul3A_13 = arith.constant 640 : i32
    %mul3A_14 = arith.muli %arg1, %mul3A_13 : i32
    "tpu.region"() ({
      %run_scoped3A = tpu.sem_alloc : memref<!tpu.dma_semaphore, #tpu.memory_space<semaphore_mem>>
      %dma_start3A = arith.constant 0 : i32
      %dma_start3A_15 = tpu.memref_slice %arg5[%arg0, %dma_start3A] : memref<2x10240xf32, #tpu.memory_space<hbm>> -> memref<1x10240xf32, #tpu.memory_space<hbm>>
      %dma_start3A_16 = tpu.memref_squeeze %dma_start3A_15 : memref<1x10240xf32, #tpu.memory_space<hbm>> -> memref<10240xf32, #tpu.memory_space<hbm>>
      %dma_start3A_17 = tpu.memref_slice %dma_start3A_16[%mul3A_14] : memref<10240xf32, #tpu.memory_space<hbm>> -> memref<640xf32, #tpu.memory_space<hbm>>
      %dma_start3A_18 = tpu.memref_slice %arg6[%mul3A_12] : memref<10240xf32, #tpu.memory_space<vmem_shared>> -> memref<640xf32, #tpu.memory_space<vmem_shared>>
      tpu.enqueue_dma source(%dma_start3A_18 : memref<640xf32, #tpu.memory_space<vmem_shared>>) target(%dma_start3A_17 : memref<640xf32, #tpu.memory_space<hbm>>) target_semaphore(%run_scoped3A : memref<!tpu.dma_semaphore, #tpu.memory_space<semaphore_mem>>)
      %dma_wait3A = arith.constant 0 : i32
      %dma_wait3A_19 = tpu.memref_slice %arg5[%arg0, %dma_wait3A] : memref<2x10240xf32, #tpu.memory_space<hbm>> -> memref<1x10240xf32, #tpu.memory_space<hbm>>
      %dma_wait3A_20 = tpu.memref_squeeze %dma_wait3A_19 : memref<1x10240xf32, #tpu.memory_space<hbm>> -> memref<10240xf32, #tpu.memory_space<hbm>>
      %dma_wait3A_21 = tpu.memref_slice %dma_wait3A_20[%mul3A_14] : memref<10240xf32, #tpu.memory_space<hbm>> -> memref<640xf32, #tpu.memory_space<hbm>>
      %dma_wait3A_22 = tpu.memref_slice %arg6[%mul3A_12] : memref<10240xf32, #tpu.memory_space<vmem_shared>> -> memref<640xf32, #tpu.memory_space<vmem_shared>>
      tpu.wait_dma2 semaphore(%run_scoped3A : memref<!tpu.dma_semaphore, #tpu.memory_space<semaphore_mem>>) src(%dma_wait3A_22 : memref<640xf32, #tpu.memory_space<vmem_shared>>) dst(%dma_wait3A_21 : memref<640xf32, #tpu.memory_space<hbm>>)
      tpu.yield
    }) : () -> ()
    return
  }
}

#map = affine_map<(d0, d1) -> (0, 0)>
#map1 = affine_map<(d0, d1) -> (0, 0, 0)>
module attributes {stable_mosaic.version = 14 : i64} {
  func.func @_scat_body(%arg0: i32, %arg1: i32, %arg2: memref<10240x64xf32, #tpu.memory_space<hbm>>, %arg3: memref<32x125x80xi32, #tpu.memory_space<hbm>>, %arg4: memref<32x125x80xi32, #tpu.memory_space<hbm>>, %arg5: memref<10240x64xf32, #tpu.memory_space<hbm>>, %arg6: memref<2x10240x64xf32, #tpu.memory_space<hbm>>, %arg7: memref<10240x64xf32, #tpu.memory_space<vmem_shared>>, %arg8: memref<125x80xi32, #tpu.memory_space<vmem>>, %arg9: memref<125x80xi32, #tpu.memory_space<vmem>>, %arg10: memref<5x80x64xf32, #tpu.memory_space<vmem>>, %arg11: memref<!tpu.dma_semaphore, #tpu.memory_space<semaphore_mem>>, %arg12: memref<!tpu.dma_semaphore, #tpu.memory_space<semaphore_mem>>, %arg13: memref<!tpu.dma_semaphore, #tpu.memory_space<semaphore_mem>>, %arg14: memref<!tpu.dma_semaphore, #tpu.memory_space<semaphore_mem>>, %arg15: memref<!tpu.dma_semaphore, #tpu.memory_space<semaphore_mem>>, %arg16: memref<!tpu.dma_semaphore, #tpu.memory_space<semaphore_mem>>, %arg17: memref<!tpu.dma_semaphore, #tpu.memory_space<semaphore_mem>>, %arg18: memref<!tpu.dma_semaphore, #tpu.memory_space<semaphore_mem>>, %arg19: memref<!tpu.dma_semaphore, #tpu.memory_space<semaphore_mem>>, %arg20: memref<!tpu.dma_semaphore, #tpu.memory_space<semaphore_mem>>) attributes {dimension_semantics = [#tpu.dimension_semantics<core_parallel>, #tpu.dimension_semantics<subcore_parallel>], iteration_bounds = array<i64: 2, 16>, scalar_prefetch = 0 : i64, scratch_operands = 14 : i64, tpu.core_type = #tpu.core_type<sc_vector_subcore>, window_params = [{transform_indices = #map}, {transform_indices = #map1}, {transform_indices = #map1}, {transform_indices = #map}, {transform_indices = #map1}]} {
    %mul3A = arith.constant 16 : i32
    %mul3A_0 = arith.muli %arg0, %mul3A : i32
    %add3A = arith.addi %mul3A_0, %arg1 : i32
    %eq3A = arith.constant 0 : i32
    %eq3A_1 = arith.cmpi eq, %arg0, %eq3A : i32
    %convert_element_type3A = arith.extui %eq3A_1 : i1 to i32
    %cond3A = arith.constant 0 : i32
    %cond3A_2 = arith.cmpi ne, %convert_element_type3A, %cond3A : i32
    scf.if %cond3A_2 {
      %mul3A_135 = arith.constant 640 : i32
      %mul3A_136 = arith.muli %arg1, %mul3A_135 : i32
      %mul3A_137 = arith.constant 640 : i32
      %mul3A_138 = arith.muli %arg1, %mul3A_137 : i32
      "tpu.region"() ({
        %run_scoped3A = tpu.sem_alloc : memref<!tpu.dma_semaphore, #tpu.memory_space<semaphore_mem>>
        %dma_start3A_139 = arith.constant 0 : i32
        %dma_start3A_140 = tpu.memref_slice %arg7[%mul3A_138, %dma_start3A_139] : memref<10240x64xf32, #tpu.memory_space<vmem_shared>> -> memref<640x64xf32, #tpu.memory_space<vmem_shared>>
        %dma_start3A_141 = arith.constant 0 : i32
        %dma_start3A_142 = tpu.memref_slice %arg2[%mul3A_136, %dma_start3A_141] : memref<10240x64xf32, #tpu.memory_space<hbm>> -> memref<640x64xf32, #tpu.memory_space<hbm>>
        tpu.enqueue_dma source(%dma_start3A_142 : memref<640x64xf32, #tpu.memory_space<hbm>>) target(%dma_start3A_140 : memref<640x64xf32, #tpu.memory_space<vmem_shared>>) target_semaphore(%run_scoped3A : memref<!tpu.dma_semaphore, #tpu.memory_space<semaphore_mem>>)
        %dma_wait3A_143 = arith.constant 0 : i32
        %dma_wait3A_144 = tpu.memref_slice %arg7[%mul3A_138, %dma_wait3A_143] : memref<10240x64xf32, #tpu.memory_space<vmem_shared>> -> memref<640x64xf32, #tpu.memory_space<vmem_shared>>
        %dma_wait3A_145 = arith.constant 0 : i32
        %dma_wait3A_146 = tpu.memref_slice %arg2[%mul3A_136, %dma_wait3A_145] : memref<10240x64xf32, #tpu.memory_space<hbm>> -> memref<640x64xf32, #tpu.memory_space<hbm>>
        tpu.wait_dma2 semaphore(%run_scoped3A : memref<!tpu.dma_semaphore, #tpu.memory_space<semaphore_mem>>) src(%dma_wait3A_146 : memref<640x64xf32, #tpu.memory_space<hbm>>) dst(%dma_wait3A_144 : memref<640x64xf32, #tpu.memory_space<vmem_shared>>)
        tpu.yield
      }) : () -> ()
    } else {
    }
    %ne3A = arith.constant 0 : i32
    %ne3A_3 = arith.cmpi ne, %arg0, %ne3A : i32
    %convert_element_type3A_4 = arith.extui %ne3A_3 : i1 to i32
    %cond3A_5 = arith.constant 0 : i32
    %cond3A_6 = arith.cmpi ne, %convert_element_type3A_4, %cond3A_5 : i32
    scf.if %cond3A_6 {
      %mul3A_135 = arith.constant 640 : i32
      %mul3A_136 = arith.muli %arg1, %mul3A_135 : i32
      %mul3A_137 = arith.constant 640 : i32
      %mul3A_138 = arith.muli %arg1, %mul3A_137 : i32
      "tpu.region"() ({
        %run_scoped3A = tpu.sem_alloc : memref<!tpu.dma_semaphore, #tpu.memory_space<semaphore_mem>>
        %dma_start3A_139 = arith.constant 0 : i32
        %dma_start3A_140 = tpu.memref_slice %arg7[%mul3A_138, %dma_start3A_139] : memref<10240x64xf32, #tpu.memory_space<vmem_shared>> -> memref<640x64xf32, #tpu.memory_space<vmem_shared>>
        %dma_start3A_141 = arith.constant 0 : i32
        %dma_start3A_142 = tpu.memref_slice %arg5[%mul3A_136, %dma_start3A_141] : memref<10240x64xf32, #tpu.memory_space<hbm>> -> memref<640x64xf32, #tpu.memory_space<hbm>>
        tpu.enqueue_dma source(%dma_start3A_142 : memref<640x64xf32, #tpu.memory_space<hbm>>) target(%dma_start3A_140 : memref<640x64xf32, #tpu.memory_space<vmem_shared>>) target_semaphore(%run_scoped3A : memref<!tpu.dma_semaphore, #tpu.memory_space<semaphore_mem>>)
        %dma_wait3A_143 = arith.constant 0 : i32
        %dma_wait3A_144 = tpu.memref_slice %arg7[%mul3A_138, %dma_wait3A_143] : memref<10240x64xf32, #tpu.memory_space<vmem_shared>> -> memref<640x64xf32, #tpu.memory_space<vmem_shared>>
        %dma_wait3A_145 = arith.constant 0 : i32
        %dma_wait3A_146 = tpu.memref_slice %arg5[%mul3A_136, %dma_wait3A_145] : memref<10240x64xf32, #tpu.memory_space<hbm>> -> memref<640x64xf32, #tpu.memory_space<hbm>>
        tpu.wait_dma2 semaphore(%run_scoped3A : memref<!tpu.dma_semaphore, #tpu.memory_space<semaphore_mem>>) src(%dma_wait3A_146 : memref<640x64xf32, #tpu.memory_space<hbm>>) dst(%dma_wait3A_144 : memref<640x64xf32, #tpu.memory_space<vmem_shared>>)
        tpu.yield
      }) : () -> ()
    } else {
    }
    "tpu.region"() ({
      %run_scoped3A = tpu.sem_alloc : memref<!tpu.dma_semaphore, #tpu.memory_space<semaphore_mem>>
      %dma_start3A_135 = arith.constant 0 : i32
      %dma_start3A_136 = arith.constant 0 : i32
      %dma_start3A_137 = tpu.memref_slice %arg3[%add3A, %dma_start3A_135, %dma_start3A_136] : memref<32x125x80xi32, #tpu.memory_space<hbm>> -> memref<1x125x80xi32, #tpu.memory_space<hbm>>
      %dma_start3A_138 = tpu.memref_squeeze %dma_start3A_137 : memref<1x125x80xi32, #tpu.memory_space<hbm>> -> memref<125x80xi32, #tpu.memory_space<hbm>>
      %dma_start3A_139 = arith.constant 0 : i32
      %dma_start3A_140 = arith.constant 0 : i32
      %dma_start3A_141 = tpu.memref_slice %arg3[%add3A, %dma_start3A_139, %dma_start3A_140] : memref<32x125x80xi32, #tpu.memory_space<hbm>> -> memref<1x125x80xi32, #tpu.memory_space<hbm>>
      %dma_start3A_142 = tpu.memref_squeeze %dma_start3A_141 : memref<1x125x80xi32, #tpu.memory_space<hbm>> -> memref<125x80xi32, #tpu.memory_space<hbm>>
      tpu.enqueue_dma source(%dma_start3A_142 : memref<125x80xi32, #tpu.memory_space<hbm>>) target(%arg8 : memref<125x80xi32, #tpu.memory_space<vmem>>) target_semaphore(%run_scoped3A : memref<!tpu.dma_semaphore, #tpu.memory_space<semaphore_mem>>)
      %dma_wait3A_143 = arith.constant 0 : i32
      %dma_wait3A_144 = arith.constant 0 : i32
      %dma_wait3A_145 = tpu.memref_slice %arg3[%add3A, %dma_wait3A_143, %dma_wait3A_144] : memref<32x125x80xi32, #tpu.memory_space<hbm>> -> memref<1x125x80xi32, #tpu.memory_space<hbm>>
      %dma_wait3A_146 = tpu.memref_squeeze %dma_wait3A_145 : memref<1x125x80xi32, #tpu.memory_space<hbm>> -> memref<125x80xi32, #tpu.memory_space<hbm>>
      %dma_wait3A_147 = arith.constant 0 : i32
      %dma_wait3A_148 = arith.constant 0 : i32
      %dma_wait3A_149 = tpu.memref_slice %arg3[%add3A, %dma_wait3A_147, %dma_wait3A_148] : memref<32x125x80xi32, #tpu.memory_space<hbm>> -> memref<1x125x80xi32, #tpu.memory_space<hbm>>
      %dma_wait3A_150 = tpu.memref_squeeze %dma_wait3A_149 : memref<1x125x80xi32, #tpu.memory_space<hbm>> -> memref<125x80xi32, #tpu.memory_space<hbm>>
      tpu.wait_dma2 semaphore(%run_scoped3A : memref<!tpu.dma_semaphore, #tpu.memory_space<semaphore_mem>>) src(%dma_wait3A_150 : memref<125x80xi32, #tpu.memory_space<hbm>>) dst(%arg8 : memref<125x80xi32, #tpu.memory_space<vmem>>)
      tpu.yield
    }) : () -> ()
    "tpu.region"() ({
      %run_scoped3A = tpu.sem_alloc : memref<!tpu.dma_semaphore, #tpu.memory_space<semaphore_mem>>
      %dma_start3A_135 = arith.constant 0 : i32
      %dma_start3A_136 = arith.constant 0 : i32
      %dma_start3A_137 = tpu.memref_slice %arg4[%add3A, %dma_start3A_135, %dma_start3A_136] : memref<32x125x80xi32, #tpu.memory_space<hbm>> -> memref<1x125x80xi32, #tpu.memory_space<hbm>>
      %dma_start3A_138 = tpu.memref_squeeze %dma_start3A_137 : memref<1x125x80xi32, #tpu.memory_space<hbm>> -> memref<125x80xi32, #tpu.memory_space<hbm>>
      %dma_start3A_139 = arith.constant 0 : i32
      %dma_start3A_140 = arith.constant 0 : i32
      %dma_start3A_141 = tpu.memref_slice %arg4[%add3A, %dma_start3A_139, %dma_start3A_140] : memref<32x125x80xi32, #tpu.memory_space<hbm>> -> memref<1x125x80xi32, #tpu.memory_space<hbm>>
      %dma_start3A_142 = tpu.memref_squeeze %dma_start3A_141 : memref<1x125x80xi32, #tpu.memory_space<hbm>> -> memref<125x80xi32, #tpu.memory_space<hbm>>
      tpu.enqueue_dma source(%dma_start3A_142 : memref<125x80xi32, #tpu.memory_space<hbm>>) target(%arg9 : memref<125x80xi32, #tpu.memory_space<vmem>>) target_semaphore(%run_scoped3A : memref<!tpu.dma_semaphore, #tpu.memory_space<semaphore_mem>>)
      %dma_wait3A_143 = arith.constant 0 : i32
      %dma_wait3A_144 = arith.constant 0 : i32
      %dma_wait3A_145 = tpu.memref_slice %arg4[%add3A, %dma_wait3A_143, %dma_wait3A_144] : memref<32x125x80xi32, #tpu.memory_space<hbm>> -> memref<1x125x80xi32, #tpu.memory_space<hbm>>
      %dma_wait3A_146 = tpu.memref_squeeze %dma_wait3A_145 : memref<1x125x80xi32, #tpu.memory_space<hbm>> -> memref<125x80xi32, #tpu.memory_space<hbm>>
      %dma_wait3A_147 = arith.constant 0 : i32
      %dma_wait3A_148 = arith.constant 0 : i32
      %dma_wait3A_149 = tpu.memref_slice %arg4[%add3A, %dma_wait3A_147, %dma_wait3A_148] : memref<32x125x80xi32, #tpu.memory_space<hbm>> -> memref<1x125x80xi32, #tpu.memory_space<hbm>>
      %dma_wait3A_150 = tpu.memref_squeeze %dma_wait3A_149 : memref<1x125x80xi32, #tpu.memory_space<hbm>> -> memref<125x80xi32, #tpu.memory_space<hbm>>
      tpu.wait_dma2 semaphore(%run_scoped3A : memref<!tpu.dma_semaphore, #tpu.memory_space<semaphore_mem>>) src(%dma_wait3A_150 : memref<125x80xi32, #tpu.memory_space<hbm>>) dst(%arg9 : memref<125x80xi32, #tpu.memory_space<vmem>>)
      tpu.yield
    }) : () -> ()
    %barrier3A = arith.constant 0 : index
    tpu.barrier barrier_id(%barrier3A)
    %dma_start3A = arith.constant 0 : i32
    %dma_start3A_7 = arith.constant 0 : i32
    %dma_start3A_8 = arith.constant 0 : i32
    %dma_start3A_9 = arith.constant 0 : i32
    %dma_start3A_10 = tpu.memref_slice %arg10[%dma_start3A_7, %dma_start3A_8, %dma_start3A_9] : memref<5x80x64xf32, #tpu.memory_space<vmem>> -> memref<1x80x64xf32, #tpu.memory_space<vmem>>
    %dma_start3A_11 = tpu.memref_squeeze %dma_start3A_10 : memref<1x80x64xf32, #tpu.memory_space<vmem>> -> memref<80x64xf32, #tpu.memory_space<vmem>>
    %dma_start3A_12 = arith.constant 0 : i32
    %dma_start3A_13 = tpu.memref_slice %arg8[%dma_start3A, %dma_start3A_12] : memref<125x80xi32, #tpu.memory_space<vmem>> -> memref<1x80xi32, #tpu.memory_space<vmem>>
    %dma_start3A_14 = tpu.memref_squeeze %dma_start3A_13 : memref<1x80xi32, #tpu.memory_space<vmem>> -> memref<80xi32, #tpu.memory_space<vmem>>
    %dma_start3A_15 = arith.constant 0 : i32
    %dma_start3A_16 = arith.constant 0 : i32
    %dma_start3A_17 = tpu.memref_slice %arg2[%dma_start3A_15, %dma_start3A_16] : memref<10240x64xf32, #tpu.memory_space<hbm>> -> memref<10240x64xf32, #tpu.memory_space<hbm>>
    tpu.enqueue_indirect_dma source(%dma_start3A_17 : memref<10240x64xf32, #tpu.memory_space<hbm>>) target(%dma_start3A_11 : memref<80x64xf32, #tpu.memory_space<vmem>>) offsets(%dma_start3A_14 : memref<80xi32, #tpu.memory_space<vmem>>) semaphore(%arg11 : memref<!tpu.dma_semaphore, #tpu.memory_space<semaphore_mem>>)
    %dma_start3A_18 = arith.constant 1 : i32
    %dma_start3A_19 = arith.constant 1 : i32
    %dma_start3A_20 = arith.constant 0 : i32
    %dma_start3A_21 = arith.constant 0 : i32
    %dma_start3A_22 = tpu.memref_slice %arg10[%dma_start3A_19, %dma_start3A_20, %dma_start3A_21] : memref<5x80x64xf32, #tpu.memory_space<vmem>> -> memref<1x80x64xf32, #tpu.memory_space<vmem>>
    %dma_start3A_23 = tpu.memref_squeeze %dma_start3A_22 : memref<1x80x64xf32, #tpu.memory_space<vmem>> -> memref<80x64xf32, #tpu.memory_space<vmem>>
    %dma_start3A_24 = arith.constant 0 : i32
    %dma_start3A_25 = tpu.memref_slice %arg8[%dma_start3A_18, %dma_start3A_24] : memref<125x80xi32, #tpu.memory_space<vmem>> -> memref<1x80xi32, #tpu.memory_space<vmem>>
    %dma_start3A_26 = tpu.memref_squeeze %dma_start3A_25 : memref<1x80xi32, #tpu.memory_space<vmem>> -> memref<80xi32, #tpu.memory_space<vmem>>
    %dma_start3A_27 = arith.constant 0 : i32
    %dma_start3A_28 = arith.constant 0 : i32
    %dma_start3A_29 = tpu.memref_slice %arg2[%dma_start3A_27, %dma_start3A_28] : memref<10240x64xf32, #tpu.memory_space<hbm>> -> memref<10240x64xf32, #tpu.memory_space<hbm>>
    tpu.enqueue_indirect_dma source(%dma_start3A_29 : memref<10240x64xf32, #tpu.memory_space<hbm>>) target(%dma_start3A_23 : memref<80x64xf32, #tpu.memory_space<vmem>>) offsets(%dma_start3A_26 : memref<80xi32, #tpu.memory_space<vmem>>) semaphore(%arg12 : memref<!tpu.dma_semaphore, #tpu.memory_space<semaphore_mem>>)
    %dma_start3A_30 = arith.constant 2 : i32
    %dma_start3A_31 = arith.constant 2 : i32
    %dma_start3A_32 = arith.constant 0 : i32
    %dma_start3A_33 = arith.constant 0 : i32
    %dma_start3A_34 = tpu.memref_slice %arg10[%dma_start3A_31, %dma_start3A_32, %dma_start3A_33] : memref<5x80x64xf32, #tpu.memory_space<vmem>> -> memref<1x80x64xf32, #tpu.memory_space<vmem>>
    %dma_start3A_35 = tpu.memref_squeeze %dma_start3A_34 : memref<1x80x64xf32, #tpu.memory_space<vmem>> -> memref<80x64xf32, #tpu.memory_space<vmem>>
    %dma_start3A_36 = arith.constant 0 : i32
    %dma_start3A_37 = tpu.memref_slice %arg8[%dma_start3A_30, %dma_start3A_36] : memref<125x80xi32, #tpu.memory_space<vmem>> -> memref<1x80xi32, #tpu.memory_space<vmem>>
    %dma_start3A_38 = tpu.memref_squeeze %dma_start3A_37 : memref<1x80xi32, #tpu.memory_space<vmem>> -> memref<80xi32, #tpu.memory_space<vmem>>
    %dma_start3A_39 = arith.constant 0 : i32
    %dma_start3A_40 = arith.constant 0 : i32
    %dma_start3A_41 = tpu.memref_slice %arg2[%dma_start3A_39, %dma_start3A_40] : memref<10240x64xf32, #tpu.memory_space<hbm>> -> memref<10240x64xf32, #tpu.memory_space<hbm>>
    tpu.enqueue_indirect_dma source(%dma_start3A_41 : memref<10240x64xf32, #tpu.memory_space<hbm>>) target(%dma_start3A_35 : memref<80x64xf32, #tpu.memory_space<vmem>>) offsets(%dma_start3A_38 : memref<80xi32, #tpu.memory_space<vmem>>) semaphore(%arg13 : memref<!tpu.dma_semaphore, #tpu.memory_space<semaphore_mem>>)
    %dma_start3A_42 = arith.constant 3 : i32
    %dma_start3A_43 = arith.constant 3 : i32
    %dma_start3A_44 = arith.constant 0 : i32
    %dma_start3A_45 = arith.constant 0 : i32
    %dma_start3A_46 = tpu.memref_slice %arg10[%dma_start3A_43, %dma_start3A_44, %dma_start3A_45] : memref<5x80x64xf32, #tpu.memory_space<vmem>> -> memref<1x80x64xf32, #tpu.memory_space<vmem>>
    %dma_start3A_47 = tpu.memref_squeeze %dma_start3A_46 : memref<1x80x64xf32, #tpu.memory_space<vmem>> -> memref<80x64xf32, #tpu.memory_space<vmem>>
    %dma_start3A_48 = arith.constant 0 : i32
    %dma_start3A_49 = tpu.memref_slice %arg8[%dma_start3A_42, %dma_start3A_48] : memref<125x80xi32, #tpu.memory_space<vmem>> -> memref<1x80xi32, #tpu.memory_space<vmem>>
    %dma_start3A_50 = tpu.memref_squeeze %dma_start3A_49 : memref<1x80xi32, #tpu.memory_space<vmem>> -> memref<80xi32, #tpu.memory_space<vmem>>
    %dma_start3A_51 = arith.constant 0 : i32
    %dma_start3A_52 = arith.constant 0 : i32
    %dma_start3A_53 = tpu.memref_slice %arg2[%dma_start3A_51, %dma_start3A_52] : memref<10240x64xf32, #tpu.memory_space<hbm>> -> memref<10240x64xf32, #tpu.memory_space<hbm>>
    tpu.enqueue_indirect_dma source(%dma_start3A_53 : memref<10240x64xf32, #tpu.memory_space<hbm>>) target(%dma_start3A_47 : memref<80x64xf32, #tpu.memory_space<vmem>>) offsets(%dma_start3A_50 : memref<80xi32, #tpu.memory_space<vmem>>) semaphore(%arg14 : memref<!tpu.dma_semaphore, #tpu.memory_space<semaphore_mem>>)
    %dma_start3A_54 = arith.constant 4 : i32
    %dma_start3A_55 = arith.constant 4 : i32
    %dma_start3A_56 = arith.constant 0 : i32
    %dma_start3A_57 = arith.constant 0 : i32
    %dma_start3A_58 = tpu.memref_slice %arg10[%dma_start3A_55, %dma_start3A_56, %dma_start3A_57] : memref<5x80x64xf32, #tpu.memory_space<vmem>> -> memref<1x80x64xf32, #tpu.memory_space<vmem>>
    %dma_start3A_59 = tpu.memref_squeeze %dma_start3A_58 : memref<1x80x64xf32, #tpu.memory_space<vmem>> -> memref<80x64xf32, #tpu.memory_space<vmem>>
    %dma_start3A_60 = arith.constant 0 : i32
    %dma_start3A_61 = tpu.memref_slice %arg8[%dma_start3A_54, %dma_start3A_60] : memref<125x80xi32, #tpu.memory_space<vmem>> -> memref<1x80xi32, #tpu.memory_space<vmem>>
    %dma_start3A_62 = tpu.memref_squeeze %dma_start3A_61 : memref<1x80xi32, #tpu.memory_space<vmem>> -> memref<80xi32, #tpu.memory_space<vmem>>
    %dma_start3A_63 = arith.constant 0 : i32
    %dma_start3A_64 = arith.constant 0 : i32
    %dma_start3A_65 = tpu.memref_slice %arg2[%dma_start3A_63, %dma_start3A_64] : memref<10240x64xf32, #tpu.memory_space<hbm>> -> memref<10240x64xf32, #tpu.memory_space<hbm>>
    tpu.enqueue_indirect_dma source(%dma_start3A_65 : memref<10240x64xf32, #tpu.memory_space<hbm>>) target(%dma_start3A_59 : memref<80x64xf32, #tpu.memory_space<vmem>>) offsets(%dma_start3A_62 : memref<80xi32, #tpu.memory_space<vmem>>) semaphore(%arg15 : memref<!tpu.dma_semaphore, #tpu.memory_space<semaphore_mem>>)
    %scan3A = arith.constant 0 : i32
    %scan3A_66 = arith.constant 0 : i32
    %scan3A_67 = arith.constant 25 : i32
    %scan3A_68 = arith.addi %scan3A_66, %scan3A_67 : i32
    %scan3A_69 = arith.constant 1 : i32
    scf.for %scan3A_135 = %scan3A_66 to %scan3A_68 step %scan3A_69  : i32 {
      %mul3A_136 = arith.constant 5 : i32
      %mul3A_137 = arith.muli %scan3A_135, %mul3A_136 : i32
      %add3A_138 = arith.constant 0 : i32
      %add3A_139 = arith.addi %mul3A_137, %add3A_138 : i32
      %dma_wait3A_140 = arith.constant 0 : i32
      %dma_wait3A_141 = arith.constant 0 : i32
      %dma_wait3A_142 = arith.constant 0 : i32
      %dma_wait3A_143 = tpu.memref_slice %arg10[%dma_wait3A_140, %dma_wait3A_141, %dma_wait3A_142] : memref<5x80x64xf32, #tpu.memory_space<vmem>> -> memref<1x80x64xf32, #tpu.memory_space<vmem>>
      %dma_wait3A_144 = tpu.memref_squeeze %dma_wait3A_143 : memref<1x80x64xf32, #tpu.memory_space<vmem>> -> memref<80x64xf32, #tpu.memory_space<vmem>>
      %dma_wait3A_145 = arith.constant 0 : i32
      %dma_wait3A_146 = tpu.memref_slice %arg8[%add3A_139, %dma_wait3A_145] : memref<125x80xi32, #tpu.memory_space<vmem>> -> memref<1x80xi32, #tpu.memory_space<vmem>>
      %dma_wait3A_147 = tpu.memref_squeeze %dma_wait3A_146 : memref<1x80xi32, #tpu.memory_space<vmem>> -> memref<80xi32, #tpu.memory_space<vmem>>
      %dma_wait3A_148 = arith.constant 0 : i32
      %dma_wait3A_149 = arith.constant 0 : i32
      %dma_wait3A_150 = tpu.memref_slice %arg2[%dma_wait3A_148, %dma_wait3A_149] : memref<10240x64xf32, #tpu.memory_space<hbm>> -> memref<10240x64xf32, #tpu.memory_space<hbm>>
      tpu.wait_indirect_dma semaphore(%arg11 : memref<!tpu.dma_semaphore, #tpu.memory_space<semaphore_mem>>) src(%dma_wait3A_150 : memref<10240x64xf32, #tpu.memory_space<hbm>>) dst(%dma_wait3A_144 : memref<80x64xf32, #tpu.memory_space<vmem>>)
      %dma_start3A_151 = arith.constant 0 : i32
      %dma_start3A_152 = arith.constant 0 : i32
      %dma_start3A_153 = arith.constant 0 : i32
      %dma_start3A_154 = tpu.memref_slice %arg10[%dma_start3A_151, %dma_start3A_152, %dma_start3A_153] : memref<5x80x64xf32, #tpu.memory_space<vmem>> -> memref<1x80x64xf32, #tpu.memory_space<vmem>>
      %dma_start3A_155 = tpu.memref_squeeze %dma_start3A_154 : memref<1x80x64xf32, #tpu.memory_space<vmem>> -> memref<80x64xf32, #tpu.memory_space<vmem>>
      %dma_start3A_156 = arith.constant 0 : i32
      %dma_start3A_157 = tpu.memref_slice %arg9[%add3A_139, %dma_start3A_156] : memref<125x80xi32, #tpu.memory_space<vmem>> -> memref<1x80xi32, #tpu.memory_space<vmem>>
      %dma_start3A_158 = tpu.memref_squeeze %dma_start3A_157 : memref<1x80xi32, #tpu.memory_space<vmem>> -> memref<80xi32, #tpu.memory_space<vmem>>
      %dma_start3A_159 = arith.constant 0 : i32
      %dma_start3A_160 = arith.constant 0 : i32
      %dma_start3A_161 = tpu.memref_slice %arg7[%dma_start3A_159, %dma_start3A_160] : memref<10240x64xf32, #tpu.memory_space<vmem_shared>> -> memref<10240x64xf32, #tpu.memory_space<vmem_shared>>
      tpu.enqueue_indirect_dma source(%dma_start3A_155 : memref<80x64xf32, #tpu.memory_space<vmem>>) target(%dma_start3A_161 : memref<10240x64xf32, #tpu.memory_space<vmem_shared>>) offsets(%dma_start3A_158 : memref<80xi32, #tpu.memory_space<vmem>>) semaphore(%arg16 : memref<!tpu.dma_semaphore, #tpu.memory_space<semaphore_mem>>) {add = true}
      %lt3A = arith.constant 24 : i32
      %lt3A_162 = arith.cmpi slt, %scan3A_135, %lt3A : i32
      %convert_element_type3A_163 = arith.extui %lt3A_162 : i1 to i32
      %cond3A_164 = arith.constant 0 : i32
      %cond3A_165 = arith.cmpi ne, %convert_element_type3A_163, %cond3A_164 : i32
      scf.if %cond3A_165 {
        %dma_wait3A_290 = arith.constant 0 : i32
        %dma_wait3A_291 = arith.constant 0 : i32
        %dma_wait3A_292 = arith.constant 0 : i32
        %dma_wait3A_293 = tpu.memref_slice %arg10[%dma_wait3A_290, %dma_wait3A_291, %dma_wait3A_292] : memref<5x80x64xf32, #tpu.memory_space<vmem>> -> memref<1x80x64xf32, #tpu.memory_space<vmem>>
        %dma_wait3A_294 = tpu.memref_squeeze %dma_wait3A_293 : memref<1x80x64xf32, #tpu.memory_space<vmem>> -> memref<80x64xf32, #tpu.memory_space<vmem>>
        %dma_wait3A_295 = arith.constant 0 : i32
        %dma_wait3A_296 = tpu.memref_slice %arg9[%add3A_139, %dma_wait3A_295] : memref<125x80xi32, #tpu.memory_space<vmem>> -> memref<1x80xi32, #tpu.memory_space<vmem>>
        %dma_wait3A_297 = tpu.memref_squeeze %dma_wait3A_296 : memref<1x80xi32, #tpu.memory_space<vmem>> -> memref<80xi32, #tpu.memory_space<vmem>>
        %dma_wait3A_298 = arith.constant 0 : i32
        %dma_wait3A_299 = arith.constant 0 : i32
        %dma_wait3A_300 = tpu.memref_slice %arg7[%dma_wait3A_298, %dma_wait3A_299] : memref<10240x64xf32, #tpu.memory_space<vmem_shared>> -> memref<10240x64xf32, #tpu.memory_space<vmem_shared>>
        tpu.wait_indirect_dma semaphore(%arg16 : memref<!tpu.dma_semaphore, #tpu.memory_space<semaphore_mem>>) src(%dma_wait3A_294 : memref<80x64xf32, #tpu.memory_space<vmem>>) dst(%dma_wait3A_300 : memref<10240x64xf32, #tpu.memory_space<vmem_shared>>)
        %add3A_301 = arith.constant 5 : i32
        %add3A_302 = arith.addi %add3A_139, %add3A_301 : i32
        %dma_start3A_303 = arith.constant 0 : i32
        %dma_start3A_304 = arith.constant 0 : i32
        %dma_start3A_305 = arith.constant 0 : i32
        %dma_start3A_306 = tpu.memref_slice %arg10[%dma_start3A_303, %dma_start3A_304, %dma_start3A_305] : memref<5x80x64xf32, #tpu.memory_space<vmem>> -> memref<1x80x64xf32, #tpu.memory_space<vmem>>
        %dma_start3A_307 = tpu.memref_squeeze %dma_start3A_306 : memref<1x80x64xf32, #tpu.memory_space<vmem>> -> memref<80x64xf32, #tpu.memory_space<vmem>>
        %dma_start3A_308 = arith.constant 0 : i32
        %dma_start3A_309 = tpu.memref_slice %arg8[%add3A_302, %dma_start3A_308] : memref<125x80xi32, #tpu.memory_space<vmem>> -> memref<1x80xi32, #tpu.memory_space<vmem>>
        %dma_start3A_310 = tpu.memref_squeeze %dma_start3A_309 : memref<1x80xi32, #tpu.memory_space<vmem>> -> memref<80xi32, #tpu.memory_space<vmem>>
        %dma_start3A_311 = arith.constant 0 : i32
        %dma_start3A_312 = arith.constant 0 : i32
        %dma_start3A_313 = tpu.memref_slice %arg2[%dma_start3A_311, %dma_start3A_312] : memref<10240x64xf32, #tpu.memory_space<hbm>> -> memref<10240x64xf32, #tpu.memory_space<hbm>>
        tpu.enqueue_indirect_dma source(%dma_start3A_313 : memref<10240x64xf32, #tpu.memory_space<hbm>>) target(%dma_start3A_307 : memref<80x64xf32, #tpu.memory_space<vmem>>) offsets(%dma_start3A_310 : memref<80xi32, #tpu.memory_space<vmem>>) semaphore(%arg11 : memref<!tpu.dma_semaphore, #tpu.memory_space<semaphore_mem>>)
      } else {
      }
      %mul3A_166 = arith.constant 5 : i32
      %mul3A_167 = arith.muli %scan3A_135, %mul3A_166 : i32
      %add3A_168 = arith.constant 1 : i32
      %add3A_169 = arith.addi %mul3A_167, %add3A_168 : i32
      %dma_wait3A_170 = arith.constant 1 : i32
      %dma_wait3A_171 = arith.constant 0 : i32
      %dma_wait3A_172 = arith.constant 0 : i32
      %dma_wait3A_173 = tpu.memref_slice %arg10[%dma_wait3A_170, %dma_wait3A_171, %dma_wait3A_172] : memref<5x80x64xf32, #tpu.memory_space<vmem>> -> memref<1x80x64xf32, #tpu.memory_space<vmem>>
      %dma_wait3A_174 = tpu.memref_squeeze %dma_wait3A_173 : memref<1x80x64xf32, #tpu.memory_space<vmem>> -> memref<80x64xf32, #tpu.memory_space<vmem>>
      %dma_wait3A_175 = arith.constant 0 : i32
      %dma_wait3A_176 = tpu.memref_slice %arg8[%add3A_169, %dma_wait3A_175] : memref<125x80xi32, #tpu.memory_space<vmem>> -> memref<1x80xi32, #tpu.memory_space<vmem>>
      %dma_wait3A_177 = tpu.memref_squeeze %dma_wait3A_176 : memref<1x80xi32, #tpu.memory_space<vmem>> -> memref<80xi32, #tpu.memory_space<vmem>>
      %dma_wait3A_178 = arith.constant 0 : i32
      %dma_wait3A_179 = arith.constant 0 : i32
      %dma_wait3A_180 = tpu.memref_slice %arg2[%dma_wait3A_178, %dma_wait3A_179] : memref<10240x64xf32, #tpu.memory_space<hbm>> -> memref<10240x64xf32, #tpu.memory_space<hbm>>
      tpu.wait_indirect_dma semaphore(%arg12 : memref<!tpu.dma_semaphore, #tpu.memory_space<semaphore_mem>>) src(%dma_wait3A_180 : memref<10240x64xf32, #tpu.memory_space<hbm>>) dst(%dma_wait3A_174 : memref<80x64xf32, #tpu.memory_space<vmem>>)
      %dma_start3A_181 = arith.constant 1 : i32
      %dma_start3A_182 = arith.constant 0 : i32
      %dma_start3A_183 = arith.constant 0 : i32
      %dma_start3A_184 = tpu.memref_slice %arg10[%dma_start3A_181, %dma_start3A_182, %dma_start3A_183] : memref<5x80x64xf32, #tpu.memory_space<vmem>> -> memref<1x80x64xf32, #tpu.memory_space<vmem>>
      %dma_start3A_185 = tpu.memref_squeeze %dma_start3A_184 : memref<1x80x64xf32, #tpu.memory_space<vmem>> -> memref<80x64xf32, #tpu.memory_space<vmem>>
      %dma_start3A_186 = arith.constant 0 : i32
      %dma_start3A_187 = tpu.memref_slice %arg9[%add3A_169, %dma_start3A_186] : memref<125x80xi32, #tpu.memory_space<vmem>> -> memref<1x80xi32, #tpu.memory_space<vmem>>
      %dma_start3A_188 = tpu.memref_squeeze %dma_start3A_187 : memref<1x80xi32, #tpu.memory_space<vmem>> -> memref<80xi32, #tpu.memory_space<vmem>>
      %dma_start3A_189 = arith.constant 0 : i32
      %dma_start3A_190 = arith.constant 0 : i32
      %dma_start3A_191 = tpu.memref_slice %arg7[%dma_start3A_189, %dma_start3A_190] : memref<10240x64xf32, #tpu.memory_space<vmem_shared>> -> memref<10240x64xf32, #tpu.memory_space<vmem_shared>>
      tpu.enqueue_indirect_dma source(%dma_start3A_185 : memref<80x64xf32, #tpu.memory_space<vmem>>) target(%dma_start3A_191 : memref<10240x64xf32, #tpu.memory_space<vmem_shared>>) offsets(%dma_start3A_188 : memref<80xi32, #tpu.memory_space<vmem>>) semaphore(%arg17 : memref<!tpu.dma_semaphore, #tpu.memory_space<semaphore_mem>>) {add = true}
      %lt3A_192 = arith.constant 24 : i32
      %lt3A_193 = arith.cmpi slt, %scan3A_135, %lt3A_192 : i32
      %convert_element_type3A_194 = arith.extui %lt3A_193 : i1 to i32
      %cond3A_195 = arith.constant 0 : i32
      %cond3A_196 = arith.cmpi ne, %convert_element_type3A_194, %cond3A_195 : i32
      scf.if %cond3A_196 {
        %dma_wait3A_290 = arith.constant 1 : i32
        %dma_wait3A_291 = arith.constant 0 : i32
        %dma_wait3A_292 = arith.constant 0 : i32
        %dma_wait3A_293 = tpu.memref_slice %arg10[%dma_wait3A_290, %dma_wait3A_291, %dma_wait3A_292] : memref<5x80x64xf32, #tpu.memory_space<vmem>> -> memref<1x80x64xf32, #tpu.memory_space<vmem>>
        %dma_wait3A_294 = tpu.memref_squeeze %dma_wait3A_293 : memref<1x80x64xf32, #tpu.memory_space<vmem>> -> memref<80x64xf32, #tpu.memory_space<vmem>>
        %dma_wait3A_295 = arith.constant 0 : i32
        %dma_wait3A_296 = tpu.memref_slice %arg9[%add3A_169, %dma_wait3A_295] : memref<125x80xi32, #tpu.memory_space<vmem>> -> memref<1x80xi32, #tpu.memory_space<vmem>>
        %dma_wait3A_297 = tpu.memref_squeeze %dma_wait3A_296 : memref<1x80xi32, #tpu.memory_space<vmem>> -> memref<80xi32, #tpu.memory_space<vmem>>
        %dma_wait3A_298 = arith.constant 0 : i32
        %dma_wait3A_299 = arith.constant 0 : i32
        %dma_wait3A_300 = tpu.memref_slice %arg7[%dma_wait3A_298, %dma_wait3A_299] : memref<10240x64xf32, #tpu.memory_space<vmem_shared>> -> memref<10240x64xf32, #tpu.memory_space<vmem_shared>>
        tpu.wait_indirect_dma semaphore(%arg17 : memref<!tpu.dma_semaphore, #tpu.memory_space<semaphore_mem>>) src(%dma_wait3A_294 : memref<80x64xf32, #tpu.memory_space<vmem>>) dst(%dma_wait3A_300 : memref<10240x64xf32, #tpu.memory_space<vmem_shared>>)
        %add3A_301 = arith.constant 5 : i32
        %add3A_302 = arith.addi %add3A_169, %add3A_301 : i32
        %dma_start3A_303 = arith.constant 1 : i32
        %dma_start3A_304 = arith.constant 0 : i32
        %dma_start3A_305 = arith.constant 0 : i32
        %dma_start3A_306 = tpu.memref_slice %arg10[%dma_start3A_303, %dma_start3A_304, %dma_start3A_305] : memref<5x80x64xf32, #tpu.memory_space<vmem>> -> memref<1x80x64xf32, #tpu.memory_space<vmem>>
        %dma_start3A_307 = tpu.memref_squeeze %dma_start3A_306 : memref<1x80x64xf32, #tpu.memory_space<vmem>> -> memref<80x64xf32, #tpu.memory_space<vmem>>
        %dma_start3A_308 = arith.constant 0 : i32
        %dma_start3A_309 = tpu.memref_slice %arg8[%add3A_302, %dma_start3A_308] : memref<125x80xi32, #tpu.memory_space<vmem>> -> memref<1x80xi32, #tpu.memory_space<vmem>>
        %dma_start3A_310 = tpu.memref_squeeze %dma_start3A_309 : memref<1x80xi32, #tpu.memory_space<vmem>> -> memref<80xi32, #tpu.memory_space<vmem>>
        %dma_start3A_311 = arith.constant 0 : i32
        %dma_start3A_312 = arith.constant 0 : i32
        %dma_start3A_313 = tpu.memref_slice %arg2[%dma_start3A_311, %dma_start3A_312] : memref<10240x64xf32, #tpu.memory_space<hbm>> -> memref<10240x64xf32, #tpu.memory_space<hbm>>
        tpu.enqueue_indirect_dma source(%dma_start3A_313 : memref<10240x64xf32, #tpu.memory_space<hbm>>) target(%dma_start3A_307 : memref<80x64xf32, #tpu.memory_space<vmem>>) offsets(%dma_start3A_310 : memref<80xi32, #tpu.memory_space<vmem>>) semaphore(%arg12 : memref<!tpu.dma_semaphore, #tpu.memory_space<semaphore_mem>>)
      } else {
      }
      %mul3A_197 = arith.constant 5 : i32
      %mul3A_198 = arith.muli %scan3A_135, %mul3A_197 : i32
      %add3A_199 = arith.constant 2 : i32
      %add3A_200 = arith.addi %mul3A_198, %add3A_199 : i32
      %dma_wait3A_201 = arith.constant 2 : i32
      %dma_wait3A_202 = arith.constant 0 : i32
      %dma_wait3A_203 = arith.constant 0 : i32
      %dma_wait3A_204 = tpu.memref_slice %arg10[%dma_wait3A_201, %dma_wait3A_202, %dma_wait3A_203] : memref<5x80x64xf32, #tpu.memory_space<vmem>> -> memref<1x80x64xf32, #tpu.memory_space<vmem>>
      %dma_wait3A_205 = tpu.memref_squeeze %dma_wait3A_204 : memref<1x80x64xf32, #tpu.memory_space<vmem>> -> memref<80x64xf32, #tpu.memory_space<vmem>>
      %dma_wait3A_206 = arith.constant 0 : i32
      %dma_wait3A_207 = tpu.memref_slice %arg8[%add3A_200, %dma_wait3A_206] : memref<125x80xi32, #tpu.memory_space<vmem>> -> memref<1x80xi32, #tpu.memory_space<vmem>>
      %dma_wait3A_208 = tpu.memref_squeeze %dma_wait3A_207 : memref<1x80xi32, #tpu.memory_space<vmem>> -> memref<80xi32, #tpu.memory_space<vmem>>
      %dma_wait3A_209 = arith.constant 0 : i32
      %dma_wait3A_210 = arith.constant 0 : i32
      %dma_wait3A_211 = tpu.memref_slice %arg2[%dma_wait3A_209, %dma_wait3A_210] : memref<10240x64xf32, #tpu.memory_space<hbm>> -> memref<10240x64xf32, #tpu.memory_space<hbm>>
      tpu.wait_indirect_dma semaphore(%arg13 : memref<!tpu.dma_semaphore, #tpu.memory_space<semaphore_mem>>) src(%dma_wait3A_211 : memref<10240x64xf32, #tpu.memory_space<hbm>>) dst(%dma_wait3A_205 : memref<80x64xf32, #tpu.memory_space<vmem>>)
      %dma_start3A_212 = arith.constant 2 : i32
      %dma_start3A_213 = arith.constant 0 : i32
      %dma_start3A_214 = arith.constant 0 : i32
      %dma_start3A_215 = tpu.memref_slice %arg10[%dma_start3A_212, %dma_start3A_213, %dma_start3A_214] : memref<5x80x64xf32, #tpu.memory_space<vmem>> -> memref<1x80x64xf32, #tpu.memory_space<vmem>>
      %dma_start3A_216 = tpu.memref_squeeze %dma_start3A_215 : memref<1x80x64xf32, #tpu.memory_space<vmem>> -> memref<80x64xf32, #tpu.memory_space<vmem>>
      %dma_start3A_217 = arith.constant 0 : i32
      %dma_start3A_218 = tpu.memref_slice %arg9[%add3A_200, %dma_start3A_217] : memref<125x80xi32, #tpu.memory_space<vmem>> -> memref<1x80xi32, #tpu.memory_space<vmem>>
      %dma_start3A_219 = tpu.memref_squeeze %dma_start3A_218 : memref<1x80xi32, #tpu.memory_space<vmem>> -> memref<80xi32, #tpu.memory_space<vmem>>
      %dma_start3A_220 = arith.constant 0 : i32
      %dma_start3A_221 = arith.constant 0 : i32
      %dma_start3A_222 = tpu.memref_slice %arg7[%dma_start3A_220, %dma_start3A_221] : memref<10240x64xf32, #tpu.memory_space<vmem_shared>> -> memref<10240x64xf32, #tpu.memory_space<vmem_shared>>
      tpu.enqueue_indirect_dma source(%dma_start3A_216 : memref<80x64xf32, #tpu.memory_space<vmem>>) target(%dma_start3A_222 : memref<10240x64xf32, #tpu.memory_space<vmem_shared>>) offsets(%dma_start3A_219 : memref<80xi32, #tpu.memory_space<vmem>>) semaphore(%arg18 : memref<!tpu.dma_semaphore, #tpu.memory_space<semaphore_mem>>) {add = true}
      %lt3A_223 = arith.constant 24 : i32
      %lt3A_224 = arith.cmpi slt, %scan3A_135, %lt3A_223 : i32
      %convert_element_type3A_225 = arith.extui %lt3A_224 : i1 to i32
      %cond3A_226 = arith.constant 0 : i32
      %cond3A_227 = arith.cmpi ne, %convert_element_type3A_225, %cond3A_226 : i32
      scf.if %cond3A_227 {
        %dma_wait3A_290 = arith.constant 2 : i32
        %dma_wait3A_291 = arith.constant 0 : i32
        %dma_wait3A_292 = arith.constant 0 : i32
        %dma_wait3A_293 = tpu.memref_slice %arg10[%dma_wait3A_290, %dma_wait3A_291, %dma_wait3A_292] : memref<5x80x64xf32, #tpu.memory_space<vmem>> -> memref<1x80x64xf32, #tpu.memory_space<vmem>>
        %dma_wait3A_294 = tpu.memref_squeeze %dma_wait3A_293 : memref<1x80x64xf32, #tpu.memory_space<vmem>> -> memref<80x64xf32, #tpu.memory_space<vmem>>
        %dma_wait3A_295 = arith.constant 0 : i32
        %dma_wait3A_296 = tpu.memref_slice %arg9[%add3A_200, %dma_wait3A_295] : memref<125x80xi32, #tpu.memory_space<vmem>> -> memref<1x80xi32, #tpu.memory_space<vmem>>
        %dma_wait3A_297 = tpu.memref_squeeze %dma_wait3A_296 : memref<1x80xi32, #tpu.memory_space<vmem>> -> memref<80xi32, #tpu.memory_space<vmem>>
        %dma_wait3A_298 = arith.constant 0 : i32
        %dma_wait3A_299 = arith.constant 0 : i32
        %dma_wait3A_300 = tpu.memref_slice %arg7[%dma_wait3A_298, %dma_wait3A_299] : memref<10240x64xf32, #tpu.memory_space<vmem_shared>> -> memref<10240x64xf32, #tpu.memory_space<vmem_shared>>
        tpu.wait_indirect_dma semaphore(%arg18 : memref<!tpu.dma_semaphore, #tpu.memory_space<semaphore_mem>>) src(%dma_wait3A_294 : memref<80x64xf32, #tpu.memory_space<vmem>>) dst(%dma_wait3A_300 : memref<10240x64xf32, #tpu.memory_space<vmem_shared>>)
        %add3A_301 = arith.constant 5 : i32
        %add3A_302 = arith.addi %add3A_200, %add3A_301 : i32
        %dma_start3A_303 = arith.constant 2 : i32
        %dma_start3A_304 = arith.constant 0 : i32
        %dma_start3A_305 = arith.constant 0 : i32
        %dma_start3A_306 = tpu.memref_slice %arg10[%dma_start3A_303, %dma_start3A_304, %dma_start3A_305] : memref<5x80x64xf32, #tpu.memory_space<vmem>> -> memref<1x80x64xf32, #tpu.memory_space<vmem>>
        %dma_start3A_307 = tpu.memref_squeeze %dma_start3A_306 : memref<1x80x64xf32, #tpu.memory_space<vmem>> -> memref<80x64xf32, #tpu.memory_space<vmem>>
        %dma_start3A_308 = arith.constant 0 : i32
        %dma_start3A_309 = tpu.memref_slice %arg8[%add3A_302, %dma_start3A_308] : memref<125x80xi32, #tpu.memory_space<vmem>> -> memref<1x80xi32, #tpu.memory_space<vmem>>
        %dma_start3A_310 = tpu.memref_squeeze %dma_start3A_309 : memref<1x80xi32, #tpu.memory_space<vmem>> -> memref<80xi32, #tpu.memory_space<vmem>>
        %dma_start3A_311 = arith.constant 0 : i32
        %dma_start3A_312 = arith.constant 0 : i32
        %dma_start3A_313 = tpu.memref_slice %arg2[%dma_start3A_311, %dma_start3A_312] : memref<10240x64xf32, #tpu.memory_space<hbm>> -> memref<10240x64xf32, #tpu.memory_space<hbm>>
        tpu.enqueue_indirect_dma source(%dma_start3A_313 : memref<10240x64xf32, #tpu.memory_space<hbm>>) target(%dma_start3A_307 : memref<80x64xf32, #tpu.memory_space<vmem>>) offsets(%dma_start3A_310 : memref<80xi32, #tpu.memory_space<vmem>>) semaphore(%arg13 : memref<!tpu.dma_semaphore, #tpu.memory_space<semaphore_mem>>)
      } else {
      }
      %mul3A_228 = arith.constant 5 : i32
      %mul3A_229 = arith.muli %scan3A_135, %mul3A_228 : i32
      %add3A_230 = arith.constant 3 : i32
      %add3A_231 = arith.addi %mul3A_229, %add3A_230 : i32
      %dma_wait3A_232 = arith.constant 3 : i32
      %dma_wait3A_233 = arith.constant 0 : i32
      %dma_wait3A_234 = arith.constant 0 : i32
      %dma_wait3A_235 = tpu.memref_slice %arg10[%dma_wait3A_232, %dma_wait3A_233, %dma_wait3A_234] : memref<5x80x64xf32, #tpu.memory_space<vmem>> -> memref<1x80x64xf32, #tpu.memory_space<vmem>>
      %dma_wait3A_236 = tpu.memref_squeeze %dma_wait3A_235 : memref<1x80x64xf32, #tpu.memory_space<vmem>> -> memref<80x64xf32, #tpu.memory_space<vmem>>
      %dma_wait3A_237 = arith.constant 0 : i32
      %dma_wait3A_238 = tpu.memref_slice %arg8[%add3A_231, %dma_wait3A_237] : memref<125x80xi32, #tpu.memory_space<vmem>> -> memref<1x80xi32, #tpu.memory_space<vmem>>
      %dma_wait3A_239 = tpu.memref_squeeze %dma_wait3A_238 : memref<1x80xi32, #tpu.memory_space<vmem>> -> memref<80xi32, #tpu.memory_space<vmem>>
      %dma_wait3A_240 = arith.constant 0 : i32
      %dma_wait3A_241 = arith.constant 0 : i32
      %dma_wait3A_242 = tpu.memref_slice %arg2[%dma_wait3A_240, %dma_wait3A_241] : memref<10240x64xf32, #tpu.memory_space<hbm>> -> memref<10240x64xf32, #tpu.memory_space<hbm>>
      tpu.wait_indirect_dma semaphore(%arg14 : memref<!tpu.dma_semaphore, #tpu.memory_space<semaphore_mem>>) src(%dma_wait3A_242 : memref<10240x64xf32, #tpu.memory_space<hbm>>) dst(%dma_wait3A_236 : memref<80x64xf32, #tpu.memory_space<vmem>>)
      %dma_start3A_243 = arith.constant 3 : i32
      %dma_start3A_244 = arith.constant 0 : i32
      %dma_start3A_245 = arith.constant 0 : i32
      %dma_start3A_246 = tpu.memref_slice %arg10[%dma_start3A_243, %dma_start3A_244, %dma_start3A_245] : memref<5x80x64xf32, #tpu.memory_space<vmem>> -> memref<1x80x64xf32, #tpu.memory_space<vmem>>
      %dma_start3A_247 = tpu.memref_squeeze %dma_start3A_246 : memref<1x80x64xf32, #tpu.memory_space<vmem>> -> memref<80x64xf32, #tpu.memory_space<vmem>>
      %dma_start3A_248 = arith.constant 0 : i32
      %dma_start3A_249 = tpu.memref_slice %arg9[%add3A_231, %dma_start3A_248] : memref<125x80xi32, #tpu.memory_space<vmem>> -> memref<1x80xi32, #tpu.memory_space<vmem>>
      %dma_start3A_250 = tpu.memref_squeeze %dma_start3A_249 : memref<1x80xi32, #tpu.memory_space<vmem>> -> memref<80xi32, #tpu.memory_space<vmem>>
      %dma_start3A_251 = arith.constant 0 : i32
      %dma_start3A_252 = arith.constant 0 : i32
      %dma_start3A_253 = tpu.memref_slice %arg7[%dma_start3A_251, %dma_start3A_252] : memref<10240x64xf32, #tpu.memory_space<vmem_shared>> -> memref<10240x64xf32, #tpu.memory_space<vmem_shared>>
      tpu.enqueue_indirect_dma source(%dma_start3A_247 : memref<80x64xf32, #tpu.memory_space<vmem>>) target(%dma_start3A_253 : memref<10240x64xf32, #tpu.memory_space<vmem_shared>>) offsets(%dma_start3A_250 : memref<80xi32, #tpu.memory_space<vmem>>) semaphore(%arg19 : memref<!tpu.dma_semaphore, #tpu.memory_space<semaphore_mem>>) {add = true}
      %lt3A_254 = arith.constant 24 : i32
      %lt3A_255 = arith.cmpi slt, %scan3A_135, %lt3A_254 : i32
      %convert_element_type3A_256 = arith.extui %lt3A_255 : i1 to i32
      %cond3A_257 = arith.constant 0 : i32
      %cond3A_258 = arith.cmpi ne, %convert_element_type3A_256, %cond3A_257 : i32
      scf.if %cond3A_258 {
        %dma_wait3A_290 = arith.constant 3 : i32
        %dma_wait3A_291 = arith.constant 0 : i32
        %dma_wait3A_292 = arith.constant 0 : i32
        %dma_wait3A_293 = tpu.memref_slice %arg10[%dma_wait3A_290, %dma_wait3A_291, %dma_wait3A_292] : memref<5x80x64xf32, #tpu.memory_space<vmem>> -> memref<1x80x64xf32, #tpu.memory_space<vmem>>
        %dma_wait3A_294 = tpu.memref_squeeze %dma_wait3A_293 : memref<1x80x64xf32, #tpu.memory_space<vmem>> -> memref<80x64xf32, #tpu.memory_space<vmem>>
        %dma_wait3A_295 = arith.constant 0 : i32
        %dma_wait3A_296 = tpu.memref_slice %arg9[%add3A_231, %dma_wait3A_295] : memref<125x80xi32, #tpu.memory_space<vmem>> -> memref<1x80xi32, #tpu.memory_space<vmem>>
        %dma_wait3A_297 = tpu.memref_squeeze %dma_wait3A_296 : memref<1x80xi32, #tpu.memory_space<vmem>> -> memref<80xi32, #tpu.memory_space<vmem>>
        %dma_wait3A_298 = arith.constant 0 : i32
        %dma_wait3A_299 = arith.constant 0 : i32
        %dma_wait3A_300 = tpu.memref_slice %arg7[%dma_wait3A_298, %dma_wait3A_299] : memref<10240x64xf32, #tpu.memory_space<vmem_shared>> -> memref<10240x64xf32, #tpu.memory_space<vmem_shared>>
        tpu.wait_indirect_dma semaphore(%arg19 : memref<!tpu.dma_semaphore, #tpu.memory_space<semaphore_mem>>) src(%dma_wait3A_294 : memref<80x64xf32, #tpu.memory_space<vmem>>) dst(%dma_wait3A_300 : memref<10240x64xf32, #tpu.memory_space<vmem_shared>>)
        %add3A_301 = arith.constant 5 : i32
        %add3A_302 = arith.addi %add3A_231, %add3A_301 : i32
        %dma_start3A_303 = arith.constant 3 : i32
        %dma_start3A_304 = arith.constant 0 : i32
        %dma_start3A_305 = arith.constant 0 : i32
        %dma_start3A_306 = tpu.memref_slice %arg10[%dma_start3A_303, %dma_start3A_304, %dma_start3A_305] : memref<5x80x64xf32, #tpu.memory_space<vmem>> -> memref<1x80x64xf32, #tpu.memory_space<vmem>>
        %dma_start3A_307 = tpu.memref_squeeze %dma_start3A_306 : memref<1x80x64xf32, #tpu.memory_space<vmem>> -> memref<80x64xf32, #tpu.memory_space<vmem>>
        %dma_start3A_308 = arith.constant 0 : i32
        %dma_start3A_309 = tpu.memref_slice %arg8[%add3A_302, %dma_start3A_308] : memref<125x80xi32, #tpu.memory_space<vmem>> -> memref<1x80xi32, #tpu.memory_space<vmem>>
        %dma_start3A_310 = tpu.memref_squeeze %dma_start3A_309 : memref<1x80xi32, #tpu.memory_space<vmem>> -> memref<80xi32, #tpu.memory_space<vmem>>
        %dma_start3A_311 = arith.constant 0 : i32
        %dma_start3A_312 = arith.constant 0 : i32
        %dma_start3A_313 = tpu.memref_slice %arg2[%dma_start3A_311, %dma_start3A_312] : memref<10240x64xf32, #tpu.memory_space<hbm>> -> memref<10240x64xf32, #tpu.memory_space<hbm>>
        tpu.enqueue_indirect_dma source(%dma_start3A_313 : memref<10240x64xf32, #tpu.memory_space<hbm>>) target(%dma_start3A_307 : memref<80x64xf32, #tpu.memory_space<vmem>>) offsets(%dma_start3A_310 : memref<80xi32, #tpu.memory_space<vmem>>) semaphore(%arg14 : memref<!tpu.dma_semaphore, #tpu.memory_space<semaphore_mem>>)
      } else {
      }
      %mul3A_259 = arith.constant 5 : i32
      %mul3A_260 = arith.muli %scan3A_135, %mul3A_259 : i32
      %add3A_261 = arith.constant 4 : i32
      %add3A_262 = arith.addi %mul3A_260, %add3A_261 : i32
      %dma_wait3A_263 = arith.constant 4 : i32
      %dma_wait3A_264 = arith.constant 0 : i32
      %dma_wait3A_265 = arith.constant 0 : i32
      %dma_wait3A_266 = tpu.memref_slice %arg10[%dma_wait3A_263, %dma_wait3A_264, %dma_wait3A_265] : memref<5x80x64xf32, #tpu.memory_space<vmem>> -> memref<1x80x64xf32, #tpu.memory_space<vmem>>
      %dma_wait3A_267 = tpu.memref_squeeze %dma_wait3A_266 : memref<1x80x64xf32, #tpu.memory_space<vmem>> -> memref<80x64xf32, #tpu.memory_space<vmem>>
      %dma_wait3A_268 = arith.constant 0 : i32
      %dma_wait3A_269 = tpu.memref_slice %arg8[%add3A_262, %dma_wait3A_268] : memref<125x80xi32, #tpu.memory_space<vmem>> -> memref<1x80xi32, #tpu.memory_space<vmem>>
      %dma_wait3A_270 = tpu.memref_squeeze %dma_wait3A_269 : memref<1x80xi32, #tpu.memory_space<vmem>> -> memref<80xi32, #tpu.memory_space<vmem>>
      %dma_wait3A_271 = arith.constant 0 : i32
      %dma_wait3A_272 = arith.constant 0 : i32
      %dma_wait3A_273 = tpu.memref_slice %arg2[%dma_wait3A_271, %dma_wait3A_272] : memref<10240x64xf32, #tpu.memory_space<hbm>> -> memref<10240x64xf32, #tpu.memory_space<hbm>>
      tpu.wait_indirect_dma semaphore(%arg15 : memref<!tpu.dma_semaphore, #tpu.memory_space<semaphore_mem>>) src(%dma_wait3A_273 : memref<10240x64xf32, #tpu.memory_space<hbm>>) dst(%dma_wait3A_267 : memref<80x64xf32, #tpu.memory_space<vmem>>)
      %dma_start3A_274 = arith.constant 4 : i32
      %dma_start3A_275 = arith.constant 0 : i32
      %dma_start3A_276 = arith.constant 0 : i32
      %dma_start3A_277 = tpu.memref_slice %arg10[%dma_start3A_274, %dma_start3A_275, %dma_start3A_276] : memref<5x80x64xf32, #tpu.memory_space<vmem>> -> memref<1x80x64xf32, #tpu.memory_space<vmem>>
      %dma_start3A_278 = tpu.memref_squeeze %dma_start3A_277 : memref<1x80x64xf32, #tpu.memory_space<vmem>> -> memref<80x64xf32, #tpu.memory_space<vmem>>
      %dma_start3A_279 = arith.constant 0 : i32
      %dma_start3A_280 = tpu.memref_slice %arg9[%add3A_262, %dma_start3A_279] : memref<125x80xi32, #tpu.memory_space<vmem>> -> memref<1x80xi32, #tpu.memory_space<vmem>>
      %dma_start3A_281 = tpu.memref_squeeze %dma_start3A_280 : memref<1x80xi32, #tpu.memory_space<vmem>> -> memref<80xi32, #tpu.memory_space<vmem>>
      %dma_start3A_282 = arith.constant 0 : i32
      %dma_start3A_283 = arith.constant 0 : i32
      %dma_start3A_284 = tpu.memref_slice %arg7[%dma_start3A_282, %dma_start3A_283] : memref<10240x64xf32, #tpu.memory_space<vmem_shared>> -> memref<10240x64xf32, #tpu.memory_space<vmem_shared>>
      tpu.enqueue_indirect_dma source(%dma_start3A_278 : memref<80x64xf32, #tpu.memory_space<vmem>>) target(%dma_start3A_284 : memref<10240x64xf32, #tpu.memory_space<vmem_shared>>) offsets(%dma_start3A_281 : memref<80xi32, #tpu.memory_space<vmem>>) semaphore(%arg20 : memref<!tpu.dma_semaphore, #tpu.memory_space<semaphore_mem>>) {add = true}
      %lt3A_285 = arith.constant 24 : i32
      %lt3A_286 = arith.cmpi slt, %scan3A_135, %lt3A_285 : i32
      %convert_element_type3A_287 = arith.extui %lt3A_286 : i1 to i32
      %cond3A_288 = arith.constant 0 : i32
      %cond3A_289 = arith.cmpi ne, %convert_element_type3A_287, %cond3A_288 : i32
      scf.if %cond3A_289 {
        %dma_wait3A_290 = arith.constant 4 : i32
        %dma_wait3A_291 = arith.constant 0 : i32
        %dma_wait3A_292 = arith.constant 0 : i32
        %dma_wait3A_293 = tpu.memref_slice %arg10[%dma_wait3A_290, %dma_wait3A_291, %dma_wait3A_292] : memref<5x80x64xf32, #tpu.memory_space<vmem>> -> memref<1x80x64xf32, #tpu.memory_space<vmem>>
        %dma_wait3A_294 = tpu.memref_squeeze %dma_wait3A_293 : memref<1x80x64xf32, #tpu.memory_space<vmem>> -> memref<80x64xf32, #tpu.memory_space<vmem>>
        %dma_wait3A_295 = arith.constant 0 : i32
        %dma_wait3A_296 = tpu.memref_slice %arg9[%add3A_262, %dma_wait3A_295] : memref<125x80xi32, #tpu.memory_space<vmem>> -> memref<1x80xi32, #tpu.memory_space<vmem>>
        %dma_wait3A_297 = tpu.memref_squeeze %dma_wait3A_296 : memref<1x80xi32, #tpu.memory_space<vmem>> -> memref<80xi32, #tpu.memory_space<vmem>>
        %dma_wait3A_298 = arith.constant 0 : i32
        %dma_wait3A_299 = arith.constant 0 : i32
        %dma_wait3A_300 = tpu.memref_slice %arg7[%dma_wait3A_298, %dma_wait3A_299] : memref<10240x64xf32, #tpu.memory_space<vmem_shared>> -> memref<10240x64xf32, #tpu.memory_space<vmem_shared>>
        tpu.wait_indirect_dma semaphore(%arg20 : memref<!tpu.dma_semaphore, #tpu.memory_space<semaphore_mem>>) src(%dma_wait3A_294 : memref<80x64xf32, #tpu.memory_space<vmem>>) dst(%dma_wait3A_300 : memref<10240x64xf32, #tpu.memory_space<vmem_shared>>)
        %add3A_301 = arith.constant 5 : i32
        %add3A_302 = arith.addi %add3A_262, %add3A_301 : i32
        %dma_start3A_303 = arith.constant 4 : i32
        %dma_start3A_304 = arith.constant 0 : i32
        %dma_start3A_305 = arith.constant 0 : i32
        %dma_start3A_306 = tpu.memref_slice %arg10[%dma_start3A_303, %dma_start3A_304, %dma_start3A_305] : memref<5x80x64xf32, #tpu.memory_space<vmem>> -> memref<1x80x64xf32, #tpu.memory_space<vmem>>
        %dma_start3A_307 = tpu.memref_squeeze %dma_start3A_306 : memref<1x80x64xf32, #tpu.memory_space<vmem>> -> memref<80x64xf32, #tpu.memory_space<vmem>>
        %dma_start3A_308 = arith.constant 0 : i32
        %dma_start3A_309 = tpu.memref_slice %arg8[%add3A_302, %dma_start3A_308] : memref<125x80xi32, #tpu.memory_space<vmem>> -> memref<1x80xi32, #tpu.memory_space<vmem>>
        %dma_start3A_310 = tpu.memref_squeeze %dma_start3A_309 : memref<1x80xi32, #tpu.memory_space<vmem>> -> memref<80xi32, #tpu.memory_space<vmem>>
        %dma_start3A_311 = arith.constant 0 : i32
        %dma_start3A_312 = arith.constant 0 : i32
        %dma_start3A_313 = tpu.memref_slice %arg2[%dma_start3A_311, %dma_start3A_312] : memref<10240x64xf32, #tpu.memory_space<hbm>> -> memref<10240x64xf32, #tpu.memory_space<hbm>>
        tpu.enqueue_indirect_dma source(%dma_start3A_313 : memref<10240x64xf32, #tpu.memory_space<hbm>>) target(%dma_start3A_307 : memref<80x64xf32, #tpu.memory_space<vmem>>) offsets(%dma_start3A_310 : memref<80xi32, #tpu.memory_space<vmem>>) semaphore(%arg15 : memref<!tpu.dma_semaphore, #tpu.memory_space<semaphore_mem>>)
      } else {
      }
    }
    %scan3A_70 = arith.constant 25 : i32
    %dma_wait3A = arith.constant 0 : i32
    %dma_wait3A_71 = arith.constant 120 : i32
    %dma_wait3A_72 = arith.constant 0 : i32
    %dma_wait3A_73 = arith.constant 0 : i32
    %dma_wait3A_74 = tpu.memref_slice %arg10[%dma_wait3A, %dma_wait3A_72, %dma_wait3A_73] : memref<5x80x64xf32, #tpu.memory_space<vmem>> -> memref<1x80x64xf32, #tpu.memory_space<vmem>>
    %dma_wait3A_75 = tpu.memref_squeeze %dma_wait3A_74 : memref<1x80x64xf32, #tpu.memory_space<vmem>> -> memref<80x64xf32, #tpu.memory_space<vmem>>
    %dma_wait3A_76 = arith.constant 0 : i32
    %dma_wait3A_77 = tpu.memref_slice %arg9[%dma_wait3A_71, %dma_wait3A_76] : memref<125x80xi32, #tpu.memory_space<vmem>> -> memref<1x80xi32, #tpu.memory_space<vmem>>
    %dma_wait3A_78 = tpu.memref_squeeze %dma_wait3A_77 : memref<1x80xi32, #tpu.memory_space<vmem>> -> memref<80xi32, #tpu.memory_space<vmem>>
    %dma_wait3A_79 = arith.constant 0 : i32
    %dma_wait3A_80 = arith.constant 0 : i32
    %dma_wait3A_81 = tpu.memref_slice %arg7[%dma_wait3A_79, %dma_wait3A_80] : memref<10240x64xf32, #tpu.memory_space<vmem_shared>> -> memref<10240x64xf32, #tpu.memory_space<vmem_shared>>
    tpu.wait_indirect_dma semaphore(%arg16 : memref<!tpu.dma_semaphore, #tpu.memory_space<semaphore_mem>>) src(%dma_wait3A_75 : memref<80x64xf32, #tpu.memory_space<vmem>>) dst(%dma_wait3A_81 : memref<10240x64xf32, #tpu.memory_space<vmem_shared>>)
    %dma_wait3A_82 = arith.constant 1 : i32
    %dma_wait3A_83 = arith.constant 121 : i32
    %dma_wait3A_84 = arith.constant 0 : i32
    %dma_wait3A_85 = arith.constant 0 : i32
    %dma_wait3A_86 = tpu.memref_slice %arg10[%dma_wait3A_82, %dma_wait3A_84, %dma_wait3A_85] : memref<5x80x64xf32, #tpu.memory_space<vmem>> -> memref<1x80x64xf32, #tpu.memory_space<vmem>>
    %dma_wait3A_87 = tpu.memref_squeeze %dma_wait3A_86 : memref<1x80x64xf32, #tpu.memory_space<vmem>> -> memref<80x64xf32, #tpu.memory_space<vmem>>
    %dma_wait3A_88 = arith.constant 0 : i32
    %dma_wait3A_89 = tpu.memref_slice %arg9[%dma_wait3A_83, %dma_wait3A_88] : memref<125x80xi32, #tpu.memory_space<vmem>> -> memref<1x80xi32, #tpu.memory_space<vmem>>
    %dma_wait3A_90 = tpu.memref_squeeze %dma_wait3A_89 : memref<1x80xi32, #tpu.memory_space<vmem>> -> memref<80xi32, #tpu.memory_space<vmem>>
    %dma_wait3A_91 = arith.constant 0 : i32
    %dma_wait3A_92 = arith.constant 0 : i32
    %dma_wait3A_93 = tpu.memref_slice %arg7[%dma_wait3A_91, %dma_wait3A_92] : memref<10240x64xf32, #tpu.memory_space<vmem_shared>> -> memref<10240x64xf32, #tpu.memory_space<vmem_shared>>
    tpu.wait_indirect_dma semaphore(%arg17 : memref<!tpu.dma_semaphore, #tpu.memory_space<semaphore_mem>>) src(%dma_wait3A_87 : memref<80x64xf32, #tpu.memory_space<vmem>>) dst(%dma_wait3A_93 : memref<10240x64xf32, #tpu.memory_space<vmem_shared>>)
    %dma_wait3A_94 = arith.constant 2 : i32
    %dma_wait3A_95 = arith.constant 122 : i32
    %dma_wait3A_96 = arith.constant 0 : i32
    %dma_wait3A_97 = arith.constant 0 : i32
    %dma_wait3A_98 = tpu.memref_slice %arg10[%dma_wait3A_94, %dma_wait3A_96, %dma_wait3A_97] : memref<5x80x64xf32, #tpu.memory_space<vmem>> -> memref<1x80x64xf32, #tpu.memory_space<vmem>>
    %dma_wait3A_99 = tpu.memref_squeeze %dma_wait3A_98 : memref<1x80x64xf32, #tpu.memory_space<vmem>> -> memref<80x64xf32, #tpu.memory_space<vmem>>
    %dma_wait3A_100 = arith.constant 0 : i32
    %dma_wait3A_101 = tpu.memref_slice %arg9[%dma_wait3A_95, %dma_wait3A_100] : memref<125x80xi32, #tpu.memory_space<vmem>> -> memref<1x80xi32, #tpu.memory_space<vmem>>
    %dma_wait3A_102 = tpu.memref_squeeze %dma_wait3A_101 : memref<1x80xi32, #tpu.memory_space<vmem>> -> memref<80xi32, #tpu.memory_space<vmem>>
    %dma_wait3A_103 = arith.constant 0 : i32
    %dma_wait3A_104 = arith.constant 0 : i32
    %dma_wait3A_105 = tpu.memref_slice %arg7[%dma_wait3A_103, %dma_wait3A_104] : memref<10240x64xf32, #tpu.memory_space<vmem_shared>> -> memref<10240x64xf32, #tpu.memory_space<vmem_shared>>
    tpu.wait_indirect_dma semaphore(%arg18 : memref<!tpu.dma_semaphore, #tpu.memory_space<semaphore_mem>>) src(%dma_wait3A_99 : memref<80x64xf32, #tpu.memory_space<vmem>>) dst(%dma_wait3A_105 : memref<10240x64xf32, #tpu.memory_space<vmem_shared>>)
    %dma_wait3A_106 = arith.constant 3 : i32
    %dma_wait3A_107 = arith.constant 123 : i32
    %dma_wait3A_108 = arith.constant 0 : i32
    %dma_wait3A_109 = arith.constant 0 : i32
    %dma_wait3A_110 = tpu.memref_slice %arg10[%dma_wait3A_106, %dma_wait3A_108, %dma_wait3A_109] : memref<5x80x64xf32, #tpu.memory_space<vmem>> -> memref<1x80x64xf32, #tpu.memory_space<vmem>>
    %dma_wait3A_111 = tpu.memref_squeeze %dma_wait3A_110 : memref<1x80x64xf32, #tpu.memory_space<vmem>> -> memref<80x64xf32, #tpu.memory_space<vmem>>
    %dma_wait3A_112 = arith.constant 0 : i32
    %dma_wait3A_113 = tpu.memref_slice %arg9[%dma_wait3A_107, %dma_wait3A_112] : memref<125x80xi32, #tpu.memory_space<vmem>> -> memref<1x80xi32, #tpu.memory_space<vmem>>
    %dma_wait3A_114 = tpu.memref_squeeze %dma_wait3A_113 : memref<1x80xi32, #tpu.memory_space<vmem>> -> memref<80xi32, #tpu.memory_space<vmem>>
    %dma_wait3A_115 = arith.constant 0 : i32
    %dma_wait3A_116 = arith.constant 0 : i32
    %dma_wait3A_117 = tpu.memref_slice %arg7[%dma_wait3A_115, %dma_wait3A_116] : memref<10240x64xf32, #tpu.memory_space<vmem_shared>> -> memref<10240x64xf32, #tpu.memory_space<vmem_shared>>
    tpu.wait_indirect_dma semaphore(%arg19 : memref<!tpu.dma_semaphore, #tpu.memory_space<semaphore_mem>>) src(%dma_wait3A_111 : memref<80x64xf32, #tpu.memory_space<vmem>>) dst(%dma_wait3A_117 : memref<10240x64xf32, #tpu.memory_space<vmem_shared>>)
    %dma_wait3A_118 = arith.constant 4 : i32
    %dma_wait3A_119 = arith.constant 124 : i32
    %dma_wait3A_120 = arith.constant 0 : i32
    %dma_wait3A_121 = arith.constant 0 : i32
    %dma_wait3A_122 = tpu.memref_slice %arg10[%dma_wait3A_118, %dma_wait3A_120, %dma_wait3A_121] : memref<5x80x64xf32, #tpu.memory_space<vmem>> -> memref<1x80x64xf32, #tpu.memory_space<vmem>>
    %dma_wait3A_123 = tpu.memref_squeeze %dma_wait3A_122 : memref<1x80x64xf32, #tpu.memory_space<vmem>> -> memref<80x64xf32, #tpu.memory_space<vmem>>
    %dma_wait3A_124 = arith.constant 0 : i32
    %dma_wait3A_125 = tpu.memref_slice %arg9[%dma_wait3A_119, %dma_wait3A_124] : memref<125x80xi32, #tpu.memory_space<vmem>> -> memref<1x80xi32, #tpu.memory_space<vmem>>
    %dma_wait3A_126 = tpu.memref_squeeze %dma_wait3A_125 : memref<1x80xi32, #tpu.memory_space<vmem>> -> memref<80xi32, #tpu.memory_space<vmem>>
    %dma_wait3A_127 = arith.constant 0 : i32
    %dma_wait3A_128 = arith.constant 0 : i32
    %dma_wait3A_129 = tpu.memref_slice %arg7[%dma_wait3A_127, %dma_wait3A_128] : memref<10240x64xf32, #tpu.memory_space<vmem_shared>> -> memref<10240x64xf32, #tpu.memory_space<vmem_shared>>
    tpu.wait_indirect_dma semaphore(%arg20 : memref<!tpu.dma_semaphore, #tpu.memory_space<semaphore_mem>>) src(%dma_wait3A_123 : memref<80x64xf32, #tpu.memory_space<vmem>>) dst(%dma_wait3A_129 : memref<10240x64xf32, #tpu.memory_space<vmem_shared>>)
    %barrier3A_130 = arith.constant 0 : index
    tpu.barrier barrier_id(%barrier3A_130)
    %mul3A_131 = arith.constant 640 : i32
    %mul3A_132 = arith.muli %arg1, %mul3A_131 : i32
    %mul3A_133 = arith.constant 640 : i32
    %mul3A_134 = arith.muli %arg1, %mul3A_133 : i32
    "tpu.region"() ({
      %run_scoped3A = tpu.sem_alloc : memref<!tpu.dma_semaphore, #tpu.memory_space<semaphore_mem>>
      %dma_start3A_135 = arith.constant 0 : i32
      %dma_start3A_136 = arith.constant 0 : i32
      %dma_start3A_137 = tpu.memref_slice %arg6[%arg0, %dma_start3A_135, %dma_start3A_136] : memref<2x10240x64xf32, #tpu.memory_space<hbm>> -> memref<1x10240x64xf32, #tpu.memory_space<hbm>>
      %dma_start3A_138 = tpu.memref_squeeze %dma_start3A_137 : memref<1x10240x64xf32, #tpu.memory_space<hbm>> -> memref<10240x64xf32, #tpu.memory_space<hbm>>
      %dma_start3A_139 = arith.constant 0 : i32
      %dma_start3A_140 = tpu.memref_slice %dma_start3A_138[%mul3A_134, %dma_start3A_139] : memref<10240x64xf32, #tpu.memory_space<hbm>> -> memref<640x64xf32, #tpu.memory_space<hbm>>
      %dma_start3A_141 = arith.constant 0 : i32
      %dma_start3A_142 = tpu.memref_slice %arg7[%mul3A_132, %dma_start3A_141] : memref<10240x64xf32, #tpu.memory_space<vmem_shared>> -> memref<640x64xf32, #tpu.memory_space<vmem_shared>>
      tpu.enqueue_dma source(%dma_start3A_142 : memref<640x64xf32, #tpu.memory_space<vmem_shared>>) target(%dma_start3A_140 : memref<640x64xf32, #tpu.memory_space<hbm>>) target_semaphore(%run_scoped3A : memref<!tpu.dma_semaphore, #tpu.memory_space<semaphore_mem>>)
      %dma_wait3A_143 = arith.constant 0 : i32
      %dma_wait3A_144 = arith.constant 0 : i32
      %dma_wait3A_145 = tpu.memref_slice %arg6[%arg0, %dma_wait3A_143, %dma_wait3A_144] : memref<2x10240x64xf32, #tpu.memory_space<hbm>> -> memref<1x10240x64xf32, #tpu.memory_space<hbm>>
      %dma_wait3A_146 = tpu.memref_squeeze %dma_wait3A_145 : memref<1x10240x64xf32, #tpu.memory_space<hbm>> -> memref<10240x64xf32, #tpu.memory_space<hbm>>
      %dma_wait3A_147 = arith.constant 0 : i32
      %dma_wait3A_148 = tpu.memref_slice %dma_wait3A_146[%mul3A_134, %dma_wait3A_147] : memref<10240x64xf32, #tpu.memory_space<hbm>> -> memref<640x64xf32, #tpu.memory_space<hbm>>
      %dma_wait3A_149 = arith.constant 0 : i32
      %dma_wait3A_150 = tpu.memref_slice %arg7[%mul3A_132, %dma_wait3A_149] : memref<10240x64xf32, #tpu.memory_space<vmem_shared>> -> memref<640x64xf32, #tpu.memory_space<vmem_shared>>
      tpu.wait_dma2 semaphore(%run_scoped3A : memref<!tpu.dma_semaphore, #tpu.memory_space<semaphore_mem>>) src(%dma_wait3A_150 : memref<640x64xf32, #tpu.memory_space<vmem_shared>>) dst(%dma_wait3A_148 : memref<640x64xf32, #tpu.memory_space<hbm>>)
      tpu.yield
    }) : () -> ()
    return
  }
}

#map = affine_map<(d0, d1) -> (0, 0)>
#map1 = affine_map<(d0, d1) -> (0, 0, 0)>
module attributes {stable_mosaic.version = 14 : i64} {
  func.func @_scat_body(%arg0: i32, %arg1: i32, %arg2: memref<10240x64xf32, #tpu.memory_space<hbm>>, %arg3: memref<32x125x80xi32, #tpu.memory_space<hbm>>, %arg4: memref<32x125x80xi32, #tpu.memory_space<hbm>>, %arg5: memref<10240x64xf32, #tpu.memory_space<hbm>>, %arg6: memref<2x10240x64xf32, #tpu.memory_space<hbm>>, %arg7: memref<10240x64xf32, #tpu.memory_space<vmem_shared>>, %arg8: memref<125x80xi32, #tpu.memory_space<vmem>>, %arg9: memref<125x80xi32, #tpu.memory_space<vmem>>, %arg10: memref<5x80x64xf32, #tpu.memory_space<vmem>>, %arg11: memref<!tpu.dma_semaphore, #tpu.memory_space<semaphore_mem>>, %arg12: memref<!tpu.dma_semaphore, #tpu.memory_space<semaphore_mem>>, %arg13: memref<!tpu.dma_semaphore, #tpu.memory_space<semaphore_mem>>, %arg14: memref<!tpu.dma_semaphore, #tpu.memory_space<semaphore_mem>>, %arg15: memref<!tpu.dma_semaphore, #tpu.memory_space<semaphore_mem>>, %arg16: memref<!tpu.dma_semaphore, #tpu.memory_space<semaphore_mem>>, %arg17: memref<!tpu.dma_semaphore, #tpu.memory_space<semaphore_mem>>, %arg18: memref<!tpu.dma_semaphore, #tpu.memory_space<semaphore_mem>>, %arg19: memref<!tpu.dma_semaphore, #tpu.memory_space<semaphore_mem>>, %arg20: memref<!tpu.dma_semaphore, #tpu.memory_space<semaphore_mem>>) attributes {dimension_semantics = [#tpu.dimension_semantics<core_parallel>, #tpu.dimension_semantics<subcore_parallel>], iteration_bounds = array<i64: 2, 16>, scalar_prefetch = 0 : i64, scratch_operands = 14 : i64, tpu.core_type = #tpu.core_type<sc_vector_subcore>, window_params = [{transform_indices = #map}, {transform_indices = #map1}, {transform_indices = #map1}, {transform_indices = #map}, {transform_indices = #map1}]} {
    %mul3A = arith.constant 16 : i32
    %mul3A_0 = arith.muli %arg0, %mul3A : i32
    %add3A = arith.addi %mul3A_0, %arg1 : i32
    %eq3A = arith.constant 0 : i32
    %eq3A_1 = arith.cmpi eq, %arg0, %eq3A : i32
    %convert_element_type3A = arith.extui %eq3A_1 : i1 to i32
    %cond3A = arith.constant 0 : i32
    %cond3A_2 = arith.cmpi ne, %convert_element_type3A, %cond3A : i32
    scf.if %cond3A_2 {
      %mul3A_135 = arith.constant 640 : i32
      %mul3A_136 = arith.muli %arg1, %mul3A_135 : i32
      %mul3A_137 = arith.constant 640 : i32
      %mul3A_138 = arith.muli %arg1, %mul3A_137 : i32
      "tpu.region"() ({
        %run_scoped3A = tpu.sem_alloc : memref<!tpu.dma_semaphore, #tpu.memory_space<semaphore_mem>>
        %dma_start3A_139 = arith.constant 0 : i32
        %dma_start3A_140 = tpu.memref_slice %arg7[%mul3A_138, %dma_start3A_139] : memref<10240x64xf32, #tpu.memory_space<vmem_shared>> -> memref<640x64xf32, #tpu.memory_space<vmem_shared>>
        %dma_start3A_141 = arith.constant 0 : i32
        %dma_start3A_142 = tpu.memref_slice %arg2[%mul3A_136, %dma_start3A_141] : memref<10240x64xf32, #tpu.memory_space<hbm>> -> memref<640x64xf32, #tpu.memory_space<hbm>>
        tpu.enqueue_dma source(%dma_start3A_142 : memref<640x64xf32, #tpu.memory_space<hbm>>) target(%dma_start3A_140 : memref<640x64xf32, #tpu.memory_space<vmem_shared>>) target_semaphore(%run_scoped3A : memref<!tpu.dma_semaphore, #tpu.memory_space<semaphore_mem>>)
        %dma_wait3A_143 = arith.constant 0 : i32
        %dma_wait3A_144 = tpu.memref_slice %arg7[%mul3A_138, %dma_wait3A_143] : memref<10240x64xf32, #tpu.memory_space<vmem_shared>> -> memref<640x64xf32, #tpu.memory_space<vmem_shared>>
        %dma_wait3A_145 = arith.constant 0 : i32
        %dma_wait3A_146 = tpu.memref_slice %arg2[%mul3A_136, %dma_wait3A_145] : memref<10240x64xf32, #tpu.memory_space<hbm>> -> memref<640x64xf32, #tpu.memory_space<hbm>>
        tpu.wait_dma2 semaphore(%run_scoped3A : memref<!tpu.dma_semaphore, #tpu.memory_space<semaphore_mem>>) src(%dma_wait3A_146 : memref<640x64xf32, #tpu.memory_space<hbm>>) dst(%dma_wait3A_144 : memref<640x64xf32, #tpu.memory_space<vmem_shared>>)
        tpu.yield
      }) : () -> ()
    } else {
    }
    %ne3A = arith.constant 0 : i32
    %ne3A_3 = arith.cmpi ne, %arg0, %ne3A : i32
    %convert_element_type3A_4 = arith.extui %ne3A_3 : i1 to i32
    %cond3A_5 = arith.constant 0 : i32
    %cond3A_6 = arith.cmpi ne, %convert_element_type3A_4, %cond3A_5 : i32
    scf.if %cond3A_6 {
      %mul3A_135 = arith.constant 640 : i32
      %mul3A_136 = arith.muli %arg1, %mul3A_135 : i32
      %mul3A_137 = arith.constant 640 : i32
      %mul3A_138 = arith.muli %arg1, %mul3A_137 : i32
      "tpu.region"() ({
        %run_scoped3A = tpu.sem_alloc : memref<!tpu.dma_semaphore, #tpu.memory_space<semaphore_mem>>
        %dma_start3A_139 = arith.constant 0 : i32
        %dma_start3A_140 = tpu.memref_slice %arg7[%mul3A_138, %dma_start3A_139] : memref<10240x64xf32, #tpu.memory_space<vmem_shared>> -> memref<640x64xf32, #tpu.memory_space<vmem_shared>>
        %dma_start3A_141 = arith.constant 0 : i32
        %dma_start3A_142 = tpu.memref_slice %arg5[%mul3A_136, %dma_start3A_141] : memref<10240x64xf32, #tpu.memory_space<hbm>> -> memref<640x64xf32, #tpu.memory_space<hbm>>
        tpu.enqueue_dma source(%dma_start3A_142 : memref<640x64xf32, #tpu.memory_space<hbm>>) target(%dma_start3A_140 : memref<640x64xf32, #tpu.memory_space<vmem_shared>>) target_semaphore(%run_scoped3A : memref<!tpu.dma_semaphore, #tpu.memory_space<semaphore_mem>>)
        %dma_wait3A_143 = arith.constant 0 : i32
        %dma_wait3A_144 = tpu.memref_slice %arg7[%mul3A_138, %dma_wait3A_143] : memref<10240x64xf32, #tpu.memory_space<vmem_shared>> -> memref<640x64xf32, #tpu.memory_space<vmem_shared>>
        %dma_wait3A_145 = arith.constant 0 : i32
        %dma_wait3A_146 = tpu.memref_slice %arg5[%mul3A_136, %dma_wait3A_145] : memref<10240x64xf32, #tpu.memory_space<hbm>> -> memref<640x64xf32, #tpu.memory_space<hbm>>
        tpu.wait_dma2 semaphore(%run_scoped3A : memref<!tpu.dma_semaphore, #tpu.memory_space<semaphore_mem>>) src(%dma_wait3A_146 : memref<640x64xf32, #tpu.memory_space<hbm>>) dst(%dma_wait3A_144 : memref<640x64xf32, #tpu.memory_space<vmem_shared>>)
        tpu.yield
      }) : () -> ()
    } else {
    }
    "tpu.region"() ({
      %run_scoped3A = tpu.sem_alloc : memref<!tpu.dma_semaphore, #tpu.memory_space<semaphore_mem>>
      %dma_start3A_135 = arith.constant 0 : i32
      %dma_start3A_136 = arith.constant 0 : i32
      %dma_start3A_137 = tpu.memref_slice %arg3[%add3A, %dma_start3A_135, %dma_start3A_136] : memref<32x125x80xi32, #tpu.memory_space<hbm>> -> memref<1x125x80xi32, #tpu.memory_space<hbm>>
      %dma_start3A_138 = tpu.memref_squeeze %dma_start3A_137 : memref<1x125x80xi32, #tpu.memory_space<hbm>> -> memref<125x80xi32, #tpu.memory_space<hbm>>
      %dma_start3A_139 = arith.constant 0 : i32
      %dma_start3A_140 = arith.constant 0 : i32
      %dma_start3A_141 = tpu.memref_slice %arg3[%add3A, %dma_start3A_139, %dma_start3A_140] : memref<32x125x80xi32, #tpu.memory_space<hbm>> -> memref<1x125x80xi32, #tpu.memory_space<hbm>>
      %dma_start3A_142 = tpu.memref_squeeze %dma_start3A_141 : memref<1x125x80xi32, #tpu.memory_space<hbm>> -> memref<125x80xi32, #tpu.memory_space<hbm>>
      tpu.enqueue_dma source(%dma_start3A_142 : memref<125x80xi32, #tpu.memory_space<hbm>>) target(%arg8 : memref<125x80xi32, #tpu.memory_space<vmem>>) target_semaphore(%run_scoped3A : memref<!tpu.dma_semaphore, #tpu.memory_space<semaphore_mem>>)
      %dma_wait3A_143 = arith.constant 0 : i32
      %dma_wait3A_144 = arith.constant 0 : i32
      %dma_wait3A_145 = tpu.memref_slice %arg3[%add3A, %dma_wait3A_143, %dma_wait3A_144] : memref<32x125x80xi32, #tpu.memory_space<hbm>> -> memref<1x125x80xi32, #tpu.memory_space<hbm>>
      %dma_wait3A_146 = tpu.memref_squeeze %dma_wait3A_145 : memref<1x125x80xi32, #tpu.memory_space<hbm>> -> memref<125x80xi32, #tpu.memory_space<hbm>>
      %dma_wait3A_147 = arith.constant 0 : i32
      %dma_wait3A_148 = arith.constant 0 : i32
      %dma_wait3A_149 = tpu.memref_slice %arg3[%add3A, %dma_wait3A_147, %dma_wait3A_148] : memref<32x125x80xi32, #tpu.memory_space<hbm>> -> memref<1x125x80xi32, #tpu.memory_space<hbm>>
      %dma_wait3A_150 = tpu.memref_squeeze %dma_wait3A_149 : memref<1x125x80xi32, #tpu.memory_space<hbm>> -> memref<125x80xi32, #tpu.memory_space<hbm>>
      tpu.wait_dma2 semaphore(%run_scoped3A : memref<!tpu.dma_semaphore, #tpu.memory_space<semaphore_mem>>) src(%dma_wait3A_150 : memref<125x80xi32, #tpu.memory_space<hbm>>) dst(%arg8 : memref<125x80xi32, #tpu.memory_space<vmem>>)
      tpu.yield
    }) : () -> ()
    "tpu.region"() ({
      %run_scoped3A = tpu.sem_alloc : memref<!tpu.dma_semaphore, #tpu.memory_space<semaphore_mem>>
      %dma_start3A_135 = arith.constant 0 : i32
      %dma_start3A_136 = arith.constant 0 : i32
      %dma_start3A_137 = tpu.memref_slice %arg4[%add3A, %dma_start3A_135, %dma_start3A_136] : memref<32x125x80xi32, #tpu.memory_space<hbm>> -> memref<1x125x80xi32, #tpu.memory_space<hbm>>
      %dma_start3A_138 = tpu.memref_squeeze %dma_start3A_137 : memref<1x125x80xi32, #tpu.memory_space<hbm>> -> memref<125x80xi32, #tpu.memory_space<hbm>>
      %dma_start3A_139 = arith.constant 0 : i32
      %dma_start3A_140 = arith.constant 0 : i32
      %dma_start3A_141 = tpu.memref_slice %arg4[%add3A, %dma_start3A_139, %dma_start3A_140] : memref<32x125x80xi32, #tpu.memory_space<hbm>> -> memref<1x125x80xi32, #tpu.memory_space<hbm>>
      %dma_start3A_142 = tpu.memref_squeeze %dma_start3A_141 : memref<1x125x80xi32, #tpu.memory_space<hbm>> -> memref<125x80xi32, #tpu.memory_space<hbm>>
      tpu.enqueue_dma source(%dma_start3A_142 : memref<125x80xi32, #tpu.memory_space<hbm>>) target(%arg9 : memref<125x80xi32, #tpu.memory_space<vmem>>) target_semaphore(%run_scoped3A : memref<!tpu.dma_semaphore, #tpu.memory_space<semaphore_mem>>)
      %dma_wait3A_143 = arith.constant 0 : i32
      %dma_wait3A_144 = arith.constant 0 : i32
      %dma_wait3A_145 = tpu.memref_slice %arg4[%add3A, %dma_wait3A_143, %dma_wait3A_144] : memref<32x125x80xi32, #tpu.memory_space<hbm>> -> memref<1x125x80xi32, #tpu.memory_space<hbm>>
      %dma_wait3A_146 = tpu.memref_squeeze %dma_wait3A_145 : memref<1x125x80xi32, #tpu.memory_space<hbm>> -> memref<125x80xi32, #tpu.memory_space<hbm>>
      %dma_wait3A_147 = arith.constant 0 : i32
      %dma_wait3A_148 = arith.constant 0 : i32
      %dma_wait3A_149 = tpu.memref_slice %arg4[%add3A, %dma_wait3A_147, %dma_wait3A_148] : memref<32x125x80xi32, #tpu.memory_space<hbm>> -> memref<1x125x80xi32, #tpu.memory_space<hbm>>
      %dma_wait3A_150 = tpu.memref_squeeze %dma_wait3A_149 : memref<1x125x80xi32, #tpu.memory_space<hbm>> -> memref<125x80xi32, #tpu.memory_space<hbm>>
      tpu.wait_dma2 semaphore(%run_scoped3A : memref<!tpu.dma_semaphore, #tpu.memory_space<semaphore_mem>>) src(%dma_wait3A_150 : memref<125x80xi32, #tpu.memory_space<hbm>>) dst(%arg9 : memref<125x80xi32, #tpu.memory_space<vmem>>)
      tpu.yield
    }) : () -> ()
    %barrier3A = arith.constant 0 : index
    tpu.barrier barrier_id(%barrier3A)
    %dma_start3A = arith.constant 0 : i32
    %dma_start3A_7 = arith.constant 0 : i32
    %dma_start3A_8 = arith.constant 0 : i32
    %dma_start3A_9 = arith.constant 0 : i32
    %dma_start3A_10 = tpu.memref_slice %arg10[%dma_start3A_7, %dma_start3A_8, %dma_start3A_9] : memref<5x80x64xf32, #tpu.memory_space<vmem>> -> memref<1x80x64xf32, #tpu.memory_space<vmem>>
    %dma_start3A_11 = tpu.memref_squeeze %dma_start3A_10 : memref<1x80x64xf32, #tpu.memory_space<vmem>> -> memref<80x64xf32, #tpu.memory_space<vmem>>
    %dma_start3A_12 = arith.constant 0 : i32
    %dma_start3A_13 = tpu.memref_slice %arg8[%dma_start3A, %dma_start3A_12] : memref<125x80xi32, #tpu.memory_space<vmem>> -> memref<1x80xi32, #tpu.memory_space<vmem>>
    %dma_start3A_14 = tpu.memref_squeeze %dma_start3A_13 : memref<1x80xi32, #tpu.memory_space<vmem>> -> memref<80xi32, #tpu.memory_space<vmem>>
    %dma_start3A_15 = arith.constant 0 : i32
    %dma_start3A_16 = arith.constant 0 : i32
    %dma_start3A_17 = tpu.memref_slice %arg2[%dma_start3A_15, %dma_start3A_16] : memref<10240x64xf32, #tpu.memory_space<hbm>> -> memref<10240x64xf32, #tpu.memory_space<hbm>>
    tpu.enqueue_indirect_dma source(%dma_start3A_17 : memref<10240x64xf32, #tpu.memory_space<hbm>>) target(%dma_start3A_11 : memref<80x64xf32, #tpu.memory_space<vmem>>) offsets(%dma_start3A_14 : memref<80xi32, #tpu.memory_space<vmem>>) semaphore(%arg11 : memref<!tpu.dma_semaphore, #tpu.memory_space<semaphore_mem>>)
    %dma_start3A_18 = arith.constant 1 : i32
    %dma_start3A_19 = arith.constant 1 : i32
    %dma_start3A_20 = arith.constant 0 : i32
    %dma_start3A_21 = arith.constant 0 : i32
    %dma_start3A_22 = tpu.memref_slice %arg10[%dma_start3A_19, %dma_start3A_20, %dma_start3A_21] : memref<5x80x64xf32, #tpu.memory_space<vmem>> -> memref<1x80x64xf32, #tpu.memory_space<vmem>>
    %dma_start3A_23 = tpu.memref_squeeze %dma_start3A_22 : memref<1x80x64xf32, #tpu.memory_space<vmem>> -> memref<80x64xf32, #tpu.memory_space<vmem>>
    %dma_start3A_24 = arith.constant 0 : i32
    %dma_start3A_25 = tpu.memref_slice %arg8[%dma_start3A_18, %dma_start3A_24] : memref<125x80xi32, #tpu.memory_space<vmem>> -> memref<1x80xi32, #tpu.memory_space<vmem>>
    %dma_start3A_26 = tpu.memref_squeeze %dma_start3A_25 : memref<1x80xi32, #tpu.memory_space<vmem>> -> memref<80xi32, #tpu.memory_space<vmem>>
    %dma_start3A_27 = arith.constant 0 : i32
    %dma_start3A_28 = arith.constant 0 : i32
    %dma_start3A_29 = tpu.memref_slice %arg2[%dma_start3A_27, %dma_start3A_28] : memref<10240x64xf32, #tpu.memory_space<hbm>> -> memref<10240x64xf32, #tpu.memory_space<hbm>>
    tpu.enqueue_indirect_dma source(%dma_start3A_29 : memref<10240x64xf32, #tpu.memory_space<hbm>>) target(%dma_start3A_23 : memref<80x64xf32, #tpu.memory_space<vmem>>) offsets(%dma_start3A_26 : memref<80xi32, #tpu.memory_space<vmem>>) semaphore(%arg12 : memref<!tpu.dma_semaphore, #tpu.memory_space<semaphore_mem>>)
    %dma_start3A_30 = arith.constant 2 : i32
    %dma_start3A_31 = arith.constant 2 : i32
    %dma_start3A_32 = arith.constant 0 : i32
    %dma_start3A_33 = arith.constant 0 : i32
    %dma_start3A_34 = tpu.memref_slice %arg10[%dma_start3A_31, %dma_start3A_32, %dma_start3A_33] : memref<5x80x64xf32, #tpu.memory_space<vmem>> -> memref<1x80x64xf32, #tpu.memory_space<vmem>>
    %dma_start3A_35 = tpu.memref_squeeze %dma_start3A_34 : memref<1x80x64xf32, #tpu.memory_space<vmem>> -> memref<80x64xf32, #tpu.memory_space<vmem>>
    %dma_start3A_36 = arith.constant 0 : i32
    %dma_start3A_37 = tpu.memref_slice %arg8[%dma_start3A_30, %dma_start3A_36] : memref<125x80xi32, #tpu.memory_space<vmem>> -> memref<1x80xi32, #tpu.memory_space<vmem>>
    %dma_start3A_38 = tpu.memref_squeeze %dma_start3A_37 : memref<1x80xi32, #tpu.memory_space<vmem>> -> memref<80xi32, #tpu.memory_space<vmem>>
    %dma_start3A_39 = arith.constant 0 : i32
    %dma_start3A_40 = arith.constant 0 : i32
    %dma_start3A_41 = tpu.memref_slice %arg2[%dma_start3A_39, %dma_start3A_40] : memref<10240x64xf32, #tpu.memory_space<hbm>> -> memref<10240x64xf32, #tpu.memory_space<hbm>>
    tpu.enqueue_indirect_dma source(%dma_start3A_41 : memref<10240x64xf32, #tpu.memory_space<hbm>>) target(%dma_start3A_35 : memref<80x64xf32, #tpu.memory_space<vmem>>) offsets(%dma_start3A_38 : memref<80xi32, #tpu.memory_space<vmem>>) semaphore(%arg13 : memref<!tpu.dma_semaphore, #tpu.memory_space<semaphore_mem>>)
    %dma_start3A_42 = arith.constant 3 : i32
    %dma_start3A_43 = arith.constant 3 : i32
    %dma_start3A_44 = arith.constant 0 : i32
    %dma_start3A_45 = arith.constant 0 : i32
    %dma_start3A_46 = tpu.memref_slice %arg10[%dma_start3A_43, %dma_start3A_44, %dma_start3A_45] : memref<5x80x64xf32, #tpu.memory_space<vmem>> -> memref<1x80x64xf32, #tpu.memory_space<vmem>>
    %dma_start3A_47 = tpu.memref_squeeze %dma_start3A_46 : memref<1x80x64xf32, #tpu.memory_space<vmem>> -> memref<80x64xf32, #tpu.memory_space<vmem>>
    %dma_start3A_48 = arith.constant 0 : i32
    %dma_start3A_49 = tpu.memref_slice %arg8[%dma_start3A_42, %dma_start3A_48] : memref<125x80xi32, #tpu.memory_space<vmem>> -> memref<1x80xi32, #tpu.memory_space<vmem>>
    %dma_start3A_50 = tpu.memref_squeeze %dma_start3A_49 : memref<1x80xi32, #tpu.memory_space<vmem>> -> memref<80xi32, #tpu.memory_space<vmem>>
    %dma_start3A_51 = arith.constant 0 : i32
    %dma_start3A_52 = arith.constant 0 : i32
    %dma_start3A_53 = tpu.memref_slice %arg2[%dma_start3A_51, %dma_start3A_52] : memref<10240x64xf32, #tpu.memory_space<hbm>> -> memref<10240x64xf32, #tpu.memory_space<hbm>>
    tpu.enqueue_indirect_dma source(%dma_start3A_53 : memref<10240x64xf32, #tpu.memory_space<hbm>>) target(%dma_start3A_47 : memref<80x64xf32, #tpu.memory_space<vmem>>) offsets(%dma_start3A_50 : memref<80xi32, #tpu.memory_space<vmem>>) semaphore(%arg14 : memref<!tpu.dma_semaphore, #tpu.memory_space<semaphore_mem>>)
    %dma_start3A_54 = arith.constant 4 : i32
    %dma_start3A_55 = arith.constant 4 : i32
    %dma_start3A_56 = arith.constant 0 : i32
    %dma_start3A_57 = arith.constant 0 : i32
    %dma_start3A_58 = tpu.memref_slice %arg10[%dma_start3A_55, %dma_start3A_56, %dma_start3A_57] : memref<5x80x64xf32, #tpu.memory_space<vmem>> -> memref<1x80x64xf32, #tpu.memory_space<vmem>>
    %dma_start3A_59 = tpu.memref_squeeze %dma_start3A_58 : memref<1x80x64xf32, #tpu.memory_space<vmem>> -> memref<80x64xf32, #tpu.memory_space<vmem>>
    %dma_start3A_60 = arith.constant 0 : i32
    %dma_start3A_61 = tpu.memref_slice %arg8[%dma_start3A_54, %dma_start3A_60] : memref<125x80xi32, #tpu.memory_space<vmem>> -> memref<1x80xi32, #tpu.memory_space<vmem>>
    %dma_start3A_62 = tpu.memref_squeeze %dma_start3A_61 : memref<1x80xi32, #tpu.memory_space<vmem>> -> memref<80xi32, #tpu.memory_space<vmem>>
    %dma_start3A_63 = arith.constant 0 : i32
    %dma_start3A_64 = arith.constant 0 : i32
    %dma_start3A_65 = tpu.memref_slice %arg2[%dma_start3A_63, %dma_start3A_64] : memref<10240x64xf32, #tpu.memory_space<hbm>> -> memref<10240x64xf32, #tpu.memory_space<hbm>>
    tpu.enqueue_indirect_dma source(%dma_start3A_65 : memref<10240x64xf32, #tpu.memory_space<hbm>>) target(%dma_start3A_59 : memref<80x64xf32, #tpu.memory_space<vmem>>) offsets(%dma_start3A_62 : memref<80xi32, #tpu.memory_space<vmem>>) semaphore(%arg15 : memref<!tpu.dma_semaphore, #tpu.memory_space<semaphore_mem>>)
    %scan3A = arith.constant 0 : i32
    %scan3A_66 = arith.constant 0 : i32
    %scan3A_67 = arith.constant 25 : i32
    %scan3A_68 = arith.addi %scan3A_66, %scan3A_67 : i32
    %scan3A_69 = arith.constant 1 : i32
    scf.for %scan3A_135 = %scan3A_66 to %scan3A_68 step %scan3A_69  : i32 {
      %mul3A_136 = arith.constant 5 : i32
      %mul3A_137 = arith.muli %scan3A_135, %mul3A_136 : i32
      %add3A_138 = arith.constant 0 : i32
      %add3A_139 = arith.addi %mul3A_137, %add3A_138 : i32
      %dma_wait3A_140 = arith.constant 0 : i32
      %dma_wait3A_141 = arith.constant 0 : i32
      %dma_wait3A_142 = arith.constant 0 : i32
      %dma_wait3A_143 = tpu.memref_slice %arg10[%dma_wait3A_140, %dma_wait3A_141, %dma_wait3A_142] : memref<5x80x64xf32, #tpu.memory_space<vmem>> -> memref<1x80x64xf32, #tpu.memory_space<vmem>>
      %dma_wait3A_144 = tpu.memref_squeeze %dma_wait3A_143 : memref<1x80x64xf32, #tpu.memory_space<vmem>> -> memref<80x64xf32, #tpu.memory_space<vmem>>
      %dma_wait3A_145 = arith.constant 0 : i32
      %dma_wait3A_146 = tpu.memref_slice %arg8[%add3A_139, %dma_wait3A_145] : memref<125x80xi32, #tpu.memory_space<vmem>> -> memref<1x80xi32, #tpu.memory_space<vmem>>
      %dma_wait3A_147 = tpu.memref_squeeze %dma_wait3A_146 : memref<1x80xi32, #tpu.memory_space<vmem>> -> memref<80xi32, #tpu.memory_space<vmem>>
      %dma_wait3A_148 = arith.constant 0 : i32
      %dma_wait3A_149 = arith.constant 0 : i32
      %dma_wait3A_150 = tpu.memref_slice %arg2[%dma_wait3A_148, %dma_wait3A_149] : memref<10240x64xf32, #tpu.memory_space<hbm>> -> memref<10240x64xf32, #tpu.memory_space<hbm>>
      tpu.wait_indirect_dma semaphore(%arg11 : memref<!tpu.dma_semaphore, #tpu.memory_space<semaphore_mem>>) src(%dma_wait3A_150 : memref<10240x64xf32, #tpu.memory_space<hbm>>) dst(%dma_wait3A_144 : memref<80x64xf32, #tpu.memory_space<vmem>>)
      %dma_start3A_151 = arith.constant 0 : i32
      %dma_start3A_152 = arith.constant 0 : i32
      %dma_start3A_153 = arith.constant 0 : i32
      %dma_start3A_154 = tpu.memref_slice %arg10[%dma_start3A_151, %dma_start3A_152, %dma_start3A_153] : memref<5x80x64xf32, #tpu.memory_space<vmem>> -> memref<1x80x64xf32, #tpu.memory_space<vmem>>
      %dma_start3A_155 = tpu.memref_squeeze %dma_start3A_154 : memref<1x80x64xf32, #tpu.memory_space<vmem>> -> memref<80x64xf32, #tpu.memory_space<vmem>>
      %dma_start3A_156 = arith.constant 0 : i32
      %dma_start3A_157 = tpu.memref_slice %arg9[%add3A_139, %dma_start3A_156] : memref<125x80xi32, #tpu.memory_space<vmem>> -> memref<1x80xi32, #tpu.memory_space<vmem>>
      %dma_start3A_158 = tpu.memref_squeeze %dma_start3A_157 : memref<1x80xi32, #tpu.memory_space<vmem>> -> memref<80xi32, #tpu.memory_space<vmem>>
      %dma_start3A_159 = arith.constant 0 : i32
      %dma_start3A_160 = arith.constant 0 : i32
      %dma_start3A_161 = tpu.memref_slice %arg7[%dma_start3A_159, %dma_start3A_160] : memref<10240x64xf32, #tpu.memory_space<vmem_shared>> -> memref<10240x64xf32, #tpu.memory_space<vmem_shared>>
      tpu.enqueue_indirect_dma source(%dma_start3A_155 : memref<80x64xf32, #tpu.memory_space<vmem>>) target(%dma_start3A_161 : memref<10240x64xf32, #tpu.memory_space<vmem_shared>>) offsets(%dma_start3A_158 : memref<80xi32, #tpu.memory_space<vmem>>) semaphore(%arg16 : memref<!tpu.dma_semaphore, #tpu.memory_space<semaphore_mem>>) {add = true}
      %lt3A = arith.constant 24 : i32
      %lt3A_162 = arith.cmpi slt, %scan3A_135, %lt3A : i32
      %convert_element_type3A_163 = arith.extui %lt3A_162 : i1 to i32
      %cond3A_164 = arith.constant 0 : i32
      %cond3A_165 = arith.cmpi ne, %convert_element_type3A_163, %cond3A_164 : i32
      scf.if %cond3A_165 {
        %dma_wait3A_290 = arith.constant 0 : i32
        %dma_wait3A_291 = arith.constant 0 : i32
        %dma_wait3A_292 = arith.constant 0 : i32
        %dma_wait3A_293 = tpu.memref_slice %arg10[%dma_wait3A_290, %dma_wait3A_291, %dma_wait3A_292] : memref<5x80x64xf32, #tpu.memory_space<vmem>> -> memref<1x80x64xf32, #tpu.memory_space<vmem>>
        %dma_wait3A_294 = tpu.memref_squeeze %dma_wait3A_293 : memref<1x80x64xf32, #tpu.memory_space<vmem>> -> memref<80x64xf32, #tpu.memory_space<vmem>>
        %dma_wait3A_295 = arith.constant 0 : i32
        %dma_wait3A_296 = tpu.memref_slice %arg9[%add3A_139, %dma_wait3A_295] : memref<125x80xi32, #tpu.memory_space<vmem>> -> memref<1x80xi32, #tpu.memory_space<vmem>>
        %dma_wait3A_297 = tpu.memref_squeeze %dma_wait3A_296 : memref<1x80xi32, #tpu.memory_space<vmem>> -> memref<80xi32, #tpu.memory_space<vmem>>
        %dma_wait3A_298 = arith.constant 0 : i32
        %dma_wait3A_299 = arith.constant 0 : i32
        %dma_wait3A_300 = tpu.memref_slice %arg7[%dma_wait3A_298, %dma_wait3A_299] : memref<10240x64xf32, #tpu.memory_space<vmem_shared>> -> memref<10240x64xf32, #tpu.memory_space<vmem_shared>>
        tpu.wait_indirect_dma semaphore(%arg16 : memref<!tpu.dma_semaphore, #tpu.memory_space<semaphore_mem>>) src(%dma_wait3A_294 : memref<80x64xf32, #tpu.memory_space<vmem>>) dst(%dma_wait3A_300 : memref<10240x64xf32, #tpu.memory_space<vmem_shared>>)
        %add3A_301 = arith.constant 5 : i32
        %add3A_302 = arith.addi %add3A_139, %add3A_301 : i32
        %dma_start3A_303 = arith.constant 0 : i32
        %dma_start3A_304 = arith.constant 0 : i32
        %dma_start3A_305 = arith.constant 0 : i32
        %dma_start3A_306 = tpu.memref_slice %arg10[%dma_start3A_303, %dma_start3A_304, %dma_start3A_305] : memref<5x80x64xf32, #tpu.memory_space<vmem>> -> memref<1x80x64xf32, #tpu.memory_space<vmem>>
        %dma_start3A_307 = tpu.memref_squeeze %dma_start3A_306 : memref<1x80x64xf32, #tpu.memory_space<vmem>> -> memref<80x64xf32, #tpu.memory_space<vmem>>
        %dma_start3A_308 = arith.constant 0 : i32
        %dma_start3A_309 = tpu.memref_slice %arg8[%add3A_302, %dma_start3A_308] : memref<125x80xi32, #tpu.memory_space<vmem>> -> memref<1x80xi32, #tpu.memory_space<vmem>>
        %dma_start3A_310 = tpu.memref_squeeze %dma_start3A_309 : memref<1x80xi32, #tpu.memory_space<vmem>> -> memref<80xi32, #tpu.memory_space<vmem>>
        %dma_start3A_311 = arith.constant 0 : i32
        %dma_start3A_312 = arith.constant 0 : i32
        %dma_start3A_313 = tpu.memref_slice %arg2[%dma_start3A_311, %dma_start3A_312] : memref<10240x64xf32, #tpu.memory_space<hbm>> -> memref<10240x64xf32, #tpu.memory_space<hbm>>
        tpu.enqueue_indirect_dma source(%dma_start3A_313 : memref<10240x64xf32, #tpu.memory_space<hbm>>) target(%dma_start3A_307 : memref<80x64xf32, #tpu.memory_space<vmem>>) offsets(%dma_start3A_310 : memref<80xi32, #tpu.memory_space<vmem>>) semaphore(%arg11 : memref<!tpu.dma_semaphore, #tpu.memory_space<semaphore_mem>>)
      } else {
      }
      %mul3A_166 = arith.constant 5 : i32
      %mul3A_167 = arith.muli %scan3A_135, %mul3A_166 : i32
      %add3A_168 = arith.constant 1 : i32
      %add3A_169 = arith.addi %mul3A_167, %add3A_168 : i32
      %dma_wait3A_170 = arith.constant 1 : i32
      %dma_wait3A_171 = arith.constant 0 : i32
      %dma_wait3A_172 = arith.constant 0 : i32
      %dma_wait3A_173 = tpu.memref_slice %arg10[%dma_wait3A_170, %dma_wait3A_171, %dma_wait3A_172] : memref<5x80x64xf32, #tpu.memory_space<vmem>> -> memref<1x80x64xf32, #tpu.memory_space<vmem>>
      %dma_wait3A_174 = tpu.memref_squeeze %dma_wait3A_173 : memref<1x80x64xf32, #tpu.memory_space<vmem>> -> memref<80x64xf32, #tpu.memory_space<vmem>>
      %dma_wait3A_175 = arith.constant 0 : i32
      %dma_wait3A_176 = tpu.memref_slice %arg8[%add3A_169, %dma_wait3A_175] : memref<125x80xi32, #tpu.memory_space<vmem>> -> memref<1x80xi32, #tpu.memory_space<vmem>>
      %dma_wait3A_177 = tpu.memref_squeeze %dma_wait3A_176 : memref<1x80xi32, #tpu.memory_space<vmem>> -> memref<80xi32, #tpu.memory_space<vmem>>
      %dma_wait3A_178 = arith.constant 0 : i32
      %dma_wait3A_179 = arith.constant 0 : i32
      %dma_wait3A_180 = tpu.memref_slice %arg2[%dma_wait3A_178, %dma_wait3A_179] : memref<10240x64xf32, #tpu.memory_space<hbm>> -> memref<10240x64xf32, #tpu.memory_space<hbm>>
      tpu.wait_indirect_dma semaphore(%arg12 : memref<!tpu.dma_semaphore, #tpu.memory_space<semaphore_mem>>) src(%dma_wait3A_180 : memref<10240x64xf32, #tpu.memory_space<hbm>>) dst(%dma_wait3A_174 : memref<80x64xf32, #tpu.memory_space<vmem>>)
      %dma_start3A_181 = arith.constant 1 : i32
      %dma_start3A_182 = arith.constant 0 : i32
      %dma_start3A_183 = arith.constant 0 : i32
      %dma_start3A_184 = tpu.memref_slice %arg10[%dma_start3A_181, %dma_start3A_182, %dma_start3A_183] : memref<5x80x64xf32, #tpu.memory_space<vmem>> -> memref<1x80x64xf32, #tpu.memory_space<vmem>>
      %dma_start3A_185 = tpu.memref_squeeze %dma_start3A_184 : memref<1x80x64xf32, #tpu.memory_space<vmem>> -> memref<80x64xf32, #tpu.memory_space<vmem>>
      %dma_start3A_186 = arith.constant 0 : i32
      %dma_start3A_187 = tpu.memref_slice %arg9[%add3A_169, %dma_start3A_186] : memref<125x80xi32, #tpu.memory_space<vmem>> -> memref<1x80xi32, #tpu.memory_space<vmem>>
      %dma_start3A_188 = tpu.memref_squeeze %dma_start3A_187 : memref<1x80xi32, #tpu.memory_space<vmem>> -> memref<80xi32, #tpu.memory_space<vmem>>
      %dma_start3A_189 = arith.constant 0 : i32
      %dma_start3A_190 = arith.constant 0 : i32
      %dma_start3A_191 = tpu.memref_slice %arg7[%dma_start3A_189, %dma_start3A_190] : memref<10240x64xf32, #tpu.memory_space<vmem_shared>> -> memref<10240x64xf32, #tpu.memory_space<vmem_shared>>
      tpu.enqueue_indirect_dma source(%dma_start3A_185 : memref<80x64xf32, #tpu.memory_space<vmem>>) target(%dma_start3A_191 : memref<10240x64xf32, #tpu.memory_space<vmem_shared>>) offsets(%dma_start3A_188 : memref<80xi32, #tpu.memory_space<vmem>>) semaphore(%arg17 : memref<!tpu.dma_semaphore, #tpu.memory_space<semaphore_mem>>) {add = true}
      %lt3A_192 = arith.constant 24 : i32
      %lt3A_193 = arith.cmpi slt, %scan3A_135, %lt3A_192 : i32
      %convert_element_type3A_194 = arith.extui %lt3A_193 : i1 to i32
      %cond3A_195 = arith.constant 0 : i32
      %cond3A_196 = arith.cmpi ne, %convert_element_type3A_194, %cond3A_195 : i32
      scf.if %cond3A_196 {
        %dma_wait3A_290 = arith.constant 1 : i32
        %dma_wait3A_291 = arith.constant 0 : i32
        %dma_wait3A_292 = arith.constant 0 : i32
        %dma_wait3A_293 = tpu.memref_slice %arg10[%dma_wait3A_290, %dma_wait3A_291, %dma_wait3A_292] : memref<5x80x64xf32, #tpu.memory_space<vmem>> -> memref<1x80x64xf32, #tpu.memory_space<vmem>>
        %dma_wait3A_294 = tpu.memref_squeeze %dma_wait3A_293 : memref<1x80x64xf32, #tpu.memory_space<vmem>> -> memref<80x64xf32, #tpu.memory_space<vmem>>
        %dma_wait3A_295 = arith.constant 0 : i32
        %dma_wait3A_296 = tpu.memref_slice %arg9[%add3A_169, %dma_wait3A_295] : memref<125x80xi32, #tpu.memory_space<vmem>> -> memref<1x80xi32, #tpu.memory_space<vmem>>
        %dma_wait3A_297 = tpu.memref_squeeze %dma_wait3A_296 : memref<1x80xi32, #tpu.memory_space<vmem>> -> memref<80xi32, #tpu.memory_space<vmem>>
        %dma_wait3A_298 = arith.constant 0 : i32
        %dma_wait3A_299 = arith.constant 0 : i32
        %dma_wait3A_300 = tpu.memref_slice %arg7[%dma_wait3A_298, %dma_wait3A_299] : memref<10240x64xf32, #tpu.memory_space<vmem_shared>> -> memref<10240x64xf32, #tpu.memory_space<vmem_shared>>
        tpu.wait_indirect_dma semaphore(%arg17 : memref<!tpu.dma_semaphore, #tpu.memory_space<semaphore_mem>>) src(%dma_wait3A_294 : memref<80x64xf32, #tpu.memory_space<vmem>>) dst(%dma_wait3A_300 : memref<10240x64xf32, #tpu.memory_space<vmem_shared>>)
        %add3A_301 = arith.constant 5 : i32
        %add3A_302 = arith.addi %add3A_169, %add3A_301 : i32
        %dma_start3A_303 = arith.constant 1 : i32
        %dma_start3A_304 = arith.constant 0 : i32
        %dma_start3A_305 = arith.constant 0 : i32
        %dma_start3A_306 = tpu.memref_slice %arg10[%dma_start3A_303, %dma_start3A_304, %dma_start3A_305] : memref<5x80x64xf32, #tpu.memory_space<vmem>> -> memref<1x80x64xf32, #tpu.memory_space<vmem>>
        %dma_start3A_307 = tpu.memref_squeeze %dma_start3A_306 : memref<1x80x64xf32, #tpu.memory_space<vmem>> -> memref<80x64xf32, #tpu.memory_space<vmem>>
        %dma_start3A_308 = arith.constant 0 : i32
        %dma_start3A_309 = tpu.memref_slice %arg8[%add3A_302, %dma_start3A_308] : memref<125x80xi32, #tpu.memory_space<vmem>> -> memref<1x80xi32, #tpu.memory_space<vmem>>
        %dma_start3A_310 = tpu.memref_squeeze %dma_start3A_309 : memref<1x80xi32, #tpu.memory_space<vmem>> -> memref<80xi32, #tpu.memory_space<vmem>>
        %dma_start3A_311 = arith.constant 0 : i32
        %dma_start3A_312 = arith.constant 0 : i32
        %dma_start3A_313 = tpu.memref_slice %arg2[%dma_start3A_311, %dma_start3A_312] : memref<10240x64xf32, #tpu.memory_space<hbm>> -> memref<10240x64xf32, #tpu.memory_space<hbm>>
        tpu.enqueue_indirect_dma source(%dma_start3A_313 : memref<10240x64xf32, #tpu.memory_space<hbm>>) target(%dma_start3A_307 : memref<80x64xf32, #tpu.memory_space<vmem>>) offsets(%dma_start3A_310 : memref<80xi32, #tpu.memory_space<vmem>>) semaphore(%arg12 : memref<!tpu.dma_semaphore, #tpu.memory_space<semaphore_mem>>)
      } else {
      }
      %mul3A_197 = arith.constant 5 : i32
      %mul3A_198 = arith.muli %scan3A_135, %mul3A_197 : i32
      %add3A_199 = arith.constant 2 : i32
      %add3A_200 = arith.addi %mul3A_198, %add3A_199 : i32
      %dma_wait3A_201 = arith.constant 2 : i32
      %dma_wait3A_202 = arith.constant 0 : i32
      %dma_wait3A_203 = arith.constant 0 : i32
      %dma_wait3A_204 = tpu.memref_slice %arg10[%dma_wait3A_201, %dma_wait3A_202, %dma_wait3A_203] : memref<5x80x64xf32, #tpu.memory_space<vmem>> -> memref<1x80x64xf32, #tpu.memory_space<vmem>>
      %dma_wait3A_205 = tpu.memref_squeeze %dma_wait3A_204 : memref<1x80x64xf32, #tpu.memory_space<vmem>> -> memref<80x64xf32, #tpu.memory_space<vmem>>
      %dma_wait3A_206 = arith.constant 0 : i32
      %dma_wait3A_207 = tpu.memref_slice %arg8[%add3A_200, %dma_wait3A_206] : memref<125x80xi32, #tpu.memory_space<vmem>> -> memref<1x80xi32, #tpu.memory_space<vmem>>
      %dma_wait3A_208 = tpu.memref_squeeze %dma_wait3A_207 : memref<1x80xi32, #tpu.memory_space<vmem>> -> memref<80xi32, #tpu.memory_space<vmem>>
      %dma_wait3A_209 = arith.constant 0 : i32
      %dma_wait3A_210 = arith.constant 0 : i32
      %dma_wait3A_211 = tpu.memref_slice %arg2[%dma_wait3A_209, %dma_wait3A_210] : memref<10240x64xf32, #tpu.memory_space<hbm>> -> memref<10240x64xf32, #tpu.memory_space<hbm>>
      tpu.wait_indirect_dma semaphore(%arg13 : memref<!tpu.dma_semaphore, #tpu.memory_space<semaphore_mem>>) src(%dma_wait3A_211 : memref<10240x64xf32, #tpu.memory_space<hbm>>) dst(%dma_wait3A_205 : memref<80x64xf32, #tpu.memory_space<vmem>>)
      %dma_start3A_212 = arith.constant 2 : i32
      %dma_start3A_213 = arith.constant 0 : i32
      %dma_start3A_214 = arith.constant 0 : i32
      %dma_start3A_215 = tpu.memref_slice %arg10[%dma_start3A_212, %dma_start3A_213, %dma_start3A_214] : memref<5x80x64xf32, #tpu.memory_space<vmem>> -> memref<1x80x64xf32, #tpu.memory_space<vmem>>
      %dma_start3A_216 = tpu.memref_squeeze %dma_start3A_215 : memref<1x80x64xf32, #tpu.memory_space<vmem>> -> memref<80x64xf32, #tpu.memory_space<vmem>>
      %dma_start3A_217 = arith.constant 0 : i32
      %dma_start3A_218 = tpu.memref_slice %arg9[%add3A_200, %dma_start3A_217] : memref<125x80xi32, #tpu.memory_space<vmem>> -> memref<1x80xi32, #tpu.memory_space<vmem>>
      %dma_start3A_219 = tpu.memref_squeeze %dma_start3A_218 : memref<1x80xi32, #tpu.memory_space<vmem>> -> memref<80xi32, #tpu.memory_space<vmem>>
      %dma_start3A_220 = arith.constant 0 : i32
      %dma_start3A_221 = arith.constant 0 : i32
      %dma_start3A_222 = tpu.memref_slice %arg7[%dma_start3A_220, %dma_start3A_221] : memref<10240x64xf32, #tpu.memory_space<vmem_shared>> -> memref<10240x64xf32, #tpu.memory_space<vmem_shared>>
      tpu.enqueue_indirect_dma source(%dma_start3A_216 : memref<80x64xf32, #tpu.memory_space<vmem>>) target(%dma_start3A_222 : memref<10240x64xf32, #tpu.memory_space<vmem_shared>>) offsets(%dma_start3A_219 : memref<80xi32, #tpu.memory_space<vmem>>) semaphore(%arg18 : memref<!tpu.dma_semaphore, #tpu.memory_space<semaphore_mem>>) {add = true}
      %lt3A_223 = arith.constant 24 : i32
      %lt3A_224 = arith.cmpi slt, %scan3A_135, %lt3A_223 : i32
      %convert_element_type3A_225 = arith.extui %lt3A_224 : i1 to i32
      %cond3A_226 = arith.constant 0 : i32
      %cond3A_227 = arith.cmpi ne, %convert_element_type3A_225, %cond3A_226 : i32
      scf.if %cond3A_227 {
        %dma_wait3A_290 = arith.constant 2 : i32
        %dma_wait3A_291 = arith.constant 0 : i32
        %dma_wait3A_292 = arith.constant 0 : i32
        %dma_wait3A_293 = tpu.memref_slice %arg10[%dma_wait3A_290, %dma_wait3A_291, %dma_wait3A_292] : memref<5x80x64xf32, #tpu.memory_space<vmem>> -> memref<1x80x64xf32, #tpu.memory_space<vmem>>
        %dma_wait3A_294 = tpu.memref_squeeze %dma_wait3A_293 : memref<1x80x64xf32, #tpu.memory_space<vmem>> -> memref<80x64xf32, #tpu.memory_space<vmem>>
        %dma_wait3A_295 = arith.constant 0 : i32
        %dma_wait3A_296 = tpu.memref_slice %arg9[%add3A_200, %dma_wait3A_295] : memref<125x80xi32, #tpu.memory_space<vmem>> -> memref<1x80xi32, #tpu.memory_space<vmem>>
        %dma_wait3A_297 = tpu.memref_squeeze %dma_wait3A_296 : memref<1x80xi32, #tpu.memory_space<vmem>> -> memref<80xi32, #tpu.memory_space<vmem>>
        %dma_wait3A_298 = arith.constant 0 : i32
        %dma_wait3A_299 = arith.constant 0 : i32
        %dma_wait3A_300 = tpu.memref_slice %arg7[%dma_wait3A_298, %dma_wait3A_299] : memref<10240x64xf32, #tpu.memory_space<vmem_shared>> -> memref<10240x64xf32, #tpu.memory_space<vmem_shared>>
        tpu.wait_indirect_dma semaphore(%arg18 : memref<!tpu.dma_semaphore, #tpu.memory_space<semaphore_mem>>) src(%dma_wait3A_294 : memref<80x64xf32, #tpu.memory_space<vmem>>) dst(%dma_wait3A_300 : memref<10240x64xf32, #tpu.memory_space<vmem_shared>>)
        %add3A_301 = arith.constant 5 : i32
        %add3A_302 = arith.addi %add3A_200, %add3A_301 : i32
        %dma_start3A_303 = arith.constant 2 : i32
        %dma_start3A_304 = arith.constant 0 : i32
        %dma_start3A_305 = arith.constant 0 : i32
        %dma_start3A_306 = tpu.memref_slice %arg10[%dma_start3A_303, %dma_start3A_304, %dma_start3A_305] : memref<5x80x64xf32, #tpu.memory_space<vmem>> -> memref<1x80x64xf32, #tpu.memory_space<vmem>>
        %dma_start3A_307 = tpu.memref_squeeze %dma_start3A_306 : memref<1x80x64xf32, #tpu.memory_space<vmem>> -> memref<80x64xf32, #tpu.memory_space<vmem>>
        %dma_start3A_308 = arith.constant 0 : i32
        %dma_start3A_309 = tpu.memref_slice %arg8[%add3A_302, %dma_start3A_308] : memref<125x80xi32, #tpu.memory_space<vmem>> -> memref<1x80xi32, #tpu.memory_space<vmem>>
        %dma_start3A_310 = tpu.memref_squeeze %dma_start3A_309 : memref<1x80xi32, #tpu.memory_space<vmem>> -> memref<80xi32, #tpu.memory_space<vmem>>
        %dma_start3A_311 = arith.constant 0 : i32
        %dma_start3A_312 = arith.constant 0 : i32
        %dma_start3A_313 = tpu.memref_slice %arg2[%dma_start3A_311, %dma_start3A_312] : memref<10240x64xf32, #tpu.memory_space<hbm>> -> memref<10240x64xf32, #tpu.memory_space<hbm>>
        tpu.enqueue_indirect_dma source(%dma_start3A_313 : memref<10240x64xf32, #tpu.memory_space<hbm>>) target(%dma_start3A_307 : memref<80x64xf32, #tpu.memory_space<vmem>>) offsets(%dma_start3A_310 : memref<80xi32, #tpu.memory_space<vmem>>) semaphore(%arg13 : memref<!tpu.dma_semaphore, #tpu.memory_space<semaphore_mem>>)
      } else {
      }
      %mul3A_228 = arith.constant 5 : i32
      %mul3A_229 = arith.muli %scan3A_135, %mul3A_228 : i32
      %add3A_230 = arith.constant 3 : i32
      %add3A_231 = arith.addi %mul3A_229, %add3A_230 : i32
      %dma_wait3A_232 = arith.constant 3 : i32
      %dma_wait3A_233 = arith.constant 0 : i32
      %dma_wait3A_234 = arith.constant 0 : i32
      %dma_wait3A_235 = tpu.memref_slice %arg10[%dma_wait3A_232, %dma_wait3A_233, %dma_wait3A_234] : memref<5x80x64xf32, #tpu.memory_space<vmem>> -> memref<1x80x64xf32, #tpu.memory_space<vmem>>
      %dma_wait3A_236 = tpu.memref_squeeze %dma_wait3A_235 : memref<1x80x64xf32, #tpu.memory_space<vmem>> -> memref<80x64xf32, #tpu.memory_space<vmem>>
      %dma_wait3A_237 = arith.constant 0 : i32
      %dma_wait3A_238 = tpu.memref_slice %arg8[%add3A_231, %dma_wait3A_237] : memref<125x80xi32, #tpu.memory_space<vmem>> -> memref<1x80xi32, #tpu.memory_space<vmem>>
      %dma_wait3A_239 = tpu.memref_squeeze %dma_wait3A_238 : memref<1x80xi32, #tpu.memory_space<vmem>> -> memref<80xi32, #tpu.memory_space<vmem>>
      %dma_wait3A_240 = arith.constant 0 : i32
      %dma_wait3A_241 = arith.constant 0 : i32
      %dma_wait3A_242 = tpu.memref_slice %arg2[%dma_wait3A_240, %dma_wait3A_241] : memref<10240x64xf32, #tpu.memory_space<hbm>> -> memref<10240x64xf32, #tpu.memory_space<hbm>>
      tpu.wait_indirect_dma semaphore(%arg14 : memref<!tpu.dma_semaphore, #tpu.memory_space<semaphore_mem>>) src(%dma_wait3A_242 : memref<10240x64xf32, #tpu.memory_space<hbm>>) dst(%dma_wait3A_236 : memref<80x64xf32, #tpu.memory_space<vmem>>)
      %dma_start3A_243 = arith.constant 3 : i32
      %dma_start3A_244 = arith.constant 0 : i32
      %dma_start3A_245 = arith.constant 0 : i32
      %dma_start3A_246 = tpu.memref_slice %arg10[%dma_start3A_243, %dma_start3A_244, %dma_start3A_245] : memref<5x80x64xf32, #tpu.memory_space<vmem>> -> memref<1x80x64xf32, #tpu.memory_space<vmem>>
      %dma_start3A_247 = tpu.memref_squeeze %dma_start3A_246 : memref<1x80x64xf32, #tpu.memory_space<vmem>> -> memref<80x64xf32, #tpu.memory_space<vmem>>
      %dma_start3A_248 = arith.constant 0 : i32
      %dma_start3A_249 = tpu.memref_slice %arg9[%add3A_231, %dma_start3A_248] : memref<125x80xi32, #tpu.memory_space<vmem>> -> memref<1x80xi32, #tpu.memory_space<vmem>>
      %dma_start3A_250 = tpu.memref_squeeze %dma_start3A_249 : memref<1x80xi32, #tpu.memory_space<vmem>> -> memref<80xi32, #tpu.memory_space<vmem>>
      %dma_start3A_251 = arith.constant 0 : i32
      %dma_start3A_252 = arith.constant 0 : i32
      %dma_start3A_253 = tpu.memref_slice %arg7[%dma_start3A_251, %dma_start3A_252] : memref<10240x64xf32, #tpu.memory_space<vmem_shared>> -> memref<10240x64xf32, #tpu.memory_space<vmem_shared>>
      tpu.enqueue_indirect_dma source(%dma_start3A_247 : memref<80x64xf32, #tpu.memory_space<vmem>>) target(%dma_start3A_253 : memref<10240x64xf32, #tpu.memory_space<vmem_shared>>) offsets(%dma_start3A_250 : memref<80xi32, #tpu.memory_space<vmem>>) semaphore(%arg19 : memref<!tpu.dma_semaphore, #tpu.memory_space<semaphore_mem>>) {add = true}
      %lt3A_254 = arith.constant 24 : i32
      %lt3A_255 = arith.cmpi slt, %scan3A_135, %lt3A_254 : i32
      %convert_element_type3A_256 = arith.extui %lt3A_255 : i1 to i32
      %cond3A_257 = arith.constant 0 : i32
      %cond3A_258 = arith.cmpi ne, %convert_element_type3A_256, %cond3A_257 : i32
      scf.if %cond3A_258 {
        %dma_wait3A_290 = arith.constant 3 : i32
        %dma_wait3A_291 = arith.constant 0 : i32
        %dma_wait3A_292 = arith.constant 0 : i32
        %dma_wait3A_293 = tpu.memref_slice %arg10[%dma_wait3A_290, %dma_wait3A_291, %dma_wait3A_292] : memref<5x80x64xf32, #tpu.memory_space<vmem>> -> memref<1x80x64xf32, #tpu.memory_space<vmem>>
        %dma_wait3A_294 = tpu.memref_squeeze %dma_wait3A_293 : memref<1x80x64xf32, #tpu.memory_space<vmem>> -> memref<80x64xf32, #tpu.memory_space<vmem>>
        %dma_wait3A_295 = arith.constant 0 : i32
        %dma_wait3A_296 = tpu.memref_slice %arg9[%add3A_231, %dma_wait3A_295] : memref<125x80xi32, #tpu.memory_space<vmem>> -> memref<1x80xi32, #tpu.memory_space<vmem>>
        %dma_wait3A_297 = tpu.memref_squeeze %dma_wait3A_296 : memref<1x80xi32, #tpu.memory_space<vmem>> -> memref<80xi32, #tpu.memory_space<vmem>>
        %dma_wait3A_298 = arith.constant 0 : i32
        %dma_wait3A_299 = arith.constant 0 : i32
        %dma_wait3A_300 = tpu.memref_slice %arg7[%dma_wait3A_298, %dma_wait3A_299] : memref<10240x64xf32, #tpu.memory_space<vmem_shared>> -> memref<10240x64xf32, #tpu.memory_space<vmem_shared>>
        tpu.wait_indirect_dma semaphore(%arg19 : memref<!tpu.dma_semaphore, #tpu.memory_space<semaphore_mem>>) src(%dma_wait3A_294 : memref<80x64xf32, #tpu.memory_space<vmem>>) dst(%dma_wait3A_300 : memref<10240x64xf32, #tpu.memory_space<vmem_shared>>)
        %add3A_301 = arith.constant 5 : i32
        %add3A_302 = arith.addi %add3A_231, %add3A_301 : i32
        %dma_start3A_303 = arith.constant 3 : i32
        %dma_start3A_304 = arith.constant 0 : i32
        %dma_start3A_305 = arith.constant 0 : i32
        %dma_start3A_306 = tpu.memref_slice %arg10[%dma_start3A_303, %dma_start3A_304, %dma_start3A_305] : memref<5x80x64xf32, #tpu.memory_space<vmem>> -> memref<1x80x64xf32, #tpu.memory_space<vmem>>
        %dma_start3A_307 = tpu.memref_squeeze %dma_start3A_306 : memref<1x80x64xf32, #tpu.memory_space<vmem>> -> memref<80x64xf32, #tpu.memory_space<vmem>>
        %dma_start3A_308 = arith.constant 0 : i32
        %dma_start3A_309 = tpu.memref_slice %arg8[%add3A_302, %dma_start3A_308] : memref<125x80xi32, #tpu.memory_space<vmem>> -> memref<1x80xi32, #tpu.memory_space<vmem>>
        %dma_start3A_310 = tpu.memref_squeeze %dma_start3A_309 : memref<1x80xi32, #tpu.memory_space<vmem>> -> memref<80xi32, #tpu.memory_space<vmem>>
        %dma_start3A_311 = arith.constant 0 : i32
        %dma_start3A_312 = arith.constant 0 : i32
        %dma_start3A_313 = tpu.memref_slice %arg2[%dma_start3A_311, %dma_start3A_312] : memref<10240x64xf32, #tpu.memory_space<hbm>> -> memref<10240x64xf32, #tpu.memory_space<hbm>>
        tpu.enqueue_indirect_dma source(%dma_start3A_313 : memref<10240x64xf32, #tpu.memory_space<hbm>>) target(%dma_start3A_307 : memref<80x64xf32, #tpu.memory_space<vmem>>) offsets(%dma_start3A_310 : memref<80xi32, #tpu.memory_space<vmem>>) semaphore(%arg14 : memref<!tpu.dma_semaphore, #tpu.memory_space<semaphore_mem>>)
      } else {
      }
      %mul3A_259 = arith.constant 5 : i32
      %mul3A_260 = arith.muli %scan3A_135, %mul3A_259 : i32
      %add3A_261 = arith.constant 4 : i32
      %add3A_262 = arith.addi %mul3A_260, %add3A_261 : i32
      %dma_wait3A_263 = arith.constant 4 : i32
      %dma_wait3A_264 = arith.constant 0 : i32
      %dma_wait3A_265 = arith.constant 0 : i32
      %dma_wait3A_266 = tpu.memref_slice %arg10[%dma_wait3A_263, %dma_wait3A_264, %dma_wait3A_265] : memref<5x80x64xf32, #tpu.memory_space<vmem>> -> memref<1x80x64xf32, #tpu.memory_space<vmem>>
      %dma_wait3A_267 = tpu.memref_squeeze %dma_wait3A_266 : memref<1x80x64xf32, #tpu.memory_space<vmem>> -> memref<80x64xf32, #tpu.memory_space<vmem>>
      %dma_wait3A_268 = arith.constant 0 : i32
      %dma_wait3A_269 = tpu.memref_slice %arg8[%add3A_262, %dma_wait3A_268] : memref<125x80xi32, #tpu.memory_space<vmem>> -> memref<1x80xi32, #tpu.memory_space<vmem>>
      %dma_wait3A_270 = tpu.memref_squeeze %dma_wait3A_269 : memref<1x80xi32, #tpu.memory_space<vmem>> -> memref<80xi32, #tpu.memory_space<vmem>>
      %dma_wait3A_271 = arith.constant 0 : i32
      %dma_wait3A_272 = arith.constant 0 : i32
      %dma_wait3A_273 = tpu.memref_slice %arg2[%dma_wait3A_271, %dma_wait3A_272] : memref<10240x64xf32, #tpu.memory_space<hbm>> -> memref<10240x64xf32, #tpu.memory_space<hbm>>
      tpu.wait_indirect_dma semaphore(%arg15 : memref<!tpu.dma_semaphore, #tpu.memory_space<semaphore_mem>>) src(%dma_wait3A_273 : memref<10240x64xf32, #tpu.memory_space<hbm>>) dst(%dma_wait3A_267 : memref<80x64xf32, #tpu.memory_space<vmem>>)
      %dma_start3A_274 = arith.constant 4 : i32
      %dma_start3A_275 = arith.constant 0 : i32
      %dma_start3A_276 = arith.constant 0 : i32
      %dma_start3A_277 = tpu.memref_slice %arg10[%dma_start3A_274, %dma_start3A_275, %dma_start3A_276] : memref<5x80x64xf32, #tpu.memory_space<vmem>> -> memref<1x80x64xf32, #tpu.memory_space<vmem>>
      %dma_start3A_278 = tpu.memref_squeeze %dma_start3A_277 : memref<1x80x64xf32, #tpu.memory_space<vmem>> -> memref<80x64xf32, #tpu.memory_space<vmem>>
      %dma_start3A_279 = arith.constant 0 : i32
      %dma_start3A_280 = tpu.memref_slice %arg9[%add3A_262, %dma_start3A_279] : memref<125x80xi32, #tpu.memory_space<vmem>> -> memref<1x80xi32, #tpu.memory_space<vmem>>
      %dma_start3A_281 = tpu.memref_squeeze %dma_start3A_280 : memref<1x80xi32, #tpu.memory_space<vmem>> -> memref<80xi32, #tpu.memory_space<vmem>>
      %dma_start3A_282 = arith.constant 0 : i32
      %dma_start3A_283 = arith.constant 0 : i32
      %dma_start3A_284 = tpu.memref_slice %arg7[%dma_start3A_282, %dma_start3A_283] : memref<10240x64xf32, #tpu.memory_space<vmem_shared>> -> memref<10240x64xf32, #tpu.memory_space<vmem_shared>>
      tpu.enqueue_indirect_dma source(%dma_start3A_278 : memref<80x64xf32, #tpu.memory_space<vmem>>) target(%dma_start3A_284 : memref<10240x64xf32, #tpu.memory_space<vmem_shared>>) offsets(%dma_start3A_281 : memref<80xi32, #tpu.memory_space<vmem>>) semaphore(%arg20 : memref<!tpu.dma_semaphore, #tpu.memory_space<semaphore_mem>>) {add = true}
      %lt3A_285 = arith.constant 24 : i32
      %lt3A_286 = arith.cmpi slt, %scan3A_135, %lt3A_285 : i32
      %convert_element_type3A_287 = arith.extui %lt3A_286 : i1 to i32
      %cond3A_288 = arith.constant 0 : i32
      %cond3A_289 = arith.cmpi ne, %convert_element_type3A_287, %cond3A_288 : i32
      scf.if %cond3A_289 {
        %dma_wait3A_290 = arith.constant 4 : i32
        %dma_wait3A_291 = arith.constant 0 : i32
        %dma_wait3A_292 = arith.constant 0 : i32
        %dma_wait3A_293 = tpu.memref_slice %arg10[%dma_wait3A_290, %dma_wait3A_291, %dma_wait3A_292] : memref<5x80x64xf32, #tpu.memory_space<vmem>> -> memref<1x80x64xf32, #tpu.memory_space<vmem>>
        %dma_wait3A_294 = tpu.memref_squeeze %dma_wait3A_293 : memref<1x80x64xf32, #tpu.memory_space<vmem>> -> memref<80x64xf32, #tpu.memory_space<vmem>>
        %dma_wait3A_295 = arith.constant 0 : i32
        %dma_wait3A_296 = tpu.memref_slice %arg9[%add3A_262, %dma_wait3A_295] : memref<125x80xi32, #tpu.memory_space<vmem>> -> memref<1x80xi32, #tpu.memory_space<vmem>>
        %dma_wait3A_297 = tpu.memref_squeeze %dma_wait3A_296 : memref<1x80xi32, #tpu.memory_space<vmem>> -> memref<80xi32, #tpu.memory_space<vmem>>
        %dma_wait3A_298 = arith.constant 0 : i32
        %dma_wait3A_299 = arith.constant 0 : i32
        %dma_wait3A_300 = tpu.memref_slice %arg7[%dma_wait3A_298, %dma_wait3A_299] : memref<10240x64xf32, #tpu.memory_space<vmem_shared>> -> memref<10240x64xf32, #tpu.memory_space<vmem_shared>>
        tpu.wait_indirect_dma semaphore(%arg20 : memref<!tpu.dma_semaphore, #tpu.memory_space<semaphore_mem>>) src(%dma_wait3A_294 : memref<80x64xf32, #tpu.memory_space<vmem>>) dst(%dma_wait3A_300 : memref<10240x64xf32, #tpu.memory_space<vmem_shared>>)
        %add3A_301 = arith.constant 5 : i32
        %add3A_302 = arith.addi %add3A_262, %add3A_301 : i32
        %dma_start3A_303 = arith.constant 4 : i32
        %dma_start3A_304 = arith.constant 0 : i32
        %dma_start3A_305 = arith.constant 0 : i32
        %dma_start3A_306 = tpu.memref_slice %arg10[%dma_start3A_303, %dma_start3A_304, %dma_start3A_305] : memref<5x80x64xf32, #tpu.memory_space<vmem>> -> memref<1x80x64xf32, #tpu.memory_space<vmem>>
        %dma_start3A_307 = tpu.memref_squeeze %dma_start3A_306 : memref<1x80x64xf32, #tpu.memory_space<vmem>> -> memref<80x64xf32, #tpu.memory_space<vmem>>
        %dma_start3A_308 = arith.constant 0 : i32
        %dma_start3A_309 = tpu.memref_slice %arg8[%add3A_302, %dma_start3A_308] : memref<125x80xi32, #tpu.memory_space<vmem>> -> memref<1x80xi32, #tpu.memory_space<vmem>>
        %dma_start3A_310 = tpu.memref_squeeze %dma_start3A_309 : memref<1x80xi32, #tpu.memory_space<vmem>> -> memref<80xi32, #tpu.memory_space<vmem>>
        %dma_start3A_311 = arith.constant 0 : i32
        %dma_start3A_312 = arith.constant 0 : i32
        %dma_start3A_313 = tpu.memref_slice %arg2[%dma_start3A_311, %dma_start3A_312] : memref<10240x64xf32, #tpu.memory_space<hbm>> -> memref<10240x64xf32, #tpu.memory_space<hbm>>
        tpu.enqueue_indirect_dma source(%dma_start3A_313 : memref<10240x64xf32, #tpu.memory_space<hbm>>) target(%dma_start3A_307 : memref<80x64xf32, #tpu.memory_space<vmem>>) offsets(%dma_start3A_310 : memref<80xi32, #tpu.memory_space<vmem>>) semaphore(%arg15 : memref<!tpu.dma_semaphore, #tpu.memory_space<semaphore_mem>>)
      } else {
      }
    }
    %scan3A_70 = arith.constant 25 : i32
    %dma_wait3A = arith.constant 0 : i32
    %dma_wait3A_71 = arith.constant 120 : i32
    %dma_wait3A_72 = arith.constant 0 : i32
    %dma_wait3A_73 = arith.constant 0 : i32
    %dma_wait3A_74 = tpu.memref_slice %arg10[%dma_wait3A, %dma_wait3A_72, %dma_wait3A_73] : memref<5x80x64xf32, #tpu.memory_space<vmem>> -> memref<1x80x64xf32, #tpu.memory_space<vmem>>
    %dma_wait3A_75 = tpu.memref_squeeze %dma_wait3A_74 : memref<1x80x64xf32, #tpu.memory_space<vmem>> -> memref<80x64xf32, #tpu.memory_space<vmem>>
    %dma_wait3A_76 = arith.constant 0 : i32
    %dma_wait3A_77 = tpu.memref_slice %arg9[%dma_wait3A_71, %dma_wait3A_76] : memref<125x80xi32, #tpu.memory_space<vmem>> -> memref<1x80xi32, #tpu.memory_space<vmem>>
    %dma_wait3A_78 = tpu.memref_squeeze %dma_wait3A_77 : memref<1x80xi32, #tpu.memory_space<vmem>> -> memref<80xi32, #tpu.memory_space<vmem>>
    %dma_wait3A_79 = arith.constant 0 : i32
    %dma_wait3A_80 = arith.constant 0 : i32
    %dma_wait3A_81 = tpu.memref_slice %arg7[%dma_wait3A_79, %dma_wait3A_80] : memref<10240x64xf32, #tpu.memory_space<vmem_shared>> -> memref<10240x64xf32, #tpu.memory_space<vmem_shared>>
    tpu.wait_indirect_dma semaphore(%arg16 : memref<!tpu.dma_semaphore, #tpu.memory_space<semaphore_mem>>) src(%dma_wait3A_75 : memref<80x64xf32, #tpu.memory_space<vmem>>) dst(%dma_wait3A_81 : memref<10240x64xf32, #tpu.memory_space<vmem_shared>>)
    %dma_wait3A_82 = arith.constant 1 : i32
    %dma_wait3A_83 = arith.constant 121 : i32
    %dma_wait3A_84 = arith.constant 0 : i32
    %dma_wait3A_85 = arith.constant 0 : i32
    %dma_wait3A_86 = tpu.memref_slice %arg10[%dma_wait3A_82, %dma_wait3A_84, %dma_wait3A_85] : memref<5x80x64xf32, #tpu.memory_space<vmem>> -> memref<1x80x64xf32, #tpu.memory_space<vmem>>
    %dma_wait3A_87 = tpu.memref_squeeze %dma_wait3A_86 : memref<1x80x64xf32, #tpu.memory_space<vmem>> -> memref<80x64xf32, #tpu.memory_space<vmem>>
    %dma_wait3A_88 = arith.constant 0 : i32
    %dma_wait3A_89 = tpu.memref_slice %arg9[%dma_wait3A_83, %dma_wait3A_88] : memref<125x80xi32, #tpu.memory_space<vmem>> -> memref<1x80xi32, #tpu.memory_space<vmem>>
    %dma_wait3A_90 = tpu.memref_squeeze %dma_wait3A_89 : memref<1x80xi32, #tpu.memory_space<vmem>> -> memref<80xi32, #tpu.memory_space<vmem>>
    %dma_wait3A_91 = arith.constant 0 : i32
    %dma_wait3A_92 = arith.constant 0 : i32
    %dma_wait3A_93 = tpu.memref_slice %arg7[%dma_wait3A_91, %dma_wait3A_92] : memref<10240x64xf32, #tpu.memory_space<vmem_shared>> -> memref<10240x64xf32, #tpu.memory_space<vmem_shared>>
    tpu.wait_indirect_dma semaphore(%arg17 : memref<!tpu.dma_semaphore, #tpu.memory_space<semaphore_mem>>) src(%dma_wait3A_87 : memref<80x64xf32, #tpu.memory_space<vmem>>) dst(%dma_wait3A_93 : memref<10240x64xf32, #tpu.memory_space<vmem_shared>>)
    %dma_wait3A_94 = arith.constant 2 : i32
    %dma_wait3A_95 = arith.constant 122 : i32
    %dma_wait3A_96 = arith.constant 0 : i32
    %dma_wait3A_97 = arith.constant 0 : i32
    %dma_wait3A_98 = tpu.memref_slice %arg10[%dma_wait3A_94, %dma_wait3A_96, %dma_wait3A_97] : memref<5x80x64xf32, #tpu.memory_space<vmem>> -> memref<1x80x64xf32, #tpu.memory_space<vmem>>
    %dma_wait3A_99 = tpu.memref_squeeze %dma_wait3A_98 : memref<1x80x64xf32, #tpu.memory_space<vmem>> -> memref<80x64xf32, #tpu.memory_space<vmem>>
    %dma_wait3A_100 = arith.constant 0 : i32
    %dma_wait3A_101 = tpu.memref_slice %arg9[%dma_wait3A_95, %dma_wait3A_100] : memref<125x80xi32, #tpu.memory_space<vmem>> -> memref<1x80xi32, #tpu.memory_space<vmem>>
    %dma_wait3A_102 = tpu.memref_squeeze %dma_wait3A_101 : memref<1x80xi32, #tpu.memory_space<vmem>> -> memref<80xi32, #tpu.memory_space<vmem>>
    %dma_wait3A_103 = arith.constant 0 : i32
    %dma_wait3A_104 = arith.constant 0 : i32
    %dma_wait3A_105 = tpu.memref_slice %arg7[%dma_wait3A_103, %dma_wait3A_104] : memref<10240x64xf32, #tpu.memory_space<vmem_shared>> -> memref<10240x64xf32, #tpu.memory_space<vmem_shared>>
    tpu.wait_indirect_dma semaphore(%arg18 : memref<!tpu.dma_semaphore, #tpu.memory_space<semaphore_mem>>) src(%dma_wait3A_99 : memref<80x64xf32, #tpu.memory_space<vmem>>) dst(%dma_wait3A_105 : memref<10240x64xf32, #tpu.memory_space<vmem_shared>>)
    %dma_wait3A_106 = arith.constant 3 : i32
    %dma_wait3A_107 = arith.constant 123 : i32
    %dma_wait3A_108 = arith.constant 0 : i32
    %dma_wait3A_109 = arith.constant 0 : i32
    %dma_wait3A_110 = tpu.memref_slice %arg10[%dma_wait3A_106, %dma_wait3A_108, %dma_wait3A_109] : memref<5x80x64xf32, #tpu.memory_space<vmem>> -> memref<1x80x64xf32, #tpu.memory_space<vmem>>
    %dma_wait3A_111 = tpu.memref_squeeze %dma_wait3A_110 : memref<1x80x64xf32, #tpu.memory_space<vmem>> -> memref<80x64xf32, #tpu.memory_space<vmem>>
    %dma_wait3A_112 = arith.constant 0 : i32
    %dma_wait3A_113 = tpu.memref_slice %arg9[%dma_wait3A_107, %dma_wait3A_112] : memref<125x80xi32, #tpu.memory_space<vmem>> -> memref<1x80xi32, #tpu.memory_space<vmem>>
    %dma_wait3A_114 = tpu.memref_squeeze %dma_wait3A_113 : memref<1x80xi32, #tpu.memory_space<vmem>> -> memref<80xi32, #tpu.memory_space<vmem>>
    %dma_wait3A_115 = arith.constant 0 : i32
    %dma_wait3A_116 = arith.constant 0 : i32
    %dma_wait3A_117 = tpu.memref_slice %arg7[%dma_wait3A_115, %dma_wait3A_116] : memref<10240x64xf32, #tpu.memory_space<vmem_shared>> -> memref<10240x64xf32, #tpu.memory_space<vmem_shared>>
    tpu.wait_indirect_dma semaphore(%arg19 : memref<!tpu.dma_semaphore, #tpu.memory_space<semaphore_mem>>) src(%dma_wait3A_111 : memref<80x64xf32, #tpu.memory_space<vmem>>) dst(%dma_wait3A_117 : memref<10240x64xf32, #tpu.memory_space<vmem_shared>>)
    %dma_wait3A_118 = arith.constant 4 : i32
    %dma_wait3A_119 = arith.constant 124 : i32
    %dma_wait3A_120 = arith.constant 0 : i32
    %dma_wait3A_121 = arith.constant 0 : i32
    %dma_wait3A_122 = tpu.memref_slice %arg10[%dma_wait3A_118, %dma_wait3A_120, %dma_wait3A_121] : memref<5x80x64xf32, #tpu.memory_space<vmem>> -> memref<1x80x64xf32, #tpu.memory_space<vmem>>
    %dma_wait3A_123 = tpu.memref_squeeze %dma_wait3A_122 : memref<1x80x64xf32, #tpu.memory_space<vmem>> -> memref<80x64xf32, #tpu.memory_space<vmem>>
    %dma_wait3A_124 = arith.constant 0 : i32
    %dma_wait3A_125 = tpu.memref_slice %arg9[%dma_wait3A_119, %dma_wait3A_124] : memref<125x80xi32, #tpu.memory_space<vmem>> -> memref<1x80xi32, #tpu.memory_space<vmem>>
    %dma_wait3A_126 = tpu.memref_squeeze %dma_wait3A_125 : memref<1x80xi32, #tpu.memory_space<vmem>> -> memref<80xi32, #tpu.memory_space<vmem>>
    %dma_wait3A_127 = arith.constant 0 : i32
    %dma_wait3A_128 = arith.constant 0 : i32
    %dma_wait3A_129 = tpu.memref_slice %arg7[%dma_wait3A_127, %dma_wait3A_128] : memref<10240x64xf32, #tpu.memory_space<vmem_shared>> -> memref<10240x64xf32, #tpu.memory_space<vmem_shared>>
    tpu.wait_indirect_dma semaphore(%arg20 : memref<!tpu.dma_semaphore, #tpu.memory_space<semaphore_mem>>) src(%dma_wait3A_123 : memref<80x64xf32, #tpu.memory_space<vmem>>) dst(%dma_wait3A_129 : memref<10240x64xf32, #tpu.memory_space<vmem_shared>>)
    %barrier3A_130 = arith.constant 0 : index
    tpu.barrier barrier_id(%barrier3A_130)
    %mul3A_131 = arith.constant 640 : i32
    %mul3A_132 = arith.muli %arg1, %mul3A_131 : i32
    %mul3A_133 = arith.constant 640 : i32
    %mul3A_134 = arith.muli %arg1, %mul3A_133 : i32
    "tpu.region"() ({
      %run_scoped3A = tpu.sem_alloc : memref<!tpu.dma_semaphore, #tpu.memory_space<semaphore_mem>>
      %dma_start3A_135 = arith.constant 0 : i32
      %dma_start3A_136 = arith.constant 0 : i32
      %dma_start3A_137 = tpu.memref_slice %arg6[%arg0, %dma_start3A_135, %dma_start3A_136] : memref<2x10240x64xf32, #tpu.memory_space<hbm>> -> memref<1x10240x64xf32, #tpu.memory_space<hbm>>
      %dma_start3A_138 = tpu.memref_squeeze %dma_start3A_137 : memref<1x10240x64xf32, #tpu.memory_space<hbm>> -> memref<10240x64xf32, #tpu.memory_space<hbm>>
      %dma_start3A_139 = arith.constant 0 : i32
      %dma_start3A_140 = tpu.memref_slice %dma_start3A_138[%mul3A_134, %dma_start3A_139] : memref<10240x64xf32, #tpu.memory_space<hbm>> -> memref<640x64xf32, #tpu.memory_space<hbm>>
      %dma_start3A_141 = arith.constant 0 : i32
      %dma_start3A_142 = tpu.memref_slice %arg7[%mul3A_132, %dma_start3A_141] : memref<10240x64xf32, #tpu.memory_space<vmem_shared>> -> memref<640x64xf32, #tpu.memory_space<vmem_shared>>
      tpu.enqueue_dma source(%dma_start3A_142 : memref<640x64xf32, #tpu.memory_space<vmem_shared>>) target(%dma_start3A_140 : memref<640x64xf32, #tpu.memory_space<hbm>>) target_semaphore(%run_scoped3A : memref<!tpu.dma_semaphore, #tpu.memory_space<semaphore_mem>>)
      %dma_wait3A_143 = arith.constant 0 : i32
      %dma_wait3A_144 = arith.constant 0 : i32
      %dma_wait3A_145 = tpu.memref_slice %arg6[%arg0, %dma_wait3A_143, %dma_wait3A_144] : memref<2x10240x64xf32, #tpu.memory_space<hbm>> -> memref<1x10240x64xf32, #tpu.memory_space<hbm>>
      %dma_wait3A_146 = tpu.memref_squeeze %dma_wait3A_145 : memref<1x10240x64xf32, #tpu.memory_space<hbm>> -> memref<10240x64xf32, #tpu.memory_space<hbm>>
      %dma_wait3A_147 = arith.constant 0 : i32
      %dma_wait3A_148 = tpu.memref_slice %dma_wait3A_146[%mul3A_134, %dma_wait3A_147] : memref<10240x64xf32, #tpu.memory_space<hbm>> -> memref<640x64xf32, #tpu.memory_space<hbm>>
      %dma_wait3A_149 = arith.constant 0 : i32
      %dma_wait3A_150 = tpu.memref_slice %arg7[%mul3A_132, %dma_wait3A_149] : memref<10240x64xf32, #tpu.memory_space<vmem_shared>> -> memref<640x64xf32, #tpu.memory_space<vmem_shared>>
      tpu.wait_dma2 semaphore(%run_scoped3A : memref<!tpu.dma_semaphore, #tpu.memory_space<semaphore_mem>>) src(%dma_wait3A_150 : memref<640x64xf32, #tpu.memory_space<vmem_shared>>) dst(%dma_wait3A_148 : memref<640x64xf32, #tpu.memory_space<hbm>>)
      tpu.yield
    }) : () -> ()
    return
  }
}

module attributes {stable_mosaic.version = 14 : i64} {
  func.func @_dis_body(%arg0: memref<2x10240xf32, #tpu.memory_space<vmem>>, %arg1: memref<10240xf32, #tpu.memory_space<vmem>>) attributes {dimension_semantics = [], scalar_prefetch = 0 : i64, scratch_operands = 0 : i64, tpu.core_type = #tpu.core_type<tc>} {
    %get3A = arith.constant 0 : index
    %get3A_0 = arith.constant 0 : index
    %get3A_1 = vector.load %arg0[%get3A, %get3A_0] : memref<2x10240xf32, #tpu.memory_space<vmem>>, vector<1x10240xf32>
    %get3A_2 = vector.shape_cast %get3A_1 : vector<1x10240xf32> to vector<10240xf32>
    %get3A_3 = arith.constant 1 : index
    %get3A_4 = arith.constant 0 : index
    %get3A_5 = vector.load %arg0[%get3A_3, %get3A_4] : memref<2x10240xf32, #tpu.memory_space<vmem>>, vector<1x10240xf32>
    %get3A_6 = vector.shape_cast %get3A_5 : vector<1x10240xf32> to vector<10240xf32>
    %add3A = arith.addf %get3A_2, %get3A_6 : vector<10240xf32>
    %add3A_7 = arith.constant 1.000000e+00 : f32
    %add3A_8 = vector.broadcast %add3A_7 : f32 to vector<10240xf32>
    %add3A_9 = arith.addf %add3A, %add3A_8 : vector<10240xf32>
    %rsqrt3A = math.rsqrt %add3A_9 : vector<10240xf32>
    %swap3A = arith.constant 0 : index
    %swap3A_10 = vector.load %arg1[%swap3A] : memref<10240xf32, #tpu.memory_space<vmem>>, vector<10240xf32>
    tpu.vector_store %arg1[%swap3A], %rsqrt3A {strides = array<i32>} : memref<10240xf32, #tpu.memory_space<vmem>>, vector<10240xf32>,
    return
  }
}

module attributes {stable_mosaic.version = 14 : i64} {
  func.func @_mm1_body(%arg0: i32, %arg1: memref<640x128xf32, #tpu.memory_space<vmem>>, %arg2: memref<64x128xf32, #tpu.memory_space<vmem>>, %arg3: memref<640x1xf32, #tpu.memory_space<vmem>>, %arg4: memref<640x64xf32, #tpu.memory_space<vmem>>) attributes {dimension_semantics = [#tpu.dimension_semantics<arbitrary>], iteration_bounds = array<i64: 16>, scalar_prefetch = 0 : i64, scratch_operands = 0 : i64, tpu.core_type = #tpu.core_type<tc>, window_params = [{transform_indices = @transform_0, window_bounds = array<i64: 640, 128>}, {pipeline_mode = #tpu.pipeline_mode<synchronous>, transform_indices = @transform_1, window_bounds = array<i64: 64, 128>}, {transform_indices = @transform_2, window_bounds = array<i64: 640, 1>}, {transform_indices = @transform_3, window_bounds = array<i64: 640, 64>}]} {
    %get3A = arith.constant 0 : index
    %get3A_0 = arith.constant 0 : index
    %get3A_1 = vector.load %arg1[%get3A, %get3A_0] : memref<640x128xf32, #tpu.memory_space<vmem>>, vector<640x128xf32>
    %get3A_2 = arith.constant 0 : index
    %get3A_3 = arith.constant 0 : index
    %get3A_4 = vector.load %arg2[%get3A_2, %get3A_3] : memref<64x128xf32, #tpu.memory_space<vmem>>, vector<64x128xf32>
    %dot_general3A = arith.constant dense<0.000000e+00> : vector<640x64xf32>
    %dot_general3A_5 = tpu.matmul %get3A_1, %get3A_4, %dot_general3A {dimension_numbers = #tpu.dot_dimension_numbers<[1], [1], [0], [0], [0, 0, 1, 0], [], []>, transpose_lhs_hint = false} : vector<640x128xf32>, vector<64x128xf32>, vector<640x64xf32> -> vector<640x64xf32>
    %get3A_6 = arith.constant 0 : index
    %get3A_7 = arith.constant 0 : index
    %get3A_8 = vector.load %arg3[%get3A_6, %get3A_7] : memref<640x1xf32, #tpu.memory_space<vmem>>, vector<640x1xf32>
    %mul3A = vector.broadcast %get3A_8 : vector<640x1xf32> to vector<640x64xf32>
    %mul3A_9 = arith.mulf %dot_general3A_5, %mul3A : vector<640x64xf32>
    %swap3A = arith.constant 0 : index
    %swap3A_10 = arith.constant 0 : index
    %swap3A_11 = vector.load %arg4[%swap3A, %swap3A_10] : memref<640x64xf32, #tpu.memory_space<vmem>>, vector<640x64xf32>
    tpu.vector_store %arg4[%swap3A, %swap3A_10], %mul3A_9 {strides = array<i32>} : memref<640x64xf32, #tpu.memory_space<vmem>>, vector<640x64xf32>,
    return
  }
  func.func @transform_0(%arg0: i32) -> (i32, i32) {
    %c0_i32 = arith.constant 0 : i32
    %c0_i32_0 = arith.constant 0 : i32
    return %arg0, %c0_i32 : i32, i32
  }
  func.func @transform_1(%arg0: i32) -> (i32, i32) {
    %c0_i32 = arith.constant 0 : i32
    %c0_i32_0 = arith.constant 0 : i32
    %c0_i32_1 = arith.constant 0 : i32
    return %c0_i32, %c0_i32_0 : i32, i32
  }
  func.func @transform_2(%arg0: i32) -> (i32, i32) {
    %c0_i32 = arith.constant 0 : i32
    %c0_i32_0 = arith.constant 0 : i32
    return %arg0, %c0_i32 : i32, i32
  }
  func.func @transform_3(%arg0: i32) -> (i32, i32) {
    %c0_i32 = arith.constant 0 : i32
    %c0_i32_0 = arith.constant 0 : i32
    return %arg0, %c0_i32 : i32, i32
  }
}

module attributes {stable_mosaic.version = 14 : i64} {
  func.func @_epimm_body(%arg0: i32, %arg1: memref<2x640x64xf32, #tpu.memory_space<vmem>>, %arg2: memref<640x1xf32, #tpu.memory_space<vmem>>, %arg3: memref<1x64xf32, #tpu.memory_space<vmem>>, %arg4: memref<64x64xf32, #tpu.memory_space<vmem>>, %arg5: memref<640x64xf32, #tpu.memory_space<vmem>>) attributes {dimension_semantics = [#tpu.dimension_semantics<arbitrary>], iteration_bounds = array<i64: 16>, scalar_prefetch = 0 : i64, scratch_operands = 0 : i64, tpu.core_type = #tpu.core_type<tc>, window_params = [{transform_indices = @transform_0, window_bounds = array<i64: 2, 640, 64>}, {transform_indices = @transform_1, window_bounds = array<i64: 640, 1>}, {pipeline_mode = #tpu.pipeline_mode<synchronous>, transform_indices = @transform_2, window_bounds = array<i64: 1, 64>}, {pipeline_mode = #tpu.pipeline_mode<synchronous>, transform_indices = @transform_3, window_bounds = array<i64: 64, 64>}, {transform_indices = @transform_4, window_bounds = array<i64: 640, 64>}]} {
    %get3A = arith.constant 0 : index
    %get3A_0 = arith.constant 0 : index
    %get3A_1 = vector.load %arg2[%get3A, %get3A_0] : memref<640x1xf32, #tpu.memory_space<vmem>>, vector<640x1xf32>
    %get3A_2 = arith.constant 0 : index
    %get3A_3 = arith.constant 0 : index
    %get3A_4 = arith.constant 0 : index
    %get3A_5 = vector.load %arg1[%get3A_2, %get3A_3, %get3A_4] : memref<2x640x64xf32, #tpu.memory_space<vmem>>, vector<1x640x64xf32>
    %get3A_6 = vector.shape_cast %get3A_5 : vector<1x640x64xf32> to vector<640x64xf32>
    %get3A_7 = arith.constant 1 : index
    %get3A_8 = arith.constant 0 : index
    %get3A_9 = arith.constant 0 : index
    %get3A_10 = vector.load %arg1[%get3A_7, %get3A_8, %get3A_9] : memref<2x640x64xf32, #tpu.memory_space<vmem>>, vector<1x640x64xf32>
    %get3A_11 = vector.shape_cast %get3A_10 : vector<1x640x64xf32> to vector<640x64xf32>
    %add3A = arith.addf %get3A_6, %get3A_11 : vector<640x64xf32>
    %mul3A = vector.broadcast %get3A_1 : vector<640x1xf32> to vector<640x64xf32>
    %mul3A_12 = arith.mulf %mul3A, %add3A : vector<640x64xf32>
    %get3A_13 = arith.constant 0 : index
    %get3A_14 = arith.constant 0 : index
    %get3A_15 = vector.load %arg3[%get3A_13, %get3A_14] : memref<1x64xf32, #tpu.memory_space<vmem>>, vector<1x64xf32>
    %add3A_16 = vector.broadcast %get3A_15 : vector<1x64xf32> to vector<640x64xf32>
    %add3A_17 = arith.addf %mul3A_12, %add3A_16 : vector<640x64xf32>
    %logistic3A = arith.negf %add3A_17 : vector<640x64xf32>
    %logistic3A_18 = math.exp %logistic3A : vector<640x64xf32>
    %logistic3A_19 = arith.constant 1.000000e+00 : f32
    %logistic3A_20 = vector.broadcast %logistic3A_19 : f32 to vector<640x64xf32>
    %logistic3A_21 = arith.addf %logistic3A_20, %logistic3A_18 : vector<640x64xf32>
    %logistic3A_22 = arith.divf %logistic3A_20, %logistic3A_21 : vector<640x64xf32>
    %get3A_23 = arith.constant 0 : index
    %get3A_24 = arith.constant 0 : index
    %get3A_25 = vector.load %arg4[%get3A_23, %get3A_24] : memref<64x64xf32, #tpu.memory_space<vmem>>, vector<64x64xf32>
    %dot_general3A = arith.constant dense<0.000000e+00> : vector<640x64xf32>
    %dot_general3A_26 = tpu.matmul %logistic3A_22, %get3A_25, %dot_general3A {dimension_numbers = #tpu.dot_dimension_numbers<[1], [1], [0], [0], [0, 0, 1, 0], [], []>, transpose_lhs_hint = false} : vector<640x64xf32>, vector<64x64xf32>, vector<640x64xf32> -> vector<640x64xf32>
    %get3A_27 = arith.constant 0 : index
    %get3A_28 = arith.constant 0 : index
    %get3A_29 = vector.load %arg2[%get3A_27, %get3A_28] : memref<640x1xf32, #tpu.memory_space<vmem>>, vector<640x1xf32>
    %mul3A_30 = vector.broadcast %get3A_29 : vector<640x1xf32> to vector<640x64xf32>
    %mul3A_31 = arith.mulf %dot_general3A_26, %mul3A_30 : vector<640x64xf32>
    %swap3A = arith.constant 0 : index
    %swap3A_32 = arith.constant 0 : index
    %swap3A_33 = vector.load %arg5[%swap3A, %swap3A_32] : memref<640x64xf32, #tpu.memory_space<vmem>>, vector<640x64xf32>
    tpu.vector_store %arg5[%swap3A, %swap3A_32], %mul3A_31 {strides = array<i32>} : memref<640x64xf32, #tpu.memory_space<vmem>>, vector<640x64xf32>,
    return
  }
  func.func @transform_0(%arg0: i32) -> (i32, i32, i32) {
    %c0_i32 = arith.constant 0 : i32
    %c0_i32_0 = arith.constant 0 : i32
    %c0_i32_1 = arith.constant 0 : i32
    return %c0_i32, %arg0, %c0_i32_0 : i32, i32, i32
  }
  func.func @transform_1(%arg0: i32) -> (i32, i32) {
    %c0_i32 = arith.constant 0 : i32
    %c0_i32_0 = arith.constant 0 : i32
    return %arg0, %c0_i32 : i32, i32
  }
  func.func @transform_2(%arg0: i32) -> (i32, i32) {
    %c0_i32 = arith.constant 0 : i32
    %c0_i32_0 = arith.constant 0 : i32
    %c0_i32_1 = arith.constant 0 : i32
    return %c0_i32, %c0_i32_0 : i32, i32
  }
  func.func @transform_3(%arg0: i32) -> (i32, i32) {
    %c0_i32 = arith.constant 0 : i32
    %c0_i32_0 = arith.constant 0 : i32
    %c0_i32_1 = arith.constant 0 : i32
    return %c0_i32, %c0_i32_0 : i32, i32
  }
  func.func @transform_4(%arg0: i32) -> (i32, i32) {
    %c0_i32 = arith.constant 0 : i32
    %c0_i32_0 = arith.constant 0 : i32
    return %arg0, %c0_i32 : i32, i32
  }
}

module attributes {stable_mosaic.version = 14 : i64} {
  func.func @_mean_body(%arg0: i32, %arg1: memref<2x400x64xf32, #tpu.memory_space<vmem>>, %arg2: memref<400x1xf32, #tpu.memory_space<vmem>>, %arg3: memref<1x64xf32, #tpu.memory_space<vmem>>, %arg4: memref<1x64xf32, #tpu.memory_space<vmem>>) attributes {dimension_semantics = [#tpu.dimension_semantics<arbitrary>], iteration_bounds = array<i64: 25>, scalar_prefetch = 0 : i64, scratch_operands = 0 : i64, tpu.core_type = #tpu.core_type<tc>, window_params = [{transform_indices = @transform_0, window_bounds = array<i64: 2, 400, 64>}, {transform_indices = @transform_1, window_bounds = array<i64: 400, 1>}, {pipeline_mode = #tpu.pipeline_mode<synchronous>, transform_indices = @transform_2, window_bounds = array<i64: 1, 64>}, {pipeline_mode = #tpu.pipeline_mode<synchronous>, transform_indices = @transform_3, window_bounds = array<i64: 1, 64>}]} {
    %eq3A = arith.constant 0 : i32
    %eq3A_0 = arith.cmpi eq, %arg0, %eq3A : i32
    %convert_element_type3A = arith.extui %eq3A_0 : i1 to i32
    %cond3A = arith.constant 0 : i32
    %cond3A_1 = arith.cmpi ne, %convert_element_type3A, %cond3A : i32
    scf.if %cond3A_1 {
      %broadcast_in_dim3A_27 = arith.constant 0.000000e+00 : f32
      %broadcast_in_dim3A_28 = vector.broadcast %broadcast_in_dim3A_27 : f32 to vector<1x64xf32>
      %swap3A_29 = arith.constant 0 : index
      %swap3A_30 = arith.constant 0 : index
      %swap3A_31 = vector.load %arg4[%swap3A_29, %swap3A_30] : memref<1x64xf32, #tpu.memory_space<vmem>>, vector<1x64xf32>
      tpu.vector_store %arg4[%swap3A_29, %swap3A_30], %broadcast_in_dim3A_28 {strides = array<i32>} : memref<1x64xf32, #tpu.memory_space<vmem>>, vector<1x64xf32>,
    } else {
    }
    %get3A = arith.constant 0 : index
    %get3A_2 = arith.constant 0 : index
    %get3A_3 = vector.load %arg4[%get3A, %get3A_2] : memref<1x64xf32, #tpu.memory_space<vmem>>, vector<1x64xf32>
    %get3A_4 = arith.constant 0 : index
    %get3A_5 = arith.constant 0 : index
    %get3A_6 = vector.load %arg2[%get3A_4, %get3A_5] : memref<400x1xf32, #tpu.memory_space<vmem>>, vector<400x1xf32>
    %get3A_7 = arith.constant 0 : index
    %get3A_8 = arith.constant 0 : index
    %get3A_9 = arith.constant 0 : index
    %get3A_10 = vector.load %arg1[%get3A_7, %get3A_8, %get3A_9] : memref<2x400x64xf32, #tpu.memory_space<vmem>>, vector<1x400x64xf32>
    %get3A_11 = vector.shape_cast %get3A_10 : vector<1x400x64xf32> to vector<400x64xf32>
    %get3A_12 = arith.constant 1 : index
    %get3A_13 = arith.constant 0 : index
    %get3A_14 = arith.constant 0 : index
    %get3A_15 = vector.load %arg1[%get3A_12, %get3A_13, %get3A_14] : memref<2x400x64xf32, #tpu.memory_space<vmem>>, vector<1x400x64xf32>
    %get3A_16 = vector.shape_cast %get3A_15 : vector<1x400x64xf32> to vector<400x64xf32>
    %add3A = arith.addf %get3A_11, %get3A_16 : vector<400x64xf32>
    %mul3A = vector.broadcast %get3A_6 : vector<400x1xf32> to vector<400x64xf32>
    %mul3A_17 = arith.mulf %mul3A, %add3A : vector<400x64xf32>
    %reduce_sum3A = arith.constant dense<0.000000e+00> : vector<64xf32>
    %reduce_sum3A_18 = vector.multi_reduction <add>, %mul3A_17, %reduce_sum3A [0] : vector<400x64xf32> to vector<64xf32>
    %broadcast_in_dim3A = vector.shape_cast %reduce_sum3A_18 : vector<64xf32> to vector<1x64xf32>
    %add3A_19 = arith.addf %get3A_3, %broadcast_in_dim3A : vector<1x64xf32>
    %swap3A = arith.constant 0 : index
    %swap3A_20 = arith.constant 0 : index
    %swap3A_21 = vector.load %arg4[%swap3A, %swap3A_20] : memref<1x64xf32, #tpu.memory_space<vmem>>, vector<1x64xf32>
    tpu.vector_store %arg4[%swap3A, %swap3A_20], %add3A_19 {strides = array<i32>} : memref<1x64xf32, #tpu.memory_space<vmem>>, vector<1x64xf32>,
    %eq3A_22 = arith.constant 24 : i32
    %eq3A_23 = arith.cmpi eq, %arg0, %eq3A_22 : i32
    %convert_element_type3A_24 = arith.extui %eq3A_23 : i1 to i32
    %cond3A_25 = arith.constant 0 : i32
    %cond3A_26 = arith.cmpi ne, %convert_element_type3A_24, %cond3A_25 : i32
    scf.if %cond3A_26 {
      %get3A_27 = arith.constant 0 : index
      %get3A_28 = arith.constant 0 : index
      %get3A_29 = vector.load %arg4[%get3A_27, %get3A_28] : memref<1x64xf32, #tpu.memory_space<vmem>>, vector<1x64xf32>
      %mul3A_30 = arith.constant 9.99999974E-5 : f32
      %mul3A_31 = vector.broadcast %mul3A_30 : f32 to vector<1x64xf32>
      %mul3A_32 = arith.mulf %get3A_29, %mul3A_31 : vector<1x64xf32>
      %get3A_33 = arith.constant 0 : index
      %get3A_34 = arith.constant 0 : index
      %get3A_35 = vector.load %arg3[%get3A_33, %get3A_34] : memref<1x64xf32, #tpu.memory_space<vmem>>, vector<1x64xf32>
      %add3A_36 = arith.addf %mul3A_32, %get3A_35 : vector<1x64xf32>
      %swap3A_37 = arith.constant 0 : index
      %swap3A_38 = arith.constant 0 : index
      %swap3A_39 = vector.load %arg4[%swap3A_37, %swap3A_38] : memref<1x64xf32, #tpu.memory_space<vmem>>, vector<1x64xf32>
      tpu.vector_store %arg4[%swap3A_37, %swap3A_38], %add3A_36 {strides = array<i32>} : memref<1x64xf32, #tpu.memory_space<vmem>>, vector<1x64xf32>,
    } else {
    }
    return
  }
  func.func @transform_0(%arg0: i32) -> (i32, i32, i32) {
    %c0_i32 = arith.constant 0 : i32
    %c0_i32_0 = arith.constant 0 : i32
    %c0_i32_1 = arith.constant 0 : i32
    return %c0_i32, %arg0, %c0_i32_0 : i32, i32, i32
  }
  func.func @transform_1(%arg0: i32) -> (i32, i32) {
    %c0_i32 = arith.constant 0 : i32
    %c0_i32_0 = arith.constant 0 : i32
    return %arg0, %c0_i32 : i32, i32
  }
  func.func @transform_2(%arg0: i32) -> (i32, i32) {
    %c0_i32 = arith.constant 0 : i32
    %c0_i32_0 = arith.constant 0 : i32
    %c0_i32_1 = arith.constant 0 : i32
    return %c0_i32, %c0_i32_0 : i32, i32
  }
  func.func @transform_3(%arg0: i32) -> (i32, i32) {
    %c0_i32 = arith.constant 0 : i32
    %c0_i32_0 = arith.constant 0 : i32
    %c0_i32_1 = arith.constant 0 : i32
    return %c0_i32, %c0_i32_0 : i32, i32
  }
}

</mosaic_0001>

<sc_bundles>
// kernel: kernel.11.cloned.1.call-start
scs
__scs_entry_jumppad:
0x0: {  	(pc) =	sbr.rel $0x88, $3  }
0x1: {  	(tag) =	ssettag $0x0;
	lr =	simm.s32 $0x1  }
0x2: {  	[smem:$0x3F99] =	sst lr;
	_ =	strace $0xD0000000  }
0x3: {  	_ = 	snop  }
0x4: {  	_ = 	snop  }
0x5: {  	_ = 	snop  }
0x6: {  	_ = 	snop  }
0x7: {  	_ = 	snop  }
__scs_overlays_trampoline_lowered:
0x8: {  	[smem:$0x3FA8] =	sst s0  }
0x9: {  	[smem:$0x3FA9] =	sst s1  }
0xa: {  	[smem:$0x3FAA] =	sst s2  }
0xb: {  	[smem:$0x3FAB] =	sst s3  }
0xc: {  	[smem:$0x3FAC] =	sst s4  }
0xd: {  	[smem:$0x3FAD] =	sst s5  }
0xe: {  	[smem:$0x3FAE] =	sst s6  }
0xf: {  	[smem:$0x3FAF] =	sst s7  }
0x10: {  	[smem:$0x3FB0] =	sst s8  }
0x11: {  	[smem:$0x3FB1] =	sst s9;
	s0 =	simm.s32 @!p0 $0x0  }
0x12: {  	s1 =	sld [smem:$0x3F97];
	s0 =	simm.s32 @p0 $0x1  }
0x13: {  	[smem:$0x3FB2] =	sst s0;
	s0 =	simm.s32 @!p1 $0x0  }
0x14: {  	s2 =	sld [smem:$0x3F96];
	s0 =	simm.s32 @p1 $0x1  }
0x15: {  	[smem:$0x3FB3] =	sst s0;
	s0 =	simm.s32 @!p2 $0x0  }
0x16: {  	s3 =	sld [smem:$0x3FDB];
	s0 =	simm.s32 @p2 $0x1  }
0x17: {  	s4 =	simm.s32 $0x1BF5;
	[smem:$0x3FB5] =	sst s0  }
0x18: {  	s0 =	sld [smem:$0x3F98];
	_ =	swait.ge [sflag:s4], $0x0  }
0x19: {  	s7 =	sld [smem:$0x3F99]  }
0x1a: {  	s8 =	sadd.s32 $0xFFFFE003, lr  }
0x1b: {  	s9 =	sadd.s32 $0xFFFFFEF7, lr;
	s5 =	simm.s32 $0xFFFFFFFF;
	p2 =	slt.u32 s8, $0xFFFFF086  }
0x1c: {  	p1 =	slt.u32 s9, $0xF7A;
	s5 =	simm.s32 @!p2 $0x0  }
0x1d: {  	s5 =	simm.s32 @p1 $0x1;
	p0 =	seq.s32 s7, s2  }
0x1e: {  	s7 =	smul.u32 @!p0 $0xF7A, s2;
	p2 =	seq.s32 @!p0 s5, $0x0  }
0x1f: {  	s9 =	smul.u32 $0xF7A, s1;
	s8 =	simm.s32 @!p0 $0x1BF5;
	p2 =	por !p2, p0  }
0x20: {  	[sflag:s8] =	ssyncset.s32 @!p0 $0xFFFFF086;
	s6 =	sadd.s32 @!p0 s3, s7;
	s7 =	simm.s32 @!p0 $0x108  }
0x21: {  	s3 =	sadd.s32 s3, s9;
	s6 =	sadd.s32 @!p0 $0x88, s6;
	s7 =	simm.s32 @p2 $0x1082  }
0x22: {  	[simem:s7], [sflag:s8] =	dma.local @!p0 [hbm:s6], $0xF7A  }
0x23: {  	s9 =	sor.u32 $0xD0000000, s2;
	s6 =	simm.s32 $0x108;
	_ =	swait.ge @!p0 [sflag:s8], $0x0  }
0x24: {  	s3 =	sadd.s32 $0x88, s3;
	s6 =	simm.s32 @!p1 $0x1082;
	[sflag:s4] =	ssyncset.s32 $0xFFFFF086  }
0x25: {  	[simem:s6], [sflag:s4] =	dma.local [hbm:s3], $0xF7A  }
0x26: {  	[smem:$0x3F99] =	sst s1;
	(tag) =	ssettag s2;
	_ =	strace s9  }
0x27: {  	s1 =	sld [smem:$0x3FA9]  }
0x28: {  	s2 =	sld [smem:$0x3FAA]  }
0x29: {  	s4 =	sld [smem:$0x3FAC]  }
0x2a: {  	p0 =	seq.s32 s5, $0x0;
	s5 =	sld [smem:$0x3FAD]  }
0x2b: {  	s6 =	sld [smem:$0x3FAE]  }
0x2c: {  	s7 =	sld [smem:$0x3FAF]  }
0x2d: {  	s3 =	simm.s32 $0x108;
	s8 =	sld [smem:$0x3FB0]  }
0x2e: {  	s3 =	simm.s32 @!p0 $0x1082;
	s9 =	sld [smem:$0x3FB1]  }
0x2f: {  	lr =	sadd.s32 s0, s3;
	s0 =	sld [smem:$0x3FA8]  }
0x30: {  	s3 =	sld [smem:$0x3FAB]  }
0x31: {  	[smem:$0x3FB4] =	sst s10  }
0x32: {  	s10 =	sld [smem:$0x3FB2];
	_ =	sdelay $0x3  }
0x33: {  	p0 =	seq.s32 s10, $0x1;
	s10 =	sld [smem:$0x3FB4];
	_ =	sdelay $0x3  }
0x34: {  	[smem:$0x3FB4] =	sst s10  }
0x35: {  	s10 =	sld [smem:$0x3FB3];
	_ =	sdelay $0x3  }
0x36: {  	p1 =	seq.s32 s10, $0x1;
	s10 =	sld [smem:$0x3FB4];
	_ =	sdelay $0x3  }
0x37: {  	[smem:$0x3FB4] =	sst s10  }
0x38: {  	s10 =	sld [smem:$0x3FB5]  }
0x39: {  	_ = 	snop;
	(pc) =	sbr.ind lr, $3  }
0x3a: {  	_ = 	snop  }
0x3b: {  	_ = 	snop  }
0x3c: {  	p2 =	seq.s32 s10, $0x1;
	s10 =	sld [smem:$0x3FB4]  }
0x3d: {  	_ =	shalt  }
0x3e: {  	_ =	shalt  }
0x3f: {  	_ =	shalt  }
0x40: {  	_ =	shalt  }
0x41: {  	_ =	shalt  }
0x42: {  	_ =	shalt  }
0x43: {  	_ =	shalt  }
0x44: {  	_ =	shalt  }
0x45: {  	_ =	shalt  }
0x46: {  	_ =	shalt  }
0x47: {  	_ =	shalt  }
0x48: {  	_ =	shalt  }
0x49: {  	_ =	shalt  }
0x4a: {  	_ =	shalt  }
0x4b: {  	_ =	shalt  }
0x4c: {  	_ =	shalt  }
0x4d: {  	_ =	shalt  }
0x4e: {  	_ =	shalt  }
0x4f: {  	_ =	shalt  }
0x50: {  	_ =	shalt  }
0x51: {  	_ =	shalt  }
0x52: {  	_ =	shalt  }
0x53: {  	_ =	shalt  }
0x54: {  	_ =	shalt  }
0x55: {  	_ =	shalt  }
0x56: {  	_ =	shalt  }
0x57: {  	_ =	shalt  }
0x58: {  	_ =	shalt  }
0x59: {  	_ =	shalt  }
0x5a: {  	_ =	shalt  }
0x5b: {  	_ =	shalt  }
0x5c: {  	_ =	shalt  }
0x5d: {  	_ =	shalt  }
0x5e: {  	_ =	shalt  }
0x5f: {  	_ =	shalt  }
0x60: {  	_ =	shalt  }
0x61: {  	_ =	shalt  }
0x62: {  	_ =	shalt  }
0x63: {  	_ =	shalt  }
0x64: {  	_ =	shalt  }
0x65: {  	_ =	shalt  }
0x66: {  	_ =	shalt  }
0x67: {  	_ =	shalt  }
0x68: {  	_ =	shalt  }
0x69: {  	_ =	shalt  }
0x6a: {  	_ =	shalt  }
0x6b: {  	_ =	shalt  }
0x6c: {  	_ =	shalt  }
0x6d: {  	_ =	shalt  }
0x6e: {  	_ =	shalt  }
0x6f: {  	_ =	shalt  }
0x70: {  	_ =	shalt  }
0x71: {  	_ =	shalt  }
0x72: {  	_ =	shalt  }
0x73: {  	_ =	shalt  }
0x74: {  	_ =	shalt  }
0x75: {  	_ =	shalt  }
0x76: {  	_ =	shalt  }
0x77: {  	_ =	shalt  }
0x78: {  	_ =	shalt  }
0x79: {  	_ =	shalt  }
0x7a: {  	_ =	shalt  }
0x7b: {  	_ =	shalt  }
0x7c: {  	_ =	shalt  }
0x7d: {  	_ =	shalt  }
0x7e: {  	_ =	shalt  }
0x7f: {  	_ =	shalt  }
0x80: {  	_ =	shalt  }
0x81: {  	_ =	shalt  }
0x82: {  	_ =	shalt  }
0x83: {  	_ =	shalt  }
0x84: {  	_ =	shalt  }
0x85: {  	_ =	shalt  }
0x86: {  	_ =	shalt  }
0x87: {  	_ =	shalt  }
.Lfunc_end0:
.L_simem_size_0:
called_computation_lowered:
.L_overlay_start_0:
0x88: {  	s2 =	sld [smem:$0x3FD9]  }
0x89: {  	s3 =	sld [smem:$0x3FFE];
	_ =	sdelay $0x1  }
0x8a: {  	s1 =	srdreg.scid  }
0x8b: {  	s0 =	sand.u32 $0x1, s1  }
0x8c: {  	s17 =	sshll.u32 s0, $0xA;
	s2 =	sadd.s32 s3, s2  }
0x8d: {  	s2 =	sadd.s32 s2, s17  }
0x8e: {  	[smem:$0x3FC0] =	sst s2  }
0x8f: {  	_ = 	snop  }
0x90: {  	s2 =	sld [smem:$0x3FD0];
	(tm) =	ssettm $0x1  }
0x91: {  	s18 =	sld [smem:$0x3FFB];
	_ =	sdelay $0x3  }
0x92: {  	_ =	strace s18  }
0x93: {  	s3 =	sld [smem:$0x3FFC];
	_ =	sdelay $0x3  }
0x94: {  	_ =	strace s3  }
0x95: {  	s3 =	sld [smem:$0x3FFD];
	_ =	sdelay $0x3  }
0x96: {  	_ =	strace s3  }
0x97: {  	_ =	strace $0x8FFFFFFF  }
0x98: {  	s19 =	sld [smem:$0x3FDB];
	_ =	sdelay $0x1  }
0x99: {  	s4 =	simm.s32 $_scs_section_size  }
0x9a: {  	s5 =	simm.s32 $_size__tile_overlayer_lowered;
	s6 =	simm.s32 $_tile_overlayer_lowered  }
0x9b: {  	s22 =	simm.s32 $0x1BFF;
	s21 =	sshll.u32 s6, $0x1;
	s3 =	sadd.s32 s4, s19  }
0x9c: {  	s7 =	simm.s32 $0x0;
	s20 =	sshll.u32 s5, $0x1;
	s5 =	sadd.s32 s21, s3  }
0x9d: {  	[timem:s7], [sflag:s22] =	dma.local [hbm:s5], s20  }
0x9e: {  	_ =	swait.ge [sflag:s22], s20  }
0x9f: {  	s4 =	ssub.s32 $0x0, s20;
	[sflag:s22] =	ssyncset.done $0x0  }
0xa0: {  	[sflag:s22] =	ssyncadd.s32 s4;
	_ =	sdelay $0x1  }
0xa1: {  	s23 =	simm.s32 $0x1B8B  }
0xa2: {  	_ =	swait.ge [sflag:s23], $0x1  }
0xa3: {  	[sflag:s23] =	ssyncset.done $0x0  }
0xa4: {  	s25 =	simm.s32 $0x1B8E;
	s24 =	sld [smem:$0x3FFE];
	[sflag:s23] =	ssyncadd.s32 $0xFFFFFFFF  }
0xa5: {  	s26 =	simm.s32 $execute0_lowered;
	[smem:$0x3FD2] =	sst s25  }
0xa6: {  	s5 =	sshll.u32 s26, $0x1;
	_ =	strace $0x80000046;
	[dreg:$0x1] =	wrdreg $0xFFFFFFFF  }
0xa7: {  	s28 =	simm.s32 $_size_execute0_lowered;
	s3 =	sadd.s32 s3, s5;
	[dreg:$0x0] =	wrdreg $0x0  }
0xa8: {  	s5 =	sshll.u32 s28, $0x1;
	[dreg:$0x2] =	wrdreg s3  }
0xa9: {  	[dreg:$0x3] =	wrdreg s5  }
0xaa: {  	[dreg:$0x4] =	wrdreg $0xC0  }
0xab: {  	_ =	task [dreg:s7], $0x5FFFF  }
0xac: {  	[dreg:$0x1] =	wrdreg $0xFFFFFFFF  }
0xad: {  	[dreg:$0x0] =	wrdreg $0x60  }
0xae: {  	[dreg:$0x2] =	wrdreg s24  }
0xaf: {  	[dreg:$0x3] =	wrdreg s2  }
0xb0: {  	[dreg:$0x4] =	wrdreg $0x0  }
0xb1: {  	[dreg:$0x5] =	wrdreg $0x9  }
0xb2: {  	_ =	task.clear_ibuf [dreg:s7], $0x6FFFF;
	_ =	strace $0x90000046  }
0xb3: {  	s29 =	simm.s32 $0x9;
	_ =	strace $0x80000048  }
0xb4: {  	_ =	swait.ge [sflag:s29], $0x1  }
0xb5: {  	[sflag:s29] =	ssyncadd.s32 $0xFFFFFFFF  }
0xb6: {  	_ =	strace $0x90000048  }
0xb7: {  	_ =	sfence  }
0xb8: {  	s30 =	sld [smem:$0x0];
	_ =	sdelay $0x2  }
0xb9: {  	s31 =	sshll.u32 s1, $0xD;
	s1 =	sshrl.u32 s1, $0x2  }
0xba: {  	s3 =	sand.u32 $0x4000, s31;
	s1 =	sadd.s32 s1, s30  }
0xbb: {  	s0 =	sor.u32 s3, s0;
	s1 =	sshll.u32 s1, $0x11  }
0xbc: {  	s0 =	sor.u32 s1, s0  }
0xbd: {  	s0 =	sadd.s32 $0x8F2B, s0  }
0xbe: {  	[sflag:s0] =	ssyncadd.remote.s32 $0x1  }
0xbf: {  	_ =	sfence.sel $0xFFFF  }
0xc0: {  	[dreg:$0x0] =	wrdreg $0xFFFFFFFF;
	(pc) =	sbr.abs _section_cstart, $3  }
0xc1: {  	[dreg:$0x1] =	wrdreg $0xFFFFFFFF  }
0xc2: {  	_ =	task.clear_ibuf [dreg:s7], $0x2FFFF;
	_ =	strace $0x9FFFFFFF  }
0xc3: {  	(tm) =	ssettm $0x7FFFFFFF  }
tec
execute0_lowered:
.L_overlay_start_1:
0x0: {  	(tag) =	ssettag $0x1  }
0x1: {  	s5 =	rddreg [dreg:$0x0]  }
0x2: {  	s1 =	rddreg [dreg:$0x1]  }
0x3: {  	s3 =	rddreg [dreg:$0x2]  }
0x4: {  	s0 =	rddreg [dreg:$0x3];
	s4 =	simm.s32 $0x0;
	s2 =	stileid.u32  }
0x5: {  	s7 =	srdreg.scid;
	s13 =	simm.s32 $0x50;
	s16 =	simm.s32 $0x10  }
0x6: {  	s17 =	simm.s32 $0x0;
	[smem:$0x7FF] =	sst s4;
	s6 =	smul.u32 $0x280, s2  }
0x7: {  	s8 =	sshll.u32 s2, $0xB;
	s7 =	sand.u32 $0x1, s7;
	s31 =	sshll.u32 s2, $0x6  }
0x8: {  	s15 =	smul.u32 $0xA0, s2;
	_ =	strace $0x80000047;
	s8 =	sadd.s32 s8, s5  }
0x9: {  	s10 =	ssub.s32 $0x2, s7;
	s11 =	sshll.u32 s7, $0x4;
	s29 =	sshll.u32 s7, $0xF  }
0xa: {  	s9 =	sshrl.u32 s6, $0x3;
	s12 =	sshrl.u32 s10, $0x1;
	s11 =	sadd.s32 s11, s5  }
0xb: {  	s30 =	sadd.s32 s6, s3;
	s7 =	sadd.s32 s29, s8;
	s6 =	sor.u32 $0x1C01, s31  }
0xc: {  	s9 =	sadd.s32 s9, s5;
	s10 =	ssub.s32 s10, s12;
	s7 =	sadd.s32 $0x15C00, s7  }
0xd: {  	s14 =	sadd.s32 $0x26200, s11;
	s11 =	simm.s32 $0x4280;
	s12 =	simm.s32 $0x280  }
0xe: {  	s5 =	sadd.s32 $0x25C00, s9;
	s8 =	smax.u32 s10, $0x1;
	s9 =	sshrl.u32 s30, $0x3  }
0xf: {  	s10 =	simm.s32 $0x1;
	s14 =	sadd.s32 s15, s14;
	s15 =	simm.s32 $0x20  }
.LBB2_1:
0x10: {  	[spmem:s9], [sflag:s6] =	dma.local [hbm:s5], $0x50  }
0x11: {  	_ =	swait.ge [sflag:s10], $0x50  }
0x12: {  	[sflag:s10] =	ssyncset.done $0x0  }
0x13: {  	[sflag:s10] =	ssyncadd.s32 $0xFFFFFFB0  }
0x14: {  	[tilespmem:s11], [sflag:$0x1] =	stream.linear.gather [hbm4b:s1+s4], $0x80, $0x38;
	[tilespmem:$0x4300] =	vst v63  }
0x15: {  	_ =	swait.ge [sflag:s10], $0x80  }
0x16: {  	[sflag:s10] =	ssyncset.done $0x0  }
0x17: {  	[sflag:s10] =	ssyncadd.s32 $0xFFFFFF80  }
0x18: {  	[tilespmem:s12], [sflag:$0x1] =	stream.linear.gather [hbm4b:s7+s4], $0x3E80, $0x38;
	[tilespmem:$0x4300] =	vst v63  }
0x19: {  	_ =	swait.ge [sflag:s10], $0x3E80  }
0x1a: {  	[sflag:s10] =	ssyncset.done $0x0  }
0x1b: {  	[sflag:s10] =	ssyncadd.s32 $0xFFFFC180  }
0x1c: {  	s18 =	simm.s32 $0x280;
	[bflag:$0x0] =	sbarrier.arrive $0xFFFF  }
0x1d: {  	[spmem:s3] =	stream.indirect.scatter.add.f32 [tilespmem:s11], [sflag:$0x1], $0x1, s18, s13, $0xb8;
	[tilespmem:$0x4300] =	vst v63  }
0x1e: {  	s18 =	simm.s32 $0x200;
	_ =	swait.ge [sflag:s10], $0x50  }
.LBB2_2:
0x1f: {  	s19 =	sshra.s32 s18, $0x2;
	[sflag:s10] =	ssyncset.done $0x0;
	p0 =	sne.s32 s18, $0xF800  }
.Ltmp0:
0x20: {  	s19 =	sadd.s32 $0x280, s19;
	[sflag:s10] =	ssyncadd.s32 $0xFFFFFFB0;
	(pc) =	sbr.rel @p0 .LBB2_2-.Ltmp0, $3  }
0x21: {  	[spmem:s3] =	stream.indirect.scatter.add.f32 [tilespmem:s11], [sflag:$0x1], $0x1, s19, s13, $0xb8;
	[tilespmem:$0x4300] =	vst v63  }
0x22: {  	s18 =	sadd.s32 $0x200, s18;
	_ =	sdelay $0x1  }
0x23: {  	_ =	swait.ge [sflag:s10], $0x50  }
0x24: {  	[sflag:s10] =	ssyncset.done $0x0;
	s17 =	sadd.s32 $0x1, s17  }
0x25: {  	[sflag:s10] =	ssyncadd.s32 $0xFFFFFFB0;
	p0 =	sne.s32 s17, s8  }
.Ltmp1:
0x26: {  	[bflag:$0x0] =	sbarrier.arrive $0xFFFF;
	(pc) =	sbr.rel @p0 .LBB2_1-.Ltmp1, $4  }
0x27: {  	[hbm:s14@s15], [sflag:s6] =	dma.strided [spmem:s9@s16], $0x50, s10, $0x10   }
0x28: {  	_ =	swait.ge [sflag:s10], $0x50  }
0x29: {  	[sflag:s10] =	ssyncset.done $0x0  }
0x2a: {  	[sflag:s10] =	ssyncadd.s32 $0xFFFFFFB0  }
0x2b: {  	_ =	sfence.sel $0x180000  }
0x2c: {  	[bflag:$0x0] =	sbarrier.arrive $0xFFFF  }
0x2d: {  	p0 =	sne.s32 s2, $0x0;
	_ =	strace $0x90000047  }
0x2e: {  	s0 =	sadd.s32 @!p0 $0x100000, s0;
	[bflag:$0x2] =	sbarrier.arrive $0xFFFF  }
0x2f: {  	[sflag:s0] =	ssyncadd.tile.s32 @!p0 $0x1;
	_ =	shalt  }
.Lfunc_end2:
_tile_overlayer_lowered:
.L_overlay_start_2:
0x30: {  	(tag) =	ssettag $0x2  }
0x31: {  	s0 =	rddreg [dreg:$0x0];
	s2 =	stileid.u32  }
0x32: {  	s1 =	rddreg [dreg:$0x1];
	p0 =	sne.s32 s2, $0x0  }
0x33: {  	s3 =	rddreg [dreg:$0x2];
	[bflag:$0x3] =	sbarrier.arrive $0xFFFF;
	s2 =	simm.s32 @!p0 $0x1C01  }
0x34: {  	[timem:s3], [sflag:s2] =	dma.local @!p0 [hbm:s0], s1  }
0x35: {  	s0 =	simm.s32 @!p0 $0x1  }
0x36: {  	_ =	swait.ge @!p0 [sflag:s0], s1  }
0x37: {  	s1 =	ssub.s32 @!p0 $0x0, s1;
	[sflag:s0] =	ssyncset.done @!p0 $0x0  }
0x38: {  	[sflag:s0] =	ssyncadd.s32 @!p0 s1  }
0x39: {  	[bflag:$0x3] =	sbarrier.arrive $0xFFFF  }
0x3a: {  	_ =	shalt  }

// kernel: kernel.14.cloned.1.call-start
scs
__scs_entry_jumppad:
0x0: {  	(pc) =	sbr.rel $0x88, $3  }
0x1: {  	(tag) =	ssettag $0x0;
	lr =	simm.s32 $0x1  }
0x2: {  	[smem:$0x3F99] =	sst lr;
	_ =	strace $0xD0000000  }
0x3: {  	_ = 	snop  }
0x4: {  	_ = 	snop  }
0x5: {  	_ = 	snop  }
0x6: {  	_ = 	snop  }
0x7: {  	_ = 	snop  }
__scs_overlays_trampoline_lowered:
0x8: {  	[smem:$0x3FA8] =	sst s0  }
0x9: {  	[smem:$0x3FA9] =	sst s1  }
0xa: {  	[smem:$0x3FAA] =	sst s2  }
0xb: {  	[smem:$0x3FAB] =	sst s3  }
0xc: {  	[smem:$0x3FAC] =	sst s4  }
0xd: {  	[smem:$0x3FAD] =	sst s5  }
0xe: {  	[smem:$0x3FAE] =	sst s6  }
0xf: {  	[smem:$0x3FAF] =	sst s7  }
0x10: {  	[smem:$0x3FB0] =	sst s8  }
0x11: {  	[smem:$0x3FB1] =	sst s9;
	s0 =	simm.s32 @!p0 $0x0  }
0x12: {  	s1 =	sld [smem:$0x3F97];
	s0 =	simm.s32 @p0 $0x1  }
0x13: {  	[smem:$0x3FB2] =	sst s0;
	s0 =	simm.s32 @!p1 $0x0  }
0x14: {  	s2 =	sld [smem:$0x3F96];
	s0 =	simm.s32 @p1 $0x1  }
0x15: {  	[smem:$0x3FB3] =	sst s0;
	s0 =	simm.s32 @!p2 $0x0  }
0x16: {  	s3 =	sld [smem:$0x3FDB];
	s0 =	simm.s32 @p2 $0x1  }
0x17: {  	s4 =	simm.s32 $0x1BF5;
	[smem:$0x3FB5] =	sst s0  }
0x18: {  	s0 =	sld [smem:$0x3F98];
	_ =	swait.ge [sflag:s4], $0x0  }
0x19: {  	s7 =	sld [smem:$0x3F99]  }
0x1a: {  	s8 =	sadd.s32 $0xFFFFE003, lr  }
0x1b: {  	s9 =	sadd.s32 $0xFFFFFEF7, lr;
	s5 =	simm.s32 $0xFFFFFFFF;
	p2 =	slt.u32 s8, $0xFFFFF086  }
0x1c: {  	p1 =	slt.u32 s9, $0xF7A;
	s5 =	simm.s32 @!p2 $0x0  }
0x1d: {  	s5 =	simm.s32 @p1 $0x1;
	p0 =	seq.s32 s7, s2  }
0x1e: {  	s7 =	smul.u32 @!p0 $0xF7A, s2;
	p2 =	seq.s32 @!p0 s5, $0x0  }
0x1f: {  	s9 =	smul.u32 $0xF7A, s1;
	s8 =	simm.s32 @!p0 $0x1BF5;
	p2 =	por !p2, p0  }
0x20: {  	[sflag:s8] =	ssyncset.s32 @!p0 $0xFFFFF086;
	s6 =	sadd.s32 @!p0 s3, s7;
	s7 =	simm.s32 @!p0 $0x108  }
0x21: {  	s3 =	sadd.s32 s3, s9;
	s6 =	sadd.s32 @!p0 $0x88, s6;
	s7 =	simm.s32 @p2 $0x1082  }
0x22: {  	[simem:s7], [sflag:s8] =	dma.local @!p0 [hbm:s6], $0xF7A  }
0x23: {  	s9 =	sor.u32 $0xD0000000, s2;
	s6 =	simm.s32 $0x108;
	_ =	swait.ge @!p0 [sflag:s8], $0x0  }
0x24: {  	s3 =	sadd.s32 $0x88, s3;
	s6 =	simm.s32 @!p1 $0x1082;
	[sflag:s4] =	ssyncset.s32 $0xFFFFF086  }
0x25: {  	[simem:s6], [sflag:s4] =	dma.local [hbm:s3], $0xF7A  }
0x26: {  	[smem:$0x3F99] =	sst s1;
	(tag) =	ssettag s2;
	_ =	strace s9  }
0x27: {  	s1 =	sld [smem:$0x3FA9]  }
0x28: {  	s2 =	sld [smem:$0x3FAA]  }
0x29: {  	s4 =	sld [smem:$0x3FAC]  }
0x2a: {  	p0 =	seq.s32 s5, $0x0;
	s5 =	sld [smem:$0x3FAD]  }
0x2b: {  	s6 =	sld [smem:$0x3FAE]  }
0x2c: {  	s7 =	sld [smem:$0x3FAF]  }
0x2d: {  	s3 =	simm.s32 $0x108;
	s8 =	sld [smem:$0x3FB0]  }
0x2e: {  	s3 =	simm.s32 @!p0 $0x1082;
	s9 =	sld [smem:$0x3FB1]  }
0x2f: {  	lr =	sadd.s32 s0, s3;
	s0 =	sld [smem:$0x3FA8]  }
0x30: {  	s3 =	sld [smem:$0x3FAB]  }
0x31: {  	[smem:$0x3FB4] =	sst s10  }
0x32: {  	s10 =	sld [smem:$0x3FB2];
	_ =	sdelay $0x3  }
0x33: {  	p0 =	seq.s32 s10, $0x1;
	s10 =	sld [smem:$0x3FB4];
	_ =	sdelay $0x3  }
0x34: {  	[smem:$0x3FB4] =	sst s10  }
0x35: {  	s10 =	sld [smem:$0x3FB3];
	_ =	sdelay $0x3  }
0x36: {  	p1 =	seq.s32 s10, $0x1;
	s10 =	sld [smem:$0x3FB4];
	_ =	sdelay $0x3  }
0x37: {  	[smem:$0x3FB4] =	sst s10  }
0x38: {  	s10 =	sld [smem:$0x3FB5]  }
0x39: {  	_ = 	snop;
	(pc) =	sbr.ind lr, $3  }
0x3a: {  	_ = 	snop  }
0x3b: {  	_ = 	snop  }
0x3c: {  	p2 =	seq.s32 s10, $0x1;
	s10 =	sld [smem:$0x3FB4]  }
0x3d: {  	_ =	shalt  }
0x3e: {  	_ =	shalt  }
0x3f: {  	_ =	shalt  }
0x40: {  	_ =	shalt  }
0x41: {  	_ =	shalt  }
0x42: {  	_ =	shalt  }
0x43: {  	_ =	shalt  }
0x44: {  	_ =	shalt  }
0x45: {  	_ =	shalt  }
0x46: {  	_ =	shalt  }
0x47: {  	_ =	shalt  }
0x48: {  	_ =	shalt  }
0x49: {  	_ =	shalt  }
0x4a: {  	_ =	shalt  }
0x4b: {  	_ =	shalt  }
0x4c: {  	_ =	shalt  }
0x4d: {  	_ =	shalt  }
0x4e: {  	_ =	shalt  }
0x4f: {  	_ =	shalt  }
0x50: {  	_ =	shalt  }
0x51: {  	_ =	shalt  }
0x52: {  	_ =	shalt  }
0x53: {  	_ =	shalt  }
0x54: {  	_ =	shalt  }
0x55: {  	_ =	shalt  }
0x56: {  	_ =	shalt  }
0x57: {  	_ =	shalt  }
0x58: {  	_ =	shalt  }
0x59: {  	_ =	shalt  }
0x5a: {  	_ =	shalt  }
0x5b: {  	_ =	shalt  }
0x5c: {  	_ =	shalt  }
0x5d: {  	_ =	shalt  }
0x5e: {  	_ =	shalt  }
0x5f: {  	_ =	shalt  }
0x60: {  	_ =	shalt  }
0x61: {  	_ =	shalt  }
0x62: {  	_ =	shalt  }
0x63: {  	_ =	shalt  }
0x64: {  	_ =	shalt  }
0x65: {  	_ =	shalt  }
0x66: {  	_ =	shalt  }
0x67: {  	_ =	shalt  }
0x68: {  	_ =	shalt  }
0x69: {  	_ =	shalt  }
0x6a: {  	_ =	shalt  }
0x6b: {  	_ =	shalt  }
0x6c: {  	_ =	shalt  }
0x6d: {  	_ =	shalt  }
0x6e: {  	_ =	shalt  }
0x6f: {  	_ =	shalt  }
0x70: {  	_ =	shalt  }
0x71: {  	_ =	shalt  }
0x72: {  	_ =	shalt  }
0x73: {  	_ =	shalt  }
0x74: {  	_ =	shalt  }
0x75: {  	_ =	shalt  }
0x76: {  	_ =	shalt  }
0x77: {  	_ =	shalt  }
0x78: {  	_ =	shalt  }
0x79: {  	_ =	shalt  }
0x7a: {  	_ =	shalt  }
0x7b: {  	_ =	shalt  }
0x7c: {  	_ =	shalt  }
0x7d: {  	_ =	shalt  }
0x7e: {  	_ =	shalt  }
0x7f: {  	_ =	shalt  }
0x80: {  	_ =	shalt  }
0x81: {  	_ =	shalt  }
0x82: {  	_ =	shalt  }
0x83: {  	_ =	shalt  }
0x84: {  	_ =	shalt  }
0x85: {  	_ =	shalt  }
0x86: {  	_ =	shalt  }
0x87: {  	_ =	shalt  }
.Lfunc_end0:
.L_simem_size_0:
called_computation.1_lowered:
.L_overlay_start_0:
0x88: {  	s2 =	sld [smem:$0x3FD9]  }
0x89: {  	s3 =	sld [smem:$0x3FFE];
	_ =	sdelay $0x1  }
0x8a: {  	s1 =	srdreg.scid  }
0x8b: {  	s0 =	sand.u32 $0x1, s1  }
0x8c: {  	s16 =	sshll.u32 s0, $0xA;
	s2 =	sadd.s32 s3, s2  }
0x8d: {  	s2 =	sadd.s32 s2, s16  }
0x8e: {  	[smem:$0x3FC0] =	sst s2  }
0x8f: {  	_ = 	snop  }
0x90: {  	(tm) =	ssettm $0x1  }
0x91: {  	s17 =	sld [smem:$0x3FFB];
	_ =	sdelay $0x3  }
0x92: {  	_ =	strace s17  }
0x93: {  	s2 =	sld [smem:$0x3FFC];
	_ =	sdelay $0x3  }
0x94: {  	_ =	strace s2  }
0x95: {  	s2 =	sld [smem:$0x3FFD];
	_ =	sdelay $0x3  }
0x96: {  	_ =	strace s2  }
0x97: {  	_ =	strace $0x8FFFFFFF  }
0x98: {  	s18 =	sld [smem:$0x3FDB];
	_ =	sdelay $0x1  }
0x99: {  	s19 =	simm.s32 $_scs_section_size  }
0x9a: {  	s4 =	simm.s32 $_size__tile_overlayer_lowered;
	s5 =	simm.s32 $_tile_overlayer_lowered  }
0x9b: {  	s22 =	simm.s32 $0x1BFF;
	s21 =	sshll.u32 s5, $0x1;
	s2 =	sadd.s32 s19, s18  }
0x9c: {  	s6 =	simm.s32 $0x0;
	s20 =	sshll.u32 s4, $0x1;
	s4 =	sadd.s32 s21, s2  }
0x9d: {  	[timem:s6], [sflag:s22] =	dma.local [hbm:s4], s20  }
0x9e: {  	_ =	swait.ge [sflag:s22], s20  }
0x9f: {  	s3 =	ssub.s32 $0x0, s20;
	[sflag:s22] =	ssyncset.done $0x0  }
0xa0: {  	[sflag:s22] =	ssyncadd.s32 s3;
	_ =	sdelay $0x1  }
0xa1: {  	s23 =	simm.s32 $0x1B8B  }
0xa2: {  	_ =	swait.ge [sflag:s23], $0x1  }
0xa3: {  	[sflag:s23] =	ssyncset.done $0x0  }
0xa4: {  	s25 =	simm.s32 $0x1B8E;
	s24 =	sld [smem:$0x3FFE];
	[sflag:s23] =	ssyncadd.s32 $0xFFFFFFFF  }
0xa5: {  	s26 =	simm.s32 $execute0_lowered;
	[smem:$0x3FD2] =	sst s25  }
0xa6: {  	s4 =	sshll.u32 s26, $0x1;
	_ =	strace $0x80000049;
	[dreg:$0x1] =	wrdreg $0xFFFFFFFF  }
0xa7: {  	s28 =	simm.s32 $_size_execute0_lowered;
	s2 =	sadd.s32 s2, s4;
	[dreg:$0x0] =	wrdreg $0x0  }
0xa8: {  	s4 =	sshll.u32 s28, $0x1;
	[dreg:$0x2] =	wrdreg s2  }
0xa9: {  	[dreg:$0x3] =	wrdreg s4  }
0xaa: {  	[dreg:$0x4] =	wrdreg $0xC0  }
0xab: {  	_ =	task [dreg:s6], $0x5FFFF  }
0xac: {  	[dreg:$0x1] =	wrdreg $0xFFFFFFFF  }
0xad: {  	[dreg:$0x0] =	wrdreg $0x60  }
0xae: {  	[dreg:$0x2] =	wrdreg s24  }
0xaf: {  	[dreg:$0x3] =	wrdreg $0x0  }
0xb0: {  	[dreg:$0x4] =	wrdreg $0x9  }
0xb1: {  	_ =	task.clear_ibuf [dreg:s6], $0x5FFFF;
	_ =	strace $0x90000049  }
0xb2: {  	s29 =	simm.s32 $0x9;
	_ =	strace $0x8000004B  }
0xb3: {  	_ =	swait.ge [sflag:s29], $0x1  }
0xb4: {  	[sflag:s29] =	ssyncadd.s32 $0xFFFFFFFF  }
0xb5: {  	_ =	strace $0x9000004B  }
0xb6: {  	_ =	sfence  }
0xb7: {  	s30 =	sld [smem:$0x0];
	_ =	sdelay $0x2  }
0xb8: {  	s31 =	sshll.u32 s1, $0xD;
	s1 =	sshrl.u32 s1, $0x2  }
0xb9: {  	s3 =	sand.u32 $0x4000, s31;
	s1 =	sadd.s32 s1, s30  }
0xba: {  	s0 =	sor.u32 s3, s0;
	s1 =	sshll.u32 s1, $0x11  }
0xbb: {  	s0 =	sor.u32 s1, s0  }
0xbc: {  	s0 =	sadd.s32 $0x8F2B, s0  }
0xbd: {  	[sflag:s0] =	ssyncadd.remote.s32 $0x1  }
0xbe: {  	_ =	sfence.sel $0xFFFF  }
0xbf: {  	[dreg:$0x0] =	wrdreg $0xFFFFFFFF;
	(pc) =	sbr.abs _section_cstart, $3  }
0xc0: {  	[dreg:$0x1] =	wrdreg $0xFFFFFFFF  }
0xc1: {  	_ =	task.clear_ibuf [dreg:s6], $0x2FFFF;
	_ =	strace $0x9FFFFFFF  }
0xc2: {  	(tm) =	ssettm $0x7FFFFFFF  }
0xc3: {  	_ =	shalt  }
tec
execute0_lowered:
.L_overlay_start_1:
0x0: {  	(tag) =	ssettag $0x1  }
0x1: {  	s0 =	rddreg [dreg:$0x0]  }
0x2: {  	s1 =	rddreg [dreg:$0x1];
	s2 =	srdreg.scid;
	s5 =	simm.s32 $0x0  }
0x3: {  	s3 =	stileid.u32;
	s11 =	simm.s32 $0xB;
	s12 =	simm.s32 $0xA000  }
0x4: {  	s14 =	simm.s32 $0x50;
	s15 =	simm.s32 $0xEE20;
	s17 =	simm.s32 $0x10220  }
0x5: {  	s19 =	simm.s32 $0x11620;
	s21 =	simm.s32 $0x12A20;
	s28 =	simm.s32 $0x2  }
0x6: {  	s29 =	simm.s32 $0x7;
	s30 =	simm.s32 $0x3;
	s31 =	simm.s32 $0x8  }
0x7: {  	s16 =	simm.s32 $0xA;
	s22 =	simm.s32 $0x0;
	s2 =	sand.u32 $0x1, s2  }
0x8: {  	[smem:$0x7FF] =	sst s5;
	s9 =	smul.u32 $0xA000, s3;
	s10 =	sadd.s32 $0x29C00, s0  }
0x9: {  	s26 =	sshll.u32 s3, $0x6;
	s4 =	sshll.u32 s2, $0x4;
	_ =	strace $0x8000004A  }
0xa: {  	s6 =	smul.u32 $0x14000, s2;
	s7 =	ssub.s32 $0x2, s2;
	p0 =	seq.s32 s2, $0x0  }
0xb: {  	s2 =	simm.s32 $0x9;
	s4 =	sor.u32 s3, s4;
	s24 =	sshrl.u32 s7, $0x1  }
0xc: {  	s25 =	sadd.s32 s9, s1;
	s13 =	sshrl.u32 s9, $0x3;
	s9 =	sor.u32 $0x1C0B, s26  }
0xd: {  	s23 =	smul.u32 $0x4E2, s4;
	s4 =	sadd.s32 $0x15C00, s0;
	s7 =	ssub.s32 s7, s24  }
0xe: {  	s26 =	simm.s32 $0x6;
	s7 =	smax.u32 s7, $0x1;
	s10 =	smov.u32 @p0 s4  }
0xf: {  	s8 =	sadd.s32 s23, s0;
	s0 =	sadd.s32 s6, s0;
	s23 =	simm.s32 $0x13E20  }
0x10: {  	s5 =	sadd.s32 $0x2000, s8;
	s6 =	sadd.s32 $0xBE00, s8;
	s0 =	sadd.s32 $0x3DC00, s0  }
0x11: {  	s8 =	sadd.s32 s10, s13;
	s10 =	sshrl.u32 s25, $0x3;
	s25 =	simm.s32 $0x1  }
0x12: {  	s24 =	sadd.s32 s13, s0;
	s0 =	simm.s32 $0x4;
	s13 =	simm.s32 $0x5  }
.LBB2_1:
0x13: {  	[spmem:s10], [sflag:s9] =	dma.local [hbm:s8], $0x1400  }
0x14: {  	_ =	swait.ge [sflag:s11], $0x1400  }
0x15: {  	[sflag:s11] =	ssyncset.done $0x0  }
0x16: {  	s3 =	simm.s32 $0x0;
	[sflag:s11] =	ssyncadd.s32 $0xFFFFEC00  }
0x17: {  	[tilespmem:s12], [sflag:$0xB] =	stream.linear.gather [hbm4b:s5+s3], $0x2710, $0x38;
	[tilespmem:$0x15220] =	vst v63  }
0x18: {  	_ =	swait.ge [sflag:s11], $0x2710  }
0x19: {  	[sflag:s11] =	ssyncset.done $0x0  }
0x1a: {  	s18 =	simm.s32 $0xC710;
	[sflag:s11] =	ssyncadd.s32 $0xFFFFD8F0  }
0x1b: {  	[tilespmem:s18], [sflag:$0xB] =	stream.linear.gather [hbm4b:s6+s3], $0x2710, $0x38;
	[tilespmem:$0x15220] =	vst v63  }
0x1c: {  	_ =	swait.ge [sflag:s11], $0x2710  }
0x1d: {  	[sflag:s11] =	ssyncset.done $0x0  }
0x1e: {  	[sflag:s11] =	ssyncadd.s32 $0xFFFFD8F0  }
0x1f: {  	[bflag:$0x0] =	sbarrier.arrive $0xFFFF  }
0x20: {  	[tilespmem:s15], [sflag:$0x1] =	stream.indirect.gather [hbm4b:s4+s14], $0x40, s12, s14, $0xb8;
	[tilespmem:$0x15220] =	vst v63  }
0x21: {  	s20 =	simm.s32 $0xA050  }
0x22: {  	[tilespmem:s17], [sflag:$0x2] =	stream.indirect.gather [hbm4b:s4+s14], $0x40, s20, s14, $0xb8;
	[tilespmem:$0x15220] =	vst v63  }
0x23: {  	s18 =	simm.s32 $0xA0A0  }
0x24: {  	[tilespmem:s19], [sflag:$0x3] =	stream.indirect.gather [hbm4b:s4+s14], $0x40, s18, s14, $0xb8;
	[tilespmem:$0x15220] =	vst v63  }
0x25: {  	s20 =	simm.s32 $0xA0F0  }
0x26: {  	[tilespmem:s21], [sflag:$0x4] =	stream.indirect.gather [hbm4b:s4+s14], $0x40, s20, s14, $0xb8;
	[tilespmem:$0x15220] =	vst v63  }
0x27: {  	s18 =	simm.s32 $0xA140  }
0x28: {  	[tilespmem:s23], [sflag:$0x5] =	stream.indirect.gather [hbm4b:s4+s14], $0x40, s18, s14, $0xb8;
	[tilespmem:$0x15220] =	vst v63  }
0x29: {  	_ =	swait.ge [sflag:s25], $0x1400  }
0x2a: {  	[sflag:s25] =	ssyncset.done $0x0  }
0x2b: {  	s20 =	simm.s32 $0xC710;
	[sflag:s25] =	ssyncadd.s32 $0xFFFFEC00  }
0x2c: {  	[spmem:s1] =	stream.indirect.scatter.add.f32 [tilespmem:s15], [sflag:$0x6], $0x40, s20, s14, $0xb8;
	[tilespmem:$0x15220] =	vst v63  }
0x2d: {  	_ =	swait.ge [sflag:s26], $0x1400  }
0x2e: {  	[sflag:s26] =	ssyncset.done $0x0  }
0x2f: {  	s3 =	simm.s32 $0xA190;
	[sflag:s26] =	ssyncadd.s32 $0xFFFFEC00  }
0x30: {  	[tilespmem:s15], [sflag:$0x1] =	stream.indirect.gather [hbm4b:s4+s14], $0x40, s3, s14, $0xb8;
	[tilespmem:$0x15220] =	vst v63  }
0x31: {  	_ =	swait.ge [sflag:s28], $0x1400  }
0x32: {  	[sflag:s28] =	ssyncset.done $0x0  }
0x33: {  	s20 =	simm.s32 $0xC760;
	[sflag:s28] =	ssyncadd.s32 $0xFFFFEC00  }
0x34: {  	[spmem:s1] =	stream.indirect.scatter.add.f32 [tilespmem:s17], [sflag:$0x7], $0x40, s20, s14, $0xb8;
	[tilespmem:$0x15220] =	vst v63  }
0x35: {  	_ =	swait.ge [sflag:s29], $0x1400  }
0x36: {  	[sflag:s29] =	ssyncset.done $0x0  }
0x37: {  	s3 =	simm.s32 $0xA1E0;
	[sflag:s29] =	ssyncadd.s32 $0xFFFFEC00  }
0x38: {  	[tilespmem:s17], [sflag:$0x2] =	stream.indirect.gather [hbm4b:s4+s14], $0x40, s3, s14, $0xb8;
	[tilespmem:$0x15220] =	vst v63  }
0x39: {  	_ =	swait.ge [sflag:s30], $0x1400  }
0x3a: {  	[sflag:s30] =	ssyncset.done $0x0  }
0x3b: {  	s20 =	simm.s32 $0xC7B0;
	[sflag:s30] =	ssyncadd.s32 $0xFFFFEC00  }
0x3c: {  	[spmem:s1] =	stream.indirect.scatter.add.f32 [tilespmem:s19], [sflag:$0x8], $0x40, s20, s14, $0xb8;
	[tilespmem:$0x15220] =	vst v63  }
0x3d: {  	_ =	swait.ge [sflag:s31], $0x1400  }
0x3e: {  	[sflag:s31] =	ssyncset.done $0x0  }
0x3f: {  	s3 =	simm.s32 $0xA230;
	[sflag:s31] =	ssyncadd.s32 $0xFFFFEC00  }
0x40: {  	[tilespmem:s19], [sflag:$0x3] =	stream.indirect.gather [hbm4b:s4+s14], $0x40, s3, s14, $0xb8;
	[tilespmem:$0x15220] =	vst v63  }
0x41: {  	_ =	swait.ge [sflag:s0], $0x1400  }
0x42: {  	[sflag:s0] =	ssyncset.done $0x0  }
0x43: {  	s20 =	simm.s32 $0xC800;
	[sflag:s0] =	ssyncadd.s32 $0xFFFFEC00  }
0x44: {  	[spmem:s1] =	stream.indirect.scatter.add.f32 [tilespmem:s21], [sflag:$0x9], $0x40, s20, s14, $0xb8;
	[tilespmem:$0x15220] =	vst v63  }
0x45: {  	_ =	swait.ge [sflag:s2], $0x1400  }
0x46: {  	[sflag:s2] =	ssyncset.done $0x0  }
0x47: {  	s3 =	simm.s32 $0xA280;
	[sflag:s2] =	ssyncadd.s32 $0xFFFFEC00  }
0x48: {  	[tilespmem:s21], [sflag:$0x4] =	stream.indirect.gather [hbm4b:s4+s14], $0x40, s3, s14, $0xb8;
	[tilespmem:$0x15220] =	vst v63  }
0x49: {  	_ =	swait.ge [sflag:s13], $0x1400  }
0x4a: {  	[sflag:s13] =	ssyncset.done $0x0  }
0x4b: {  	s20 =	simm.s32 $0xC850;
	[sflag:s13] =	ssyncadd.s32 $0xFFFFEC00  }
0x4c: {  	[spmem:s1] =	stream.indirect.scatter.add.f32 [tilespmem:s23], [sflag:$0xA], $0x40, s20, s14, $0xb8;
	[tilespmem:$0x15220] =	vst v63  }
0x4d: {  	_ =	swait.ge [sflag:s16], $0x1400  }
0x4e: {  	[sflag:s16] =	ssyncset.done $0x0  }
0x4f: {  	s18 =	simm.s32 $0x640;
	s20 =	simm.s32 $0xA2D0;
	[sflag:s16] =	ssyncadd.s32 $0xFFFFEC00  }
.LBB2_2:
0x50: {  	[tilespmem:s23], [sflag:$0x5] =	stream.indirect.gather [hbm4b:s4+s14], $0x40, s20, s14, $0xb8;
	[tilespmem:$0x15220] =	vst v63  }
0x51: {  	s20 =	smov.u32 s18  }
0x52: {  	p0 =	sne.s32 s18, $0x8FC0;
	s18 =	sadd.s32 $0x640, s18;
	_ =	swait.ge [sflag:s25], $0x1400  }
0x53: {  	s20 =	sshra.s32 s20, $0x2;
	[sflag:s25] =	ssyncset.done $0x0  }
0x54: {  	s3 =	sadd.s32 $0xC710, s20;
	[sflag:s25] =	ssyncadd.s32 $0xFFFFEC00  }
0x55: {  	[spmem:s1] =	stream.indirect.scatter.add.f32 [tilespmem:s15], [sflag:$0x6], $0x40, s3, s14, $0xb8;
	[tilespmem:$0x15220] =	vst v63  }
0x56: {  	_ =	swait.ge [sflag:s26], $0x1400  }
0x57: {  	[sflag:s26] =	ssyncset.done $0x0  }
0x58: {  	s3 =	sadd.s32 $0xA190, s20;
	[sflag:s26] =	ssyncadd.s32 $0xFFFFEC00  }
0x59: {  	[tilespmem:s15], [sflag:$0x1] =	stream.indirect.gather [hbm4b:s4+s14], $0x40, s3, s14, $0xb8;
	[tilespmem:$0x15220] =	vst v63  }
0x5a: {  	_ =	swait.ge [sflag:s28], $0x1400  }
0x5b: {  	[sflag:s28] =	ssyncset.done $0x0  }
0x5c: {  	s3 =	sadd.s32 $0xC760, s20;
	[sflag:s28] =	ssyncadd.s32 $0xFFFFEC00  }
0x5d: {  	[spmem:s1] =	stream.indirect.scatter.add.f32 [tilespmem:s17], [sflag:$0x7], $0x40, s3, s14, $0xb8;
	[tilespmem:$0x15220] =	vst v63  }
0x5e: {  	_ =	swait.ge [sflag:s29], $0x1400  }
0x5f: {  	[sflag:s29] =	ssyncset.done $0x0  }
0x60: {  	s3 =	sadd.s32 $0xA1E0, s20;
	[sflag:s29] =	ssyncadd.s32 $0xFFFFEC00  }
0x61: {  	[tilespmem:s17], [sflag:$0x2] =	stream.indirect.gather [hbm4b:s4+s14], $0x40, s3, s14, $0xb8;
	[tilespmem:$0x15220] =	vst v63  }
0x62: {  	_ =	swait.ge [sflag:s30], $0x1400  }
0x63: {  	[sflag:s30] =	ssyncset.done $0x0  }
0x64: {  	s3 =	sadd.s32 $0xC7B0, s20;
	[sflag:s30] =	ssyncadd.s32 $0xFFFFEC00  }
0x65: {  	[spmem:s1] =	stream.indirect.scatter.add.f32 [tilespmem:s19], [sflag:$0x8], $0x40, s3, s14, $0xb8;
	[tilespmem:$0x15220] =	vst v63  }
0x66: {  	_ =	swait.ge [sflag:s31], $0x1400  }
0x67: {  	[sflag:s31] =	ssyncset.done $0x0  }
0x68: {  	s3 =	sadd.s32 $0xA230, s20;
	[sflag:s31] =	ssyncadd.s32 $0xFFFFEC00  }
0x69: {  	[tilespmem:s19], [sflag:$0x3] =	stream.indirect.gather [hbm4b:s4+s14], $0x40, s3, s14, $0xb8;
	[tilespmem:$0x15220] =	vst v63  }
0x6a: {  	_ =	swait.ge [sflag:s0], $0x1400  }
0x6b: {  	[sflag:s0] =	ssyncset.done $0x0  }
0x6c: {  	s3 =	sadd.s32 $0xC800, s20;
	[sflag:s0] =	ssyncadd.s32 $0xFFFFEC00  }
0x6d: {  	[spmem:s1] =	stream.indirect.scatter.add.f32 [tilespmem:s21], [sflag:$0x9], $0x40, s3, s14, $0xb8;
	[tilespmem:$0x15220] =	vst v63  }
0x6e: {  	_ =	swait.ge [sflag:s2], $0x1400  }
0x6f: {  	[sflag:s2] =	ssyncset.done $0x0  }
0x70: {  	s3 =	sadd.s32 $0xA280, s20;
	[sflag:s2] =	ssyncadd.s32 $0xFFFFEC00  }
0x71: {  	[tilespmem:s21], [sflag:$0x4] =	stream.indirect.gather [hbm4b:s4+s14], $0x40, s3, s14, $0xb8;
	[tilespmem:$0x15220] =	vst v63  }
0x72: {  	_ =	swait.ge [sflag:s13], $0x1400  }
0x73: {  	[sflag:s13] =	ssyncset.done $0x0  }
.Ltmp0:
0x74: {  	s3 =	sadd.s32 $0xC850, s20;
	[sflag:s13] =	ssyncadd.s32 $0xFFFFEC00;
	(pc) =	sbr.rel @p0 .LBB2_2-.Ltmp0, $4  }
0x75: {  	[spmem:s1] =	stream.indirect.scatter.add.f32 [tilespmem:s23], [sflag:$0xA], $0x40, s3, s14, $0xb8;
	[tilespmem:$0x15220] =	vst v63  }
0x76: {  	_ =	swait.ge [sflag:s16], $0x1400  }
0x77: {  	[sflag:s16] =	ssyncset.done $0x0  }
0x78: {  	s20 =	sadd.s32 $0xA2D0, s20;
	[sflag:s16] =	ssyncadd.s32 $0xFFFFEC00  }
0x79: {  	[tilespmem:s23], [sflag:$0x5] =	stream.indirect.gather [hbm4b:s4+s14], $0x40, s20, s14, $0xb8;
	[tilespmem:$0x15220] =	vst v63  }
0x7a: {  	_ =	swait.ge [sflag:s25], $0x1400  }
0x7b: {  	[sflag:s25] =	ssyncset.done $0x0  }
0x7c: {  	s3 =	simm.s32 $0xEC90;
	[sflag:s25] =	ssyncadd.s32 $0xFFFFEC00  }
0x7d: {  	[spmem:s1] =	stream.indirect.scatter.add.f32 [tilespmem:s15], [sflag:$0x6], $0x40, s3, s14, $0xb8;
	[tilespmem:$0x15220] =	vst v63  }
0x7e: {  	_ =	swait.ge [sflag:s28], $0x1400  }
0x7f: {  	[sflag:s28] =	ssyncset.done $0x0  }
0x80: {  	s18 =	simm.s32 $0xECE0;
	[sflag:s28] =	ssyncadd.s32 $0xFFFFEC00  }
0x81: {  	[spmem:s1] =	stream.indirect.scatter.add.f32 [tilespmem:s17], [sflag:$0x7], $0x40, s18, s14, $0xb8;
	[tilespmem:$0x15220] =	vst v63  }
0x82: {  	_ =	swait.ge [sflag:s30], $0x1400  }
0x83: {  	[sflag:s30] =	ssyncset.done $0x0  }
0x84: {  	s20 =	simm.s32 $0xED30;
	[sflag:s30] =	ssyncadd.s32 $0xFFFFEC00  }
0x85: {  	[spmem:s1] =	stream.indirect.scatter.add.f32 [tilespmem:s19], [sflag:$0x8], $0x40, s20, s14, $0xb8;
	[tilespmem:$0x15220] =	vst v63  }
0x86: {  	_ =	swait.ge [sflag:s0], $0x1400  }
0x87: {  	[sflag:s0] =	ssyncset.done $0x0  }
0x88: {  	s18 =	simm.s32 $0xED80;
	[sflag:s0] =	ssyncadd.s32 $0xFFFFEC00  }
0x89: {  	[spmem:s1] =	stream.indirect.scatter.add.f32 [tilespmem:s21], [sflag:$0x9], $0x40, s18, s14, $0xb8;
	[tilespmem:$0x15220] =	vst v63  }
0x8a: {  	_ =	swait.ge [sflag:s13], $0x1400  }
0x8b: {  	[sflag:s13] =	ssyncset.done $0x0  }
0x8c: {  	s20 =	simm.s32 $0xEDD0;
	[sflag:s13] =	ssyncadd.s32 $0xFFFFEC00  }
0x8d: {  	[spmem:s1] =	stream.indirect.scatter.add.f32 [tilespmem:s23], [sflag:$0xA], $0x40, s20, s14, $0xb8;
	[tilespmem:$0x15220] =	vst v63  }
0x8e: {  	_ =	swait.ge [sflag:s26], $0x1400  }
0x8f: {  	[sflag:s26] =	ssyncset.done $0x0  }
0x90: {  	[sflag:s26] =	ssyncadd.s32 $0xFFFFEC00  }
0x91: {  	_ =	swait.ge [sflag:s29], $0x1400  }
0x92: {  	[sflag:s29] =	ssyncset.done $0x0  }
0x93: {  	[sflag:s29] =	ssyncadd.s32 $0xFFFFEC00  }
0x94: {  	_ =	swait.ge [sflag:s31], $0x1400  }
0x95: {  	[sflag:s31] =	ssyncset.done $0x0  }
0x96: {  	[sflag:s31] =	ssyncadd.s32 $0xFFFFEC00  }
0x97: {  	_ =	swait.ge [sflag:s2], $0x1400  }
0x98: {  	[sflag:s2] =	ssyncset.done $0x0  }
0x99: {  	[sflag:s2] =	ssyncadd.s32 $0xFFFFEC00  }
0x9a: {  	_ =	swait.ge [sflag:s16], $0x1400  }
0x9b: {  	s22 =	sadd.s32 $0x1, s22;
	[sflag:s16] =	ssyncset.done $0x0  }
0x9c: {  	p0 =	sne.s32 s22, s7;
	[sflag:s16] =	ssyncadd.s32 $0xFFFFEC00  }
.Ltmp1:
0x9d: {  	[bflag:$0x0] =	sbarrier.arrive $0xFFFF;
	(pc) =	sbr.rel @p0 .LBB2_1-.Ltmp1, $4  }
0x9e: {  	[hbm:s24], [sflag:s9] =	dma.local [spmem:s10], $0x1400  }
0x9f: {  	_ =	swait.ge [sflag:s11], $0x1400  }
0xa0: {  	[sflag:s11] =	ssyncset.done $0x0  }
0xa1: {  	[sflag:s11] =	ssyncadd.s32 $0xFFFFEC00  }
0xa2: {  	_ =	sfence.sel $0x180000  }
0xa3: {  	[bflag:$0x0] =	sbarrier.arrive $0xFFFF  }
0xa4: {  	_ =	strace $0x9000004A  }
0xa5: {  	s0 =	stileid.u32;
	[bflag:$0x2] =	sbarrier.arrive $0xFFFF  }
0xa6: {  	p0 =	sne.s32 s0, $0x0;
	s0 =	rddreg [dreg:$0x2]  }
0xa7: {  	s0 =	sadd.s32 @!p0 $0x100000, s0  }
0xa8: {  	[sflag:s0] =	ssyncadd.tile.s32 @!p0 $0x1;
	_ =	shalt  }
.Lfunc_end2:
_tile_overlayer_lowered:
.L_overlay_start_2:
0xa9: {  	(tag) =	ssettag $0x2  }
0xaa: {  	s0 =	rddreg [dreg:$0x0];
	s2 =	stileid.u32  }
0xab: {  	s1 =	rddreg [dreg:$0x1];
	p0 =	sne.s32 s2, $0x0  }
0xac: {  	s3 =	rddreg [dreg:$0x2];
	[bflag:$0x3] =	sbarrier.arrive $0xFFFF;
	s2 =	simm.s32 @!p0 $0x1C0B  }
0xad: {  	[timem:s3], [sflag:s2] =	dma.local @!p0 [hbm:s0], s1  }
0xae: {  	s0 =	simm.s32 @!p0 $0xB  }
0xaf: {  	_ =	swait.ge @!p0 [sflag:s0], s1  }
0xb0: {  	s1 =	ssub.s32 @!p0 $0x0, s1;
	[sflag:s0] =	ssyncset.done @!p0 $0x0  }
0xb1: {  	[sflag:s0] =	ssyncadd.s32 @!p0 s1  }
0xb2: {  	[bflag:$0x3] =	sbarrier.arrive $0xFFFF  }
0xb3: {  	_ =	shalt  }

// kernel: kernel.17.cloned.1.call-start
scs
__scs_entry_jumppad:
0x0: {  	(pc) =	sbr.rel $0x88, $3  }
0x1: {  	(tag) =	ssettag $0x0;
	lr =	simm.s32 $0x1  }
0x2: {  	[smem:$0x3F99] =	sst lr;
	_ =	strace $0xD0000000  }
0x3: {  	_ = 	snop  }
0x4: {  	_ = 	snop  }
0x5: {  	_ = 	snop  }
0x6: {  	_ = 	snop  }
0x7: {  	_ = 	snop  }
__scs_overlays_trampoline_lowered:
0x8: {  	[smem:$0x3FA8] =	sst s0  }
0x9: {  	[smem:$0x3FA9] =	sst s1  }
0xa: {  	[smem:$0x3FAA] =	sst s2  }
0xb: {  	[smem:$0x3FAB] =	sst s3  }
0xc: {  	[smem:$0x3FAC] =	sst s4  }
0xd: {  	[smem:$0x3FAD] =	sst s5  }
0xe: {  	[smem:$0x3FAE] =	sst s6  }
0xf: {  	[smem:$0x3FAF] =	sst s7  }
0x10: {  	[smem:$0x3FB0] =	sst s8  }
0x11: {  	[smem:$0x3FB1] =	sst s9;
	s0 =	simm.s32 @!p0 $0x0  }
0x12: {  	s1 =	sld [smem:$0x3F97];
	s0 =	simm.s32 @p0 $0x1  }
0x13: {  	[smem:$0x3FB2] =	sst s0;
	s0 =	simm.s32 @!p1 $0x0  }
0x14: {  	s2 =	sld [smem:$0x3F96];
	s0 =	simm.s32 @p1 $0x1  }
0x15: {  	[smem:$0x3FB3] =	sst s0;
	s0 =	simm.s32 @!p2 $0x0  }
0x16: {  	s3 =	sld [smem:$0x3FDB];
	s0 =	simm.s32 @p2 $0x1  }
0x17: {  	s4 =	simm.s32 $0x1BF5;
	[smem:$0x3FB5] =	sst s0  }
0x18: {  	s0 =	sld [smem:$0x3F98];
	_ =	swait.ge [sflag:s4], $0x0  }
0x19: {  	s7 =	sld [smem:$0x3F99]  }
0x1a: {  	s8 =	sadd.s32 $0xFFFFE003, lr  }
0x1b: {  	s9 =	sadd.s32 $0xFFFFFEF7, lr;
	s5 =	simm.s32 $0xFFFFFFFF;
	p2 =	slt.u32 s8, $0xFFFFF086  }
0x1c: {  	p1 =	slt.u32 s9, $0xF7A;
	s5 =	simm.s32 @!p2 $0x0  }
0x1d: {  	s5 =	simm.s32 @p1 $0x1;
	p0 =	seq.s32 s7, s2  }
0x1e: {  	s7 =	smul.u32 @!p0 $0xF7A, s2;
	p2 =	seq.s32 @!p0 s5, $0x0  }
0x1f: {  	s9 =	smul.u32 $0xF7A, s1;
	s8 =	simm.s32 @!p0 $0x1BF5;
	p2 =	por !p2, p0  }
0x20: {  	[sflag:s8] =	ssyncset.s32 @!p0 $0xFFFFF086;
	s6 =	sadd.s32 @!p0 s3, s7;
	s7 =	simm.s32 @!p0 $0x108  }
0x21: {  	s3 =	sadd.s32 s3, s9;
	s6 =	sadd.s32 @!p0 $0x88, s6;
	s7 =	simm.s32 @p2 $0x1082  }
0x22: {  	[simem:s7], [sflag:s8] =	dma.local @!p0 [hbm:s6], $0xF7A  }
0x23: {  	s9 =	sor.u32 $0xD0000000, s2;
	s6 =	simm.s32 $0x108;
	_ =	swait.ge @!p0 [sflag:s8], $0x0  }
0x24: {  	s3 =	sadd.s32 $0x88, s3;
	s6 =	simm.s32 @!p1 $0x1082;
	[sflag:s4] =	ssyncset.s32 $0xFFFFF086  }
0x25: {  	[simem:s6], [sflag:s4] =	dma.local [hbm:s3], $0xF7A  }
0x26: {  	[smem:$0x3F99] =	sst s1;
	(tag) =	ssettag s2;
	_ =	strace s9  }
0x27: {  	s1 =	sld [smem:$0x3FA9]  }
0x28: {  	s2 =	sld [smem:$0x3FAA]  }
0x29: {  	s4 =	sld [smem:$0x3FAC]  }
0x2a: {  	p0 =	seq.s32 s5, $0x0;
	s5 =	sld [smem:$0x3FAD]  }
0x2b: {  	s6 =	sld [smem:$0x3FAE]  }
0x2c: {  	s7 =	sld [smem:$0x3FAF]  }
0x2d: {  	s3 =	simm.s32 $0x108;
	s8 =	sld [smem:$0x3FB0]  }
0x2e: {  	s3 =	simm.s32 @!p0 $0x1082;
	s9 =	sld [smem:$0x3FB1]  }
0x2f: {  	lr =	sadd.s32 s0, s3;
	s0 =	sld [smem:$0x3FA8]  }
0x30: {  	s3 =	sld [smem:$0x3FAB]  }
0x31: {  	[smem:$0x3FB4] =	sst s10  }
0x32: {  	s10 =	sld [smem:$0x3FB2];
	_ =	sdelay $0x3  }
0x33: {  	p0 =	seq.s32 s10, $0x1;
	s10 =	sld [smem:$0x3FB4];
	_ =	sdelay $0x3  }
0x34: {  	[smem:$0x3FB4] =	sst s10  }
0x35: {  	s10 =	sld [smem:$0x3FB3];
	_ =	sdelay $0x3  }
0x36: {  	p1 =	seq.s32 s10, $0x1;
	s10 =	sld [smem:$0x3FB4];
	_ =	sdelay $0x3  }
0x37: {  	[smem:$0x3FB4] =	sst s10  }
0x38: {  	s10 =	sld [smem:$0x3FB5]  }
0x39: {  	_ = 	snop;
	(pc) =	sbr.ind lr, $3  }
0x3a: {  	_ = 	snop  }
0x3b: {  	_ = 	snop  }
0x3c: {  	p2 =	seq.s32 s10, $0x1;
	s10 =	sld [smem:$0x3FB4]  }
0x3d: {  	_ =	shalt  }
0x3e: {  	_ =	shalt  }
0x3f: {  	_ =	shalt  }
0x40: {  	_ =	shalt  }
0x41: {  	_ =	shalt  }
0x42: {  	_ =	shalt  }
0x43: {  	_ =	shalt  }
0x44: {  	_ =	shalt  }
0x45: {  	_ =	shalt  }
0x46: {  	_ =	shalt  }
0x47: {  	_ =	shalt  }
0x48: {  	_ =	shalt  }
0x49: {  	_ =	shalt  }
0x4a: {  	_ =	shalt  }
0x4b: {  	_ =	shalt  }
0x4c: {  	_ =	shalt  }
0x4d: {  	_ =	shalt  }
0x4e: {  	_ =	shalt  }
0x4f: {  	_ =	shalt  }
0x50: {  	_ =	shalt  }
0x51: {  	_ =	shalt  }
0x52: {  	_ =	shalt  }
0x53: {  	_ =	shalt  }
0x54: {  	_ =	shalt  }
0x55: {  	_ =	shalt  }
0x56: {  	_ =	shalt  }
0x57: {  	_ =	shalt  }
0x58: {  	_ =	shalt  }
0x59: {  	_ =	shalt  }
0x5a: {  	_ =	shalt  }
0x5b: {  	_ =	shalt  }
0x5c: {  	_ =	shalt  }
0x5d: {  	_ =	shalt  }
0x5e: {  	_ =	shalt  }
0x5f: {  	_ =	shalt  }
0x60: {  	_ =	shalt  }
0x61: {  	_ =	shalt  }
0x62: {  	_ =	shalt  }
0x63: {  	_ =	shalt  }
0x64: {  	_ =	shalt  }
0x65: {  	_ =	shalt  }
0x66: {  	_ =	shalt  }
0x67: {  	_ =	shalt  }
0x68: {  	_ =	shalt  }
0x69: {  	_ =	shalt  }
0x6a: {  	_ =	shalt  }
0x6b: {  	_ =	shalt  }
0x6c: {  	_ =	shalt  }
0x6d: {  	_ =	shalt  }
0x6e: {  	_ =	shalt  }
0x6f: {  	_ =	shalt  }
0x70: {  	_ =	shalt  }
0x71: {  	_ =	shalt  }
0x72: {  	_ =	shalt  }
0x73: {  	_ =	shalt  }
0x74: {  	_ =	shalt  }
0x75: {  	_ =	shalt  }
0x76: {  	_ =	shalt  }
0x77: {  	_ =	shalt  }
0x78: {  	_ =	shalt  }
0x79: {  	_ =	shalt  }
0x7a: {  	_ =	shalt  }
0x7b: {  	_ =	shalt  }
0x7c: {  	_ =	shalt  }
0x7d: {  	_ =	shalt  }
0x7e: {  	_ =	shalt  }
0x7f: {  	_ =	shalt  }
0x80: {  	_ =	shalt  }
0x81: {  	_ =	shalt  }
0x82: {  	_ =	shalt  }
0x83: {  	_ =	shalt  }
0x84: {  	_ =	shalt  }
0x85: {  	_ =	shalt  }
0x86: {  	_ =	shalt  }
0x87: {  	_ =	shalt  }
.Lfunc_end0:
.L_simem_size_0:
called_computation.2_lowered:
.L_overlay_start_0:
0x88: {  	s2 =	sld [smem:$0x3FD9]  }
0x89: {  	s3 =	sld [smem:$0x3FFE];
	_ =	sdelay $0x1  }
0x8a: {  	s1 =	srdreg.scid  }
0x8b: {  	s0 =	sand.u32 $0x1, s1  }
0x8c: {  	s16 =	sshll.u32 s0, $0xA;
	s2 =	sadd.s32 s3, s2  }
0x8d: {  	s2 =	sadd.s32 s2, s16  }
0x8e: {  	[smem:$0x3FC0] =	sst s2  }
0x8f: {  	_ = 	snop  }
0x90: {  	(tm) =	ssettm $0x1  }
0x91: {  	s17 =	sld [smem:$0x3FFB];
	_ =	sdelay $0x3  }
0x92: {  	_ =	strace s17  }
0x93: {  	s2 =	sld [smem:$0x3FFC];
	_ =	sdelay $0x3  }
0x94: {  	_ =	strace s2  }
0x95: {  	s2 =	sld [smem:$0x3FFD];
	_ =	sdelay $0x3  }
0x96: {  	_ =	strace s2  }
0x97: {  	_ =	strace $0x8FFFFFFF  }
0x98: {  	s18 =	sld [smem:$0x3FDB];
	_ =	sdelay $0x1  }
0x99: {  	s19 =	simm.s32 $_scs_section_size  }
0x9a: {  	s4 =	simm.s32 $_size__tile_overlayer_lowered;
	s5 =	simm.s32 $_tile_overlayer_lowered  }
0x9b: {  	s22 =	simm.s32 $0x1BFF;
	s21 =	sshll.u32 s5, $0x1;
	s2 =	sadd.s32 s19, s18  }
0x9c: {  	s6 =	simm.s32 $0x0;
	s20 =	sshll.u32 s4, $0x1;
	s4 =	sadd.s32 s21, s2  }
0x9d: {  	[timem:s6], [sflag:s22] =	dma.local [hbm:s4], s20  }
0x9e: {  	_ =	swait.ge [sflag:s22], s20  }
0x9f: {  	s3 =	ssub.s32 $0x0, s20;
	[sflag:s22] =	ssyncset.done $0x0  }
0xa0: {  	[sflag:s22] =	ssyncadd.s32 s3;
	_ =	sdelay $0x1  }
0xa1: {  	s23 =	simm.s32 $0x1B8B  }
0xa2: {  	_ =	swait.ge [sflag:s23], $0x1  }
0xa3: {  	[sflag:s23] =	ssyncset.done $0x0  }
0xa4: {  	s25 =	simm.s32 $0x1B8E;
	s24 =	sld [smem:$0x3FFE];
	[sflag:s23] =	ssyncadd.s32 $0xFFFFFFFF  }
0xa5: {  	s26 =	simm.s32 $execute0_lowered;
	[smem:$0x3FD2] =	sst s25  }
0xa6: {  	s4 =	sshll.u32 s26, $0x1;
	_ =	strace $0x8000004C;
	[dreg:$0x1] =	wrdreg $0xFFFFFFFF  }
0xa7: {  	s28 =	simm.s32 $_size_execute0_lowered;
	s2 =	sadd.s32 s2, s4;
	[dreg:$0x0] =	wrdreg $0x0  }
0xa8: {  	s4 =	sshll.u32 s28, $0x1;
	[dreg:$0x2] =	wrdreg s2  }
0xa9: {  	[dreg:$0x3] =	wrdreg s4  }
0xaa: {  	[dreg:$0x4] =	wrdreg $0xC0  }
0xab: {  	_ =	task [dreg:s6], $0x5FFFF  }
0xac: {  	[dreg:$0x1] =	wrdreg $0xFFFFFFFF  }
0xad: {  	[dreg:$0x0] =	wrdreg $0x60  }
0xae: {  	[dreg:$0x2] =	wrdreg s24  }
0xaf: {  	[dreg:$0x3] =	wrdreg $0x0  }
0xb0: {  	[dreg:$0x4] =	wrdreg $0x9  }
0xb1: {  	_ =	task.clear_ibuf [dreg:s6], $0x5FFFF;
	_ =	strace $0x9000004C  }
0xb2: {  	s29 =	simm.s32 $0x9;
	_ =	strace $0x8000004E  }
0xb3: {  	_ =	swait.ge [sflag:s29], $0x1  }
0xb4: {  	[sflag:s29] =	ssyncadd.s32 $0xFFFFFFFF  }
0xb5: {  	_ =	strace $0x9000004E  }
0xb6: {  	_ =	sfence  }
0xb7: {  	s30 =	sld [smem:$0x0];
	_ =	sdelay $0x2  }
0xb8: {  	s31 =	sshll.u32 s1, $0xD;
	s1 =	sshrl.u32 s1, $0x2  }
0xb9: {  	s3 =	sand.u32 $0x4000, s31;
	s1 =	sadd.s32 s1, s30  }
0xba: {  	s0 =	sor.u32 s3, s0;
	s1 =	sshll.u32 s1, $0x11  }
0xbb: {  	s0 =	sor.u32 s1, s0  }
0xbc: {  	s0 =	sadd.s32 $0x8F2B, s0  }
0xbd: {  	[sflag:s0] =	ssyncadd.remote.s32 $0x1  }
0xbe: {  	_ =	sfence.sel $0xFFFF  }
0xbf: {  	[dreg:$0x0] =	wrdreg $0xFFFFFFFF;
	(pc) =	sbr.abs _section_cstart, $3  }
0xc0: {  	[dreg:$0x1] =	wrdreg $0xFFFFFFFF  }
0xc1: {  	_ =	task.clear_ibuf [dreg:s6], $0x2FFFF;
	_ =	strace $0x9FFFFFFF  }
0xc2: {  	(tm) =	ssettm $0x7FFFFFFF  }
0xc3: {  	_ =	shalt  }
tec
execute0_lowered:
.L_overlay_start_1:
0x0: {  	(tag) =	ssettag $0x1  }
0x1: {  	s0 =	rddreg [dreg:$0x0]  }
0x2: {  	s1 =	rddreg [dreg:$0x1];
	s2 =	srdreg.scid;
	s5 =	simm.s32 $0x0  }
0x3: {  	s3 =	stileid.u32;
	s11 =	simm.s32 $0xB;
	s12 =	simm.s32 $0xA000  }
0x4: {  	s14 =	simm.s32 $0x50;
	s15 =	simm.s32 $0xEE20;
	s17 =	simm.s32 $0x10220  }
0x5: {  	s19 =	simm.s32 $0x11620;
	s21 =	simm.s32 $0x12A20;
	s28 =	simm.s32 $0x2  }
0x6: {  	s29 =	simm.s32 $0x7;
	s30 =	simm.s32 $0x3;
	s31 =	simm.s32 $0x8  }
0x7: {  	s16 =	simm.s32 $0xA;
	s22 =	simm.s32 $0x0;
	s2 =	sand.u32 $0x1, s2  }
0x8: {  	[smem:$0x7FF] =	sst s5;
	s9 =	smul.u32 $0xA000, s3;
	s10 =	sadd.s32 $0x29C00, s0  }
0x9: {  	s26 =	sshll.u32 s3, $0x6;
	s4 =	sshll.u32 s2, $0x4;
	_ =	strace $0x8000004D  }
0xa: {  	s6 =	smul.u32 $0x14000, s2;
	s7 =	ssub.s32 $0x2, s2;
	p0 =	seq.s32 s2, $0x0  }
0xb: {  	s2 =	simm.s32 $0x9;
	s4 =	sor.u32 s3, s4;
	s24 =	sshrl.u32 s7, $0x1  }
0xc: {  	s25 =	sadd.s32 s9, s1;
	s13 =	sshrl.u32 s9, $0x3;
	s9 =	sor.u32 $0x1C0B, s26  }
0xd: {  	s23 =	smul.u32 $0x4E2, s4;
	s4 =	sadd.s32 $0x15C00, s0;
	s7 =	ssub.s32 s7, s24  }
0xe: {  	s26 =	simm.s32 $0x6;
	s7 =	smax.u32 s7, $0x1;
	s10 =	smov.u32 @p0 s4  }
0xf: {  	s8 =	sadd.s32 s23, s0;
	s0 =	sadd.s32 s6, s0;
	s23 =	simm.s32 $0x13E20  }
0x10: {  	s5 =	sadd.s32 $0x2000, s8;
	s6 =	sadd.s32 $0xBE00, s8;
	s0 =	sadd.s32 $0x3DC00, s0  }
0x11: {  	s8 =	sadd.s32 s10, s13;
	s10 =	sshrl.u32 s25, $0x3;
	s25 =	simm.s32 $0x1  }
0x12: {  	s24 =	sadd.s32 s13, s0;
	s0 =	simm.s32 $0x4;
	s13 =	simm.s32 $0x5  }
.LBB2_1:
0x13: {  	[spmem:s10], [sflag:s9] =	dma.local [hbm:s8], $0x1400  }
0x14: {  	_ =	swait.ge [sflag:s11], $0x1400  }
0x15: {  	[sflag:s11] =	ssyncset.done $0x0  }
0x16: {  	s3 =	simm.s32 $0x0;
	[sflag:s11] =	ssyncadd.s32 $0xFFFFEC00  }
0x17: {  	[tilespmem:s12], [sflag:$0xB] =	stream.linear.gather [hbm4b:s5+s3], $0x2710, $0x38;
	[tilespmem:$0x15220] =	vst v63  }
0x18: {  	_ =	swait.ge [sflag:s11], $0x2710  }
0x19: {  	[sflag:s11] =	ssyncset.done $0x0  }
0x1a: {  	s18 =	simm.s32 $0xC710;
	[sflag:s11] =	ssyncadd.s32 $0xFFFFD8F0  }
0x1b: {  	[tilespmem:s18], [sflag:$0xB] =	stream.linear.gather [hbm4b:s6+s3], $0x2710, $0x38;
	[tilespmem:$0x15220] =	vst v63  }
0x1c: {  	_ =	swait.ge [sflag:s11], $0x2710  }
0x1d: {  	[sflag:s11] =	ssyncset.done $0x0  }
0x1e: {  	[sflag:s11] =	ssyncadd.s32 $0xFFFFD8F0  }
0x1f: {  	[bflag:$0x0] =	sbarrier.arrive $0xFFFF  }
0x20: {  	[tilespmem:s15], [sflag:$0x1] =	stream.indirect.gather [hbm4b:s4+s14], $0x40, s12, s14, $0xb8;
	[tilespmem:$0x15220] =	vst v63  }
0x21: {  	s20 =	simm.s32 $0xA050  }
0x22: {  	[tilespmem:s17], [sflag:$0x2] =	stream.indirect.gather [hbm4b:s4+s14], $0x40, s20, s14, $0xb8;
	[tilespmem:$0x15220] =	vst v63  }
0x23: {  	s18 =	simm.s32 $0xA0A0  }
0x24: {  	[tilespmem:s19], [sflag:$0x3] =	stream.indirect.gather [hbm4b:s4+s14], $0x40, s18, s14, $0xb8;
	[tilespmem:$0x15220] =	vst v63  }
0x25: {  	s20 =	simm.s32 $0xA0F0  }
0x26: {  	[tilespmem:s21], [sflag:$0x4] =	stream.indirect.gather [hbm4b:s4+s14], $0x40, s20, s14, $0xb8;
	[tilespmem:$0x15220] =	vst v63  }
0x27: {  	s18 =	simm.s32 $0xA140  }
0x28: {  	[tilespmem:s23], [sflag:$0x5] =	stream.indirect.gather [hbm4b:s4+s14], $0x40, s18, s14, $0xb8;
	[tilespmem:$0x15220] =	vst v63  }
0x29: {  	_ =	swait.ge [sflag:s25], $0x1400  }
0x2a: {  	[sflag:s25] =	ssyncset.done $0x0  }
0x2b: {  	s20 =	simm.s32 $0xC710;
	[sflag:s25] =	ssyncadd.s32 $0xFFFFEC00  }
0x2c: {  	[spmem:s1] =	stream.indirect.scatter.add.f32 [tilespmem:s15], [sflag:$0x6], $0x40, s20, s14, $0xb8;
	[tilespmem:$0x15220] =	vst v63  }
0x2d: {  	_ =	swait.ge [sflag:s26], $0x1400  }
0x2e: {  	[sflag:s26] =	ssyncset.done $0x0  }
0x2f: {  	s3 =	simm.s32 $0xA190;
	[sflag:s26] =	ssyncadd.s32 $0xFFFFEC00  }
0x30: {  	[tilespmem:s15], [sflag:$0x1] =	stream.indirect.gather [hbm4b:s4+s14], $0x40, s3, s14, $0xb8;
	[tilespmem:$0x15220] =	vst v63  }
0x31: {  	_ =	swait.ge [sflag:s28], $0x1400  }
0x32: {  	[sflag:s28] =	ssyncset.done $0x0  }
0x33: {  	s20 =	simm.s32 $0xC760;
	[sflag:s28] =	ssyncadd.s32 $0xFFFFEC00  }
0x34: {  	[spmem:s1] =	stream.indirect.scatter.add.f32 [tilespmem:s17], [sflag:$0x7], $0x40, s20, s14, $0xb8;
	[tilespmem:$0x15220] =	vst v63  }
0x35: {  	_ =	swait.ge [sflag:s29], $0x1400  }
0x36: {  	[sflag:s29] =	ssyncset.done $0x0  }
0x37: {  	s3 =	simm.s32 $0xA1E0;
	[sflag:s29] =	ssyncadd.s32 $0xFFFFEC00  }
0x38: {  	[tilespmem:s17], [sflag:$0x2] =	stream.indirect.gather [hbm4b:s4+s14], $0x40, s3, s14, $0xb8;
	[tilespmem:$0x15220] =	vst v63  }
0x39: {  	_ =	swait.ge [sflag:s30], $0x1400  }
0x3a: {  	[sflag:s30] =	ssyncset.done $0x0  }
0x3b: {  	s20 =	simm.s32 $0xC7B0;
	[sflag:s30] =	ssyncadd.s32 $0xFFFFEC00  }
0x3c: {  	[spmem:s1] =	stream.indirect.scatter.add.f32 [tilespmem:s19], [sflag:$0x8], $0x40, s20, s14, $0xb8;
	[tilespmem:$0x15220] =	vst v63  }
0x3d: {  	_ =	swait.ge [sflag:s31], $0x1400  }
0x3e: {  	[sflag:s31] =	ssyncset.done $0x0  }
0x3f: {  	s3 =	simm.s32 $0xA230;
	[sflag:s31] =	ssyncadd.s32 $0xFFFFEC00  }
0x40: {  	[tilespmem:s19], [sflag:$0x3] =	stream.indirect.gather [hbm4b:s4+s14], $0x40, s3, s14, $0xb8;
	[tilespmem:$0x15220] =	vst v63  }
0x41: {  	_ =	swait.ge [sflag:s0], $0x1400  }
0x42: {  	[sflag:s0] =	ssyncset.done $0x0  }
0x43: {  	s20 =	simm.s32 $0xC800;
	[sflag:s0] =	ssyncadd.s32 $0xFFFFEC00  }
0x44: {  	[spmem:s1] =	stream.indirect.scatter.add.f32 [tilespmem:s21], [sflag:$0x9], $0x40, s20, s14, $0xb8;
	[tilespmem:$0x15220] =	vst v63  }
0x45: {  	_ =	swait.ge [sflag:s2], $0x1400  }
0x46: {  	[sflag:s2] =	ssyncset.done $0x0  }
0x47: {  	s3 =	simm.s32 $0xA280;
	[sflag:s2] =	ssyncadd.s32 $0xFFFFEC00  }
0x48: {  	[tilespmem:s21], [sflag:$0x4] =	stream.indirect.gather [hbm4b:s4+s14], $0x40, s3, s14, $0xb8;
	[tilespmem:$0x15220] =	vst v63  }
0x49: {  	_ =	swait.ge [sflag:s13], $0x1400  }
0x4a: {  	[sflag:s13] =	ssyncset.done $0x0  }
0x4b: {  	s20 =	simm.s32 $0xC850;
	[sflag:s13] =	ssyncadd.s32 $0xFFFFEC00  }
0x4c: {  	[spmem:s1] =	stream.indirect.scatter.add.f32 [tilespmem:s23], [sflag:$0xA], $0x40, s20, s14, $0xb8;
	[tilespmem:$0x15220] =	vst v63  }
0x4d: {  	_ =	swait.ge [sflag:s16], $0x1400  }
0x4e: {  	[sflag:s16] =	ssyncset.done $0x0  }
0x4f: {  	s18 =	simm.s32 $0x640;
	s20 =	simm.s32 $0xA2D0;
	[sflag:s16] =	ssyncadd.s32 $0xFFFFEC00  }
.LBB2_2:
0x50: {  	[tilespmem:s23], [sflag:$0x5] =	stream.indirect.gather [hbm4b:s4+s14], $0x40, s20, s14, $0xb8;
	[tilespmem:$0x15220] =	vst v63  }
0x51: {  	s20 =	smov.u32 s18  }
0x52: {  	p0 =	sne.s32 s18, $0x8FC0;
	s18 =	sadd.s32 $0x640, s18;
	_ =	swait.ge [sflag:s25], $0x1400  }
0x53: {  	s20 =	sshra.s32 s20, $0x2;
	[sflag:s25] =	ssyncset.done $0x0  }
0x54: {  	s3 =	sadd.s32 $0xC710, s20;
	[sflag:s25] =	ssyncadd.s32 $0xFFFFEC00  }
0x55: {  	[spmem:s1] =	stream.indirect.scatter.add.f32 [tilespmem:s15], [sflag:$0x6], $0x40, s3, s14, $0xb8;
	[tilespmem:$0x15220] =	vst v63  }
0x56: {  	_ =	swait.ge [sflag:s26], $0x1400  }
0x57: {  	[sflag:s26] =	ssyncset.done $0x0  }
0x58: {  	s3 =	sadd.s32 $0xA190, s20;
	[sflag:s26] =	ssyncadd.s32 $0xFFFFEC00  }
0x59: {  	[tilespmem:s15], [sflag:$0x1] =	stream.indirect.gather [hbm4b:s4+s14], $0x40, s3, s14, $0xb8;
	[tilespmem:$0x15220] =	vst v63  }
0x5a: {  	_ =	swait.ge [sflag:s28], $0x1400  }
0x5b: {  	[sflag:s28] =	ssyncset.done $0x0  }
0x5c: {  	s3 =	sadd.s32 $0xC760, s20;
	[sflag:s28] =	ssyncadd.s32 $0xFFFFEC00  }
0x5d: {  	[spmem:s1] =	stream.indirect.scatter.add.f32 [tilespmem:s17], [sflag:$0x7], $0x40, s3, s14, $0xb8;
	[tilespmem:$0x15220] =	vst v63  }
0x5e: {  	_ =	swait.ge [sflag:s29], $0x1400  }
0x5f: {  	[sflag:s29] =	ssyncset.done $0x0  }
0x60: {  	s3 =	sadd.s32 $0xA1E0, s20;
	[sflag:s29] =	ssyncadd.s32 $0xFFFFEC00  }
0x61: {  	[tilespmem:s17], [sflag:$0x2] =	stream.indirect.gather [hbm4b:s4+s14], $0x40, s3, s14, $0xb8;
	[tilespmem:$0x15220] =	vst v63  }
0x62: {  	_ =	swait.ge [sflag:s30], $0x1400  }
0x63: {  	[sflag:s30] =	ssyncset.done $0x0  }
0x64: {  	s3 =	sadd.s32 $0xC7B0, s20;
	[sflag:s30] =	ssyncadd.s32 $0xFFFFEC00  }
0x65: {  	[spmem:s1] =	stream.indirect.scatter.add.f32 [tilespmem:s19], [sflag:$0x8], $0x40, s3, s14, $0xb8;
	[tilespmem:$0x15220] =	vst v63  }
0x66: {  	_ =	swait.ge [sflag:s31], $0x1400  }
0x67: {  	[sflag:s31] =	ssyncset.done $0x0  }
0x68: {  	s3 =	sadd.s32 $0xA230, s20;
	[sflag:s31] =	ssyncadd.s32 $0xFFFFEC00  }
0x69: {  	[tilespmem:s19], [sflag:$0x3] =	stream.indirect.gather [hbm4b:s4+s14], $0x40, s3, s14, $0xb8;
	[tilespmem:$0x15220] =	vst v63  }
0x6a: {  	_ =	swait.ge [sflag:s0], $0x1400  }
0x6b: {  	[sflag:s0] =	ssyncset.done $0x0  }
0x6c: {  	s3 =	sadd.s32 $0xC800, s20;
	[sflag:s0] =	ssyncadd.s32 $0xFFFFEC00  }
0x6d: {  	[spmem:s1] =	stream.indirect.scatter.add.f32 [tilespmem:s21], [sflag:$0x9], $0x40, s3, s14, $0xb8;
	[tilespmem:$0x15220] =	vst v63  }
0x6e: {  	_ =	swait.ge [sflag:s2], $0x1400  }
0x6f: {  	[sflag:s2] =	ssyncset.done $0x0  }
0x70: {  	s3 =	sadd.s32 $0xA280, s20;
	[sflag:s2] =	ssyncadd.s32 $0xFFFFEC00  }
0x71: {  	[tilespmem:s21], [sflag:$0x4] =	stream.indirect.gather [hbm4b:s4+s14], $0x40, s3, s14, $0xb8;
	[tilespmem:$0x15220] =	vst v63  }
0x72: {  	_ =	swait.ge [sflag:s13], $0x1400  }
0x73: {  	[sflag:s13] =	ssyncset.done $0x0  }
.Ltmp0:
0x74: {  	s3 =	sadd.s32 $0xC850, s20;
	[sflag:s13] =	ssyncadd.s32 $0xFFFFEC00;
	(pc) =	sbr.rel @p0 .LBB2_2-.Ltmp0, $4  }
0x75: {  	[spmem:s1] =	stream.indirect.scatter.add.f32 [tilespmem:s23], [sflag:$0xA], $0x40, s3, s14, $0xb8;
	[tilespmem:$0x15220] =	vst v63  }
0x76: {  	_ =	swait.ge [sflag:s16], $0x1400  }
0x77: {  	[sflag:s16] =	ssyncset.done $0x0  }
0x78: {  	s20 =	sadd.s32 $0xA2D0, s20;
	[sflag:s16] =	ssyncadd.s32 $0xFFFFEC00  }
0x79: {  	[tilespmem:s23], [sflag:$0x5] =	stream.indirect.gather [hbm4b:s4+s14], $0x40, s20, s14, $0xb8;
	[tilespmem:$0x15220] =	vst v63  }
0x7a: {  	_ =	swait.ge [sflag:s25], $0x1400  }
0x7b: {  	[sflag:s25] =	ssyncset.done $0x0  }
0x7c: {  	s3 =	simm.s32 $0xEC90;
	[sflag:s25] =	ssyncadd.s32 $0xFFFFEC00  }
0x7d: {  	[spmem:s1] =	stream.indirect.scatter.add.f32 [tilespmem:s15], [sflag:$0x6], $0x40, s3, s14, $0xb8;
	[tilespmem:$0x15220] =	vst v63  }
0x7e: {  	_ =	swait.ge [sflag:s28], $0x1400  }
0x7f: {  	[sflag:s28] =	ssyncset.done $0x0  }
0x80: {  	s18 =	simm.s32 $0xECE0;
	[sflag:s28] =	ssyncadd.s32 $0xFFFFEC00  }
0x81: {  	[spmem:s1] =	stream.indirect.scatter.add.f32 [tilespmem:s17], [sflag:$0x7], $0x40, s18, s14, $0xb8;
	[tilespmem:$0x15220] =	vst v63  }
0x82: {  	_ =	swait.ge [sflag:s30], $0x1400  }
0x83: {  	[sflag:s30] =	ssyncset.done $0x0  }
0x84: {  	s20 =	simm.s32 $0xED30;
	[sflag:s30] =	ssyncadd.s32 $0xFFFFEC00  }
0x85: {  	[spmem:s1] =	stream.indirect.scatter.add.f32 [tilespmem:s19], [sflag:$0x8], $0x40, s20, s14, $0xb8;
	[tilespmem:$0x15220] =	vst v63  }
0x86: {  	_ =	swait.ge [sflag:s0], $0x1400  }
0x87: {  	[sflag:s0] =	ssyncset.done $0x0  }
0x88: {  	s18 =	simm.s32 $0xED80;
	[sflag:s0] =	ssyncadd.s32 $0xFFFFEC00  }
0x89: {  	[spmem:s1] =	stream.indirect.scatter.add.f32 [tilespmem:s21], [sflag:$0x9], $0x40, s18, s14, $0xb8;
	[tilespmem:$0x15220] =	vst v63  }
0x8a: {  	_ =	swait.ge [sflag:s13], $0x1400  }
0x8b: {  	[sflag:s13] =	ssyncset.done $0x0  }
0x8c: {  	s20 =	simm.s32 $0xEDD0;
	[sflag:s13] =	ssyncadd.s32 $0xFFFFEC00  }
0x8d: {  	[spmem:s1] =	stream.indirect.scatter.add.f32 [tilespmem:s23], [sflag:$0xA], $0x40, s20, s14, $0xb8;
	[tilespmem:$0x15220] =	vst v63  }
0x8e: {  	_ =	swait.ge [sflag:s26], $0x1400  }
0x8f: {  	[sflag:s26] =	ssyncset.done $0x0  }
0x90: {  	[sflag:s26] =	ssyncadd.s32 $0xFFFFEC00  }
0x91: {  	_ =	swait.ge [sflag:s29], $0x1400  }
0x92: {  	[sflag:s29] =	ssyncset.done $0x0  }
0x93: {  	[sflag:s29] =	ssyncadd.s32 $0xFFFFEC00  }
0x94: {  	_ =	swait.ge [sflag:s31], $0x1400  }
0x95: {  	[sflag:s31] =	ssyncset.done $0x0  }
0x96: {  	[sflag:s31] =	ssyncadd.s32 $0xFFFFEC00  }
0x97: {  	_ =	swait.ge [sflag:s2], $0x1400  }
0x98: {  	[sflag:s2] =	ssyncset.done $0x0  }
0x99: {  	[sflag:s2] =	ssyncadd.s32 $0xFFFFEC00  }
0x9a: {  	_ =	swait.ge [sflag:s16], $0x1400  }
0x9b: {  	s22 =	sadd.s32 $0x1, s22;
	[sflag:s16] =	ssyncset.done $0x0  }
0x9c: {  	p0 =	sne.s32 s22, s7;
	[sflag:s16] =	ssyncadd.s32 $0xFFFFEC00  }
.Ltmp1:
0x9d: {  	[bflag:$0x0] =	sbarrier.arrive $0xFFFF;
	(pc) =	sbr.rel @p0 .LBB2_1-.Ltmp1, $4  }
0x9e: {  	[hbm:s24], [sflag:s9] =	dma.local [spmem:s10], $0x1400  }
0x9f: {  	_ =	swait.ge [sflag:s11], $0x1400  }
0xa0: {  	[sflag:s11] =	ssyncset.done $0x0  }
0xa1: {  	[sflag:s11] =	ssyncadd.s32 $0xFFFFEC00  }
0xa2: {  	_ =	sfence.sel $0x180000  }
0xa3: {  	[bflag:$0x0] =	sbarrier.arrive $0xFFFF  }
0xa4: {  	_ =	strace $0x9000004D  }
0xa5: {  	s0 =	stileid.u32;
	[bflag:$0x2] =	sbarrier.arrive $0xFFFF  }
0xa6: {  	p0 =	sne.s32 s0, $0x0;
	s0 =	rddreg [dreg:$0x2]  }
0xa7: {  	s0 =	sadd.s32 @!p0 $0x100000, s0  }
0xa8: {  	[sflag:s0] =	ssyncadd.tile.s32 @!p0 $0x1;
	_ =	shalt  }
.Lfunc_end2:
_tile_overlayer_lowered:
.L_overlay_start_2:
0xa9: {  	(tag) =	ssettag $0x2  }
0xaa: {  	s0 =	rddreg [dreg:$0x0];
	s2 =	stileid.u32  }
0xab: {  	s1 =	rddreg [dreg:$0x1];
	p0 =	sne.s32 s2, $0x0  }
0xac: {  	s3 =	rddreg [dreg:$0x2];
	[bflag:$0x3] =	sbarrier.arrive $0xFFFF;
	s2 =	simm.s32 @!p0 $0x1C0B  }
0xad: {  	[timem:s3], [sflag:s2] =	dma.local @!p0 [hbm:s0], s1  }
0xae: {  	s0 =	simm.s32 @!p0 $0xB  }
0xaf: {  	_ =	swait.ge @!p0 [sflag:s0], s1  }
0xb0: {  	s1 =	ssub.s32 @!p0 $0x0, s1;
	[sflag:s0] =	ssyncset.done @!p0 $0x0  }
0xb1: {  	[sflag:s0] =	ssyncadd.s32 @!p0 s1  }
0xb2: {  	[bflag:$0x3] =	sbarrier.arrive $0xFFFF  }
0xb3: {  	_ =	shalt  }

// kernel: kernel.20.cloned.1.call-start
scs
__scs_entry_jumppad:
0x0: {  	(pc) =	sbr.rel $0x88, $3  }
0x1: {  	(tag) =	ssettag $0x0;
	lr =	simm.s32 $0x1  }
0x2: {  	[smem:$0x3F99] =	sst lr;
	_ =	strace $0xD0000000  }
0x3: {  	_ = 	snop  }
0x4: {  	_ = 	snop  }
0x5: {  	_ = 	snop  }
0x6: {  	_ = 	snop  }
0x7: {  	_ = 	snop  }
__scs_overlays_trampoline_lowered:
0x8: {  	[smem:$0x3FA8] =	sst s0  }
0x9: {  	[smem:$0x3FA9] =	sst s1  }
0xa: {  	[smem:$0x3FAA] =	sst s2  }
0xb: {  	[smem:$0x3FAB] =	sst s3  }
0xc: {  	[smem:$0x3FAC] =	sst s4  }
0xd: {  	[smem:$0x3FAD] =	sst s5  }
0xe: {  	[smem:$0x3FAE] =	sst s6  }
0xf: {  	[smem:$0x3FAF] =	sst s7  }
0x10: {  	[smem:$0x3FB0] =	sst s8  }
0x11: {  	[smem:$0x3FB1] =	sst s9;
	s0 =	simm.s32 @!p0 $0x0  }
0x12: {  	s1 =	sld [smem:$0x3F97];
	s0 =	simm.s32 @p0 $0x1  }
0x13: {  	[smem:$0x3FB2] =	sst s0;
	s0 =	simm.s32 @!p1 $0x0  }
0x14: {  	s2 =	sld [smem:$0x3F96];
	s0 =	simm.s32 @p1 $0x1  }
0x15: {  	[smem:$0x3FB3] =	sst s0;
	s0 =	simm.s32 @!p2 $0x0  }
0x16: {  	s3 =	sld [smem:$0x3FDB];
	s0 =	simm.s32 @p2 $0x1  }
0x17: {  	s4 =	simm.s32 $0x1BF5;
	[smem:$0x3FB5] =	sst s0  }
0x18: {  	s0 =	sld [smem:$0x3F98];
	_ =	swait.ge [sflag:s4], $0x0  }
0x19: {  	s7 =	sld [smem:$0x3F99]  }
0x1a: {  	s8 =	sadd.s32 $0xFFFFE003, lr  }
0x1b: {  	s9 =	sadd.s32 $0xFFFFFEF7, lr;
	s5 =	simm.s32 $0xFFFFFFFF;
	p2 =	slt.u32 s8, $0xFFFFF086  }
0x1c: {  	p1 =	slt.u32 s9, $0xF7A;
	s5 =	simm.s32 @!p2 $0x0  }
0x1d: {  	s5 =	simm.s32 @p1 $0x1;
	p0 =	seq.s32 s7, s2  }
0x1e: {  	s7 =	smul.u32 @!p0 $0xF7A, s2;
	p2 =	seq.s32 @!p0 s5, $0x0  }
0x1f: {  	s9 =	smul.u32 $0xF7A, s1;
	s8 =	simm.s32 @!p0 $0x1BF5;
	p2 =	por !p2, p0  }
0x20: {  	[sflag:s8] =	ssyncset.s32 @!p0 $0xFFFFF086;
	s6 =	sadd.s32 @!p0 s3, s7;
	s7 =	simm.s32 @!p0 $0x108  }
0x21: {  	s3 =	sadd.s32 s3, s9;
	s6 =	sadd.s32 @!p0 $0x88, s6;
	s7 =	simm.s32 @p2 $0x1082  }
0x22: {  	[simem:s7], [sflag:s8] =	dma.local @!p0 [hbm:s6], $0xF7A  }
0x23: {  	s9 =	sor.u32 $0xD0000000, s2;
	s6 =	simm.s32 $0x108;
	_ =	swait.ge @!p0 [sflag:s8], $0x0  }
0x24: {  	s3 =	sadd.s32 $0x88, s3;
	s6 =	simm.s32 @!p1 $0x1082;
	[sflag:s4] =	ssyncset.s32 $0xFFFFF086  }
0x25: {  	[simem:s6], [sflag:s4] =	dma.local [hbm:s3], $0xF7A  }
0x26: {  	[smem:$0x3F99] =	sst s1;
	(tag) =	ssettag s2;
	_ =	strace s9  }
0x27: {  	s1 =	sld [smem:$0x3FA9]  }
0x28: {  	s2 =	sld [smem:$0x3FAA]  }
0x29: {  	s4 =	sld [smem:$0x3FAC]  }
0x2a: {  	p0 =	seq.s32 s5, $0x0;
	s5 =	sld [smem:$0x3FAD]  }
0x2b: {  	s6 =	sld [smem:$0x3FAE]  }
0x2c: {  	s7 =	sld [smem:$0x3FAF]  }
0x2d: {  	s3 =	simm.s32 $0x108;
	s8 =	sld [smem:$0x3FB0]  }
0x2e: {  	s3 =	simm.s32 @!p0 $0x1082;
	s9 =	sld [smem:$0x3FB1]  }
0x2f: {  	lr =	sadd.s32 s0, s3;
	s0 =	sld [smem:$0x3FA8]  }
0x30: {  	s3 =	sld [smem:$0x3FAB]  }
0x31: {  	[smem:$0x3FB4] =	sst s10  }
0x32: {  	s10 =	sld [smem:$0x3FB2];
	_ =	sdelay $0x3  }
0x33: {  	p0 =	seq.s32 s10, $0x1;
	s10 =	sld [smem:$0x3FB4];
	_ =	sdelay $0x3  }
0x34: {  	[smem:$0x3FB4] =	sst s10  }
0x35: {  	s10 =	sld [smem:$0x3FB3];
	_ =	sdelay $0x3  }
0x36: {  	p1 =	seq.s32 s10, $0x1;
	s10 =	sld [smem:$0x3FB4];
	_ =	sdelay $0x3  }
0x37: {  	[smem:$0x3FB4] =	sst s10  }
0x38: {  	s10 =	sld [smem:$0x3FB5]  }
0x39: {  	_ = 	snop;
	(pc) =	sbr.ind lr, $3  }
0x3a: {  	_ = 	snop  }
0x3b: {  	_ = 	snop  }
0x3c: {  	p2 =	seq.s32 s10, $0x1;
	s10 =	sld [smem:$0x3FB4]  }
0x3d: {  	_ =	shalt  }
0x3e: {  	_ =	shalt  }
0x3f: {  	_ =	shalt  }
0x40: {  	_ =	shalt  }
0x41: {  	_ =	shalt  }
0x42: {  	_ =	shalt  }
0x43: {  	_ =	shalt  }
0x44: {  	_ =	shalt  }
0x45: {  	_ =	shalt  }
0x46: {  	_ =	shalt  }
0x47: {  	_ =	shalt  }
0x48: {  	_ =	shalt  }
0x49: {  	_ =	shalt  }
0x4a: {  	_ =	shalt  }
0x4b: {  	_ =	shalt  }
0x4c: {  	_ =	shalt  }
0x4d: {  	_ =	shalt  }
0x4e: {  	_ =	shalt  }
0x4f: {  	_ =	shalt  }
0x50: {  	_ =	shalt  }
0x51: {  	_ =	shalt  }
0x52: {  	_ =	shalt  }
0x53: {  	_ =	shalt  }
0x54: {  	_ =	shalt  }
0x55: {  	_ =	shalt  }
0x56: {  	_ =	shalt  }
0x57: {  	_ =	shalt  }
0x58: {  	_ =	shalt  }
0x59: {  	_ =	shalt  }
0x5a: {  	_ =	shalt  }
0x5b: {  	_ =	shalt  }
0x5c: {  	_ =	shalt  }
0x5d: {  	_ =	shalt  }
0x5e: {  	_ =	shalt  }
0x5f: {  	_ =	shalt  }
0x60: {  	_ =	shalt  }
0x61: {  	_ =	shalt  }
0x62: {  	_ =	shalt  }
0x63: {  	_ =	shalt  }
0x64: {  	_ =	shalt  }
0x65: {  	_ =	shalt  }
0x66: {  	_ =	shalt  }
0x67: {  	_ =	shalt  }
0x68: {  	_ =	shalt  }
0x69: {  	_ =	shalt  }
0x6a: {  	_ =	shalt  }
0x6b: {  	_ =	shalt  }
0x6c: {  	_ =	shalt  }
0x6d: {  	_ =	shalt  }
0x6e: {  	_ =	shalt  }
0x6f: {  	_ =	shalt  }
0x70: {  	_ =	shalt  }
0x71: {  	_ =	shalt  }
0x72: {  	_ =	shalt  }
0x73: {  	_ =	shalt  }
0x74: {  	_ =	shalt  }
0x75: {  	_ =	shalt  }
0x76: {  	_ =	shalt  }
0x77: {  	_ =	shalt  }
0x78: {  	_ =	shalt  }
0x79: {  	_ =	shalt  }
0x7a: {  	_ =	shalt  }
0x7b: {  	_ =	shalt  }
0x7c: {  	_ =	shalt  }
0x7d: {  	_ =	shalt  }
0x7e: {  	_ =	shalt  }
0x7f: {  	_ =	shalt  }
0x80: {  	_ =	shalt  }
0x81: {  	_ =	shalt  }
0x82: {  	_ =	shalt  }
0x83: {  	_ =	shalt  }
0x84: {  	_ =	shalt  }
0x85: {  	_ =	shalt  }
0x86: {  	_ =	shalt  }
0x87: {  	_ =	shalt  }
.Lfunc_end0:
.L_simem_size_0:
called_computation.3_lowered:
.L_overlay_start_0:
0x88: {  	s2 =	sld [smem:$0x3FD9]  }
0x89: {  	s3 =	sld [smem:$0x3FFE];
	_ =	sdelay $0x1  }
0x8a: {  	s1 =	srdreg.scid  }
0x8b: {  	s0 =	sand.u32 $0x1, s1  }
0x8c: {  	s16 =	sshll.u32 s0, $0xA;
	s2 =	sadd.s32 s3, s2  }
0x8d: {  	s2 =	sadd.s32 s2, s16  }
0x8e: {  	[smem:$0x3FC0] =	sst s2  }
0x8f: {  	_ = 	snop  }
0x90: {  	(tm) =	ssettm $0x1  }
0x91: {  	s17 =	sld [smem:$0x3FFB];
	_ =	sdelay $0x3  }
0x92: {  	_ =	strace s17  }
0x93: {  	s2 =	sld [smem:$0x3FFC];
	_ =	sdelay $0x3  }
0x94: {  	_ =	strace s2  }
0x95: {  	s2 =	sld [smem:$0x3FFD];
	_ =	sdelay $0x3  }
0x96: {  	_ =	strace s2  }
0x97: {  	_ =	strace $0x8FFFFFFF  }
0x98: {  	s18 =	sld [smem:$0x3FDB];
	_ =	sdelay $0x1  }
0x99: {  	s19 =	simm.s32 $_scs_section_size  }
0x9a: {  	s4 =	simm.s32 $_size__tile_overlayer_lowered;
	s5 =	simm.s32 $_tile_overlayer_lowered  }
0x9b: {  	s22 =	simm.s32 $0x1BFF;
	s21 =	sshll.u32 s5, $0x1;
	s2 =	sadd.s32 s19, s18  }
0x9c: {  	s6 =	simm.s32 $0x0;
	s20 =	sshll.u32 s4, $0x1;
	s4 =	sadd.s32 s21, s2  }
0x9d: {  	[timem:s6], [sflag:s22] =	dma.local [hbm:s4], s20  }
0x9e: {  	_ =	swait.ge [sflag:s22], s20  }
0x9f: {  	s3 =	ssub.s32 $0x0, s20;
	[sflag:s22] =	ssyncset.done $0x0  }
0xa0: {  	[sflag:s22] =	ssyncadd.s32 s3;
	_ =	sdelay $0x1  }
0xa1: {  	s23 =	simm.s32 $0x1B8B  }
0xa2: {  	_ =	swait.ge [sflag:s23], $0x1  }
0xa3: {  	[sflag:s23] =	ssyncset.done $0x0  }
0xa4: {  	s25 =	simm.s32 $0x1B8E;
	s24 =	sld [smem:$0x3FFE];
	[sflag:s23] =	ssyncadd.s32 $0xFFFFFFFF  }
0xa5: {  	s26 =	simm.s32 $execute0_lowered;
	[smem:$0x3FD2] =	sst s25  }
0xa6: {  	s4 =	sshll.u32 s26, $0x1;
	_ =	strace $0x8000004F;
	[dreg:$0x1] =	wrdreg $0xFFFFFFFF  }
0xa7: {  	s28 =	simm.s32 $_size_execute0_lowered;
	s2 =	sadd.s32 s2, s4;
	[dreg:$0x0] =	wrdreg $0x0  }
0xa8: {  	s4 =	sshll.u32 s28, $0x1;
	[dreg:$0x2] =	wrdreg s2  }
0xa9: {  	[dreg:$0x3] =	wrdreg s4  }
0xaa: {  	[dreg:$0x4] =	wrdreg $0xC0  }
0xab: {  	_ =	task [dreg:s6], $0x5FFFF  }
0xac: {  	[dreg:$0x1] =	wrdreg $0xFFFFFFFF  }
0xad: {  	[dreg:$0x0] =	wrdreg $0x60  }
0xae: {  	[dreg:$0x2] =	wrdreg s24  }
0xaf: {  	[dreg:$0x3] =	wrdreg $0x0  }
0xb0: {  	[dreg:$0x4] =	wrdreg $0x9  }
0xb1: {  	_ =	task.clear_ibuf [dreg:s6], $0x5FFFF;
	_ =	strace $0x9000004F  }
0xb2: {  	s29 =	simm.s32 $0x9;
	_ =	strace $0x80000051  }
0xb3: {  	_ =	swait.ge [sflag:s29], $0x1  }
0xb4: {  	[sflag:s29] =	ssyncadd.s32 $0xFFFFFFFF  }
0xb5: {  	_ =	strace $0x90000051  }
0xb6: {  	_ =	sfence  }
0xb7: {  	s30 =	sld [smem:$0x0];
	_ =	sdelay $0x2  }
0xb8: {  	s31 =	sshll.u32 s1, $0xD;
	s1 =	sshrl.u32 s1, $0x2  }
0xb9: {  	s3 =	sand.u32 $0x4000, s31;
	s1 =	sadd.s32 s1, s30  }
0xba: {  	s0 =	sor.u32 s3, s0;
	s1 =	sshll.u32 s1, $0x11  }
0xbb: {  	s0 =	sor.u32 s1, s0  }
0xbc: {  	s0 =	sadd.s32 $0x8F2B, s0  }
0xbd: {  	[sflag:s0] =	ssyncadd.remote.s32 $0x1  }
0xbe: {  	_ =	sfence.sel $0xFFFF  }
0xbf: {  	[dreg:$0x0] =	wrdreg $0xFFFFFFFF;
	(pc) =	sbr.abs _section_cstart, $3  }
0xc0: {  	[dreg:$0x1] =	wrdreg $0xFFFFFFFF  }
0xc1: {  	_ =	task.clear_ibuf [dreg:s6], $0x2FFFF;
	_ =	strace $0x9FFFFFFF  }
0xc2: {  	(tm) =	ssettm $0x7FFFFFFF  }
0xc3: {  	_ =	shalt  }
tec
execute0_lowered:
.L_overlay_start_1:
0x0: {  	(tag) =	ssettag $0x1  }
0x1: {  	s0 =	rddreg [dreg:$0x0]  }
0x2: {  	s1 =	rddreg [dreg:$0x1];
	s2 =	srdreg.scid;
	s5 =	simm.s32 $0x0  }
0x3: {  	s3 =	stileid.u32;
	s11 =	simm.s32 $0xB;
	s12 =	simm.s32 $0xA000  }
0x4: {  	s14 =	simm.s32 $0x50;
	s15 =	simm.s32 $0xEE20;
	s17 =	simm.s32 $0x10220  }
0x5: {  	s19 =	simm.s32 $0x11620;
	s21 =	simm.s32 $0x12A20;
	s28 =	simm.s32 $0x2  }
0x6: {  	s29 =	simm.s32 $0x7;
	s30 =	simm.s32 $0x3;
	s31 =	simm.s32 $0x8  }
0x7: {  	s16 =	simm.s32 $0xA;
	s22 =	simm.s32 $0x0;
	s2 =	sand.u32 $0x1, s2  }
0x8: {  	[smem:$0x7FF] =	sst s5;
	s9 =	smul.u32 $0xA000, s3;
	s10 =	sadd.s32 $0x29C00, s0  }
0x9: {  	s26 =	sshll.u32 s3, $0x6;
	s4 =	sshll.u32 s2, $0x4;
	_ =	strace $0x80000050  }
0xa: {  	s6 =	smul.u32 $0x14000, s2;
	s7 =	ssub.s32 $0x2, s2;
	p0 =	seq.s32 s2, $0x0  }
0xb: {  	s2 =	simm.s32 $0x9;
	s4 =	sor.u32 s3, s4;
	s24 =	sshrl.u32 s7, $0x1  }
0xc: {  	s25 =	sadd.s32 s9, s1;
	s13 =	sshrl.u32 s9, $0x3;
	s9 =	sor.u32 $0x1C0B, s26  }
0xd: {  	s23 =	smul.u32 $0x4E2, s4;
	s4 =	sadd.s32 $0x15C00, s0;
	s7 =	ssub.s32 s7, s24  }
0xe: {  	s26 =	simm.s32 $0x6;
	s7 =	smax.u32 s7, $0x1;
	s10 =	smov.u32 @p0 s4  }
0xf: {  	s8 =	sadd.s32 s23, s0;
	s0 =	sadd.s32 s6, s0;
	s23 =	simm.s32 $0x13E20  }
0x10: {  	s5 =	sadd.s32 $0x2000, s8;
	s6 =	sadd.s32 $0xBE00, s8;
	s0 =	sadd.s32 $0x3DC00, s0  }
0x11: {  	s8 =	sadd.s32 s10, s13;
	s10 =	sshrl.u32 s25, $0x3;
	s25 =	simm.s32 $0x1  }
0x12: {  	s24 =	sadd.s32 s13, s0;
	s0 =	simm.s32 $0x4;
	s13 =	simm.s32 $0x5  }
.LBB2_1:
0x13: {  	[spmem:s10], [sflag:s9] =	dma.local [hbm:s8], $0x1400  }
0x14: {  	_ =	swait.ge [sflag:s11], $0x1400  }
0x15: {  	[sflag:s11] =	ssyncset.done $0x0  }
0x16: {  	s3 =	simm.s32 $0x0;
	[sflag:s11] =	ssyncadd.s32 $0xFFFFEC00  }
0x17: {  	[tilespmem:s12], [sflag:$0xB] =	stream.linear.gather [hbm4b:s5+s3], $0x2710, $0x38;
	[tilespmem:$0x15220] =	vst v63  }
0x18: {  	_ =	swait.ge [sflag:s11], $0x2710  }
0x19: {  	[sflag:s11] =	ssyncset.done $0x0  }
0x1a: {  	s18 =	simm.s32 $0xC710;
	[sflag:s11] =	ssyncadd.s32 $0xFFFFD8F0  }
0x1b: {  	[tilespmem:s18], [sflag:$0xB] =	stream.linear.gather [hbm4b:s6+s3], $0x2710, $0x38;
	[tilespmem:$0x15220] =	vst v63  }
0x1c: {  	_ =	swait.ge [sflag:s11], $0x2710  }
0x1d: {  	[sflag:s11] =	ssyncset.done $0x0  }
0x1e: {  	[sflag:s11] =	ssyncadd.s32 $0xFFFFD8F0  }
0x1f: {  	[bflag:$0x0] =	sbarrier.arrive $0xFFFF  }
0x20: {  	[tilespmem:s15], [sflag:$0x1] =	stream.indirect.gather [hbm4b:s4+s14], $0x40, s12, s14, $0xb8;
	[tilespmem:$0x15220] =	vst v63  }
0x21: {  	s20 =	simm.s32 $0xA050  }
0x22: {  	[tilespmem:s17], [sflag:$0x2] =	stream.indirect.gather [hbm4b:s4+s14], $0x40, s20, s14, $0xb8;
	[tilespmem:$0x15220] =	vst v63  }
0x23: {  	s18 =	simm.s32 $0xA0A0  }
0x24: {  	[tilespmem:s19], [sflag:$0x3] =	stream.indirect.gather [hbm4b:s4+s14], $0x40, s18, s14, $0xb8;
	[tilespmem:$0x15220] =	vst v63  }
0x25: {  	s20 =	simm.s32 $0xA0F0  }
0x26: {  	[tilespmem:s21], [sflag:$0x4] =	stream.indirect.gather [hbm4b:s4+s14], $0x40, s20, s14, $0xb8;
	[tilespmem:$0x15220] =	vst v63  }
0x27: {  	s18 =	simm.s32 $0xA140  }
0x28: {  	[tilespmem:s23], [sflag:$0x5] =	stream.indirect.gather [hbm4b:s4+s14], $0x40, s18, s14, $0xb8;
	[tilespmem:$0x15220] =	vst v63  }
0x29: {  	_ =	swait.ge [sflag:s25], $0x1400  }
0x2a: {  	[sflag:s25] =	ssyncset.done $0x0  }
0x2b: {  	s20 =	simm.s32 $0xC710;
	[sflag:s25] =	ssyncadd.s32 $0xFFFFEC00  }
0x2c: {  	[spmem:s1] =	stream.indirect.scatter.add.f32 [tilespmem:s15], [sflag:$0x6], $0x40, s20, s14, $0xb8;
	[tilespmem:$0x15220] =	vst v63  }
0x2d: {  	_ =	swait.ge [sflag:s26], $0x1400  }
0x2e: {  	[sflag:s26] =	ssyncset.done $0x0  }
0x2f: {  	s3 =	simm.s32 $0xA190;
	[sflag:s26] =	ssyncadd.s32 $0xFFFFEC00  }
0x30: {  	[tilespmem:s15], [sflag:$0x1] =	stream.indirect.gather [hbm4b:s4+s14], $0x40, s3, s14, $0xb8;
	[tilespmem:$0x15220] =	vst v63  }
0x31: {  	_ =	swait.ge [sflag:s28], $0x1400  }
0x32: {  	[sflag:s28] =	ssyncset.done $0x0  }
0x33: {  	s20 =	simm.s32 $0xC760;
	[sflag:s28] =	ssyncadd.s32 $0xFFFFEC00  }
0x34: {  	[spmem:s1] =	stream.indirect.scatter.add.f32 [tilespmem:s17], [sflag:$0x7], $0x40, s20, s14, $0xb8;
	[tilespmem:$0x15220] =	vst v63  }
0x35: {  	_ =	swait.ge [sflag:s29], $0x1400  }
0x36: {  	[sflag:s29] =	ssyncset.done $0x0  }
0x37: {  	s3 =	simm.s32 $0xA1E0;
	[sflag:s29] =	ssyncadd.s32 $0xFFFFEC00  }
0x38: {  	[tilespmem:s17], [sflag:$0x2] =	stream.indirect.gather [hbm4b:s4+s14], $0x40, s3, s14, $0xb8;
	[tilespmem:$0x15220] =	vst v63  }
0x39: {  	_ =	swait.ge [sflag:s30], $0x1400  }
0x3a: {  	[sflag:s30] =	ssyncset.done $0x0  }
0x3b: {  	s20 =	simm.s32 $0xC7B0;
	[sflag:s30] =	ssyncadd.s32 $0xFFFFEC00  }
0x3c: {  	[spmem:s1] =	stream.indirect.scatter.add.f32 [tilespmem:s19], [sflag:$0x8], $0x40, s20, s14, $0xb8;
	[tilespmem:$0x15220] =	vst v63  }
0x3d: {  	_ =	swait.ge [sflag:s31], $0x1400  }
0x3e: {  	[sflag:s31] =	ssyncset.done $0x0  }
0x3f: {  	s3 =	simm.s32 $0xA230;
	[sflag:s31] =	ssyncadd.s32 $0xFFFFEC00  }
0x40: {  	[tilespmem:s19], [sflag:$0x3] =	stream.indirect.gather [hbm4b:s4+s14], $0x40, s3, s14, $0xb8;
	[tilespmem:$0x15220] =	vst v63  }
0x41: {  	_ =	swait.ge [sflag:s0], $0x1400  }
0x42: {  	[sflag:s0] =	ssyncset.done $0x0  }
0x43: {  	s20 =	simm.s32 $0xC800;
	[sflag:s0] =	ssyncadd.s32 $0xFFFFEC00  }
0x44: {  	[spmem:s1] =	stream.indirect.scatter.add.f32 [tilespmem:s21], [sflag:$0x9], $0x40, s20, s14, $0xb8;
	[tilespmem:$0x15220] =	vst v63  }
0x45: {  	_ =	swait.ge [sflag:s2], $0x1400  }
0x46: {  	[sflag:s2] =	ssyncset.done $0x0  }
0x47: {  	s3 =	simm.s32 $0xA280;
	[sflag:s2] =	ssyncadd.s32 $0xFFFFEC00  }
0x48: {  	[tilespmem:s21], [sflag:$0x4] =	stream.indirect.gather [hbm4b:s4+s14], $0x40, s3, s14, $0xb8;
	[tilespmem:$0x15220] =	vst v63  }
0x49: {  	_ =	swait.ge [sflag:s13], $0x1400  }
0x4a: {  	[sflag:s13] =	ssyncset.done $0x0  }
0x4b: {  	s20 =	simm.s32 $0xC850;
	[sflag:s13] =	ssyncadd.s32 $0xFFFFEC00  }
0x4c: {  	[spmem:s1] =	stream.indirect.scatter.add.f32 [tilespmem:s23], [sflag:$0xA], $0x40, s20, s14, $0xb8;
	[tilespmem:$0x15220] =	vst v63  }
0x4d: {  	_ =	swait.ge [sflag:s16], $0x1400  }
0x4e: {  	[sflag:s16] =	ssyncset.done $0x0  }
0x4f: {  	s18 =	simm.s32 $0x640;
	s20 =	simm.s32 $0xA2D0;
	[sflag:s16] =	ssyncadd.s32 $0xFFFFEC00  }
.LBB2_2:
0x50: {  	[tilespmem:s23], [sflag:$0x5] =	stream.indirect.gather [hbm4b:s4+s14], $0x40, s20, s14, $0xb8;
	[tilespmem:$0x15220] =	vst v63  }
0x51: {  	s20 =	smov.u32 s18  }
0x52: {  	p0 =	sne.s32 s18, $0x8FC0;
	s18 =	sadd.s32 $0x640, s18;
	_ =	swait.ge [sflag:s25], $0x1400  }
0x53: {  	s20 =	sshra.s32 s20, $0x2;
	[sflag:s25] =	ssyncset.done $0x0  }
0x54: {  	s3 =	sadd.s32 $0xC710, s20;
	[sflag:s25] =	ssyncadd.s32 $0xFFFFEC00  }
0x55: {  	[spmem:s1] =	stream.indirect.scatter.add.f32 [tilespmem:s15], [sflag:$0x6], $0x40, s3, s14, $0xb8;
	[tilespmem:$0x15220] =	vst v63  }
0x56: {  	_ =	swait.ge [sflag:s26], $0x1400  }
0x57: {  	[sflag:s26] =	ssyncset.done $0x0  }
0x58: {  	s3 =	sadd.s32 $0xA190, s20;
	[sflag:s26] =	ssyncadd.s32 $0xFFFFEC00  }
0x59: {  	[tilespmem:s15], [sflag:$0x1] =	stream.indirect.gather [hbm4b:s4+s14], $0x40, s3, s14, $0xb8;
	[tilespmem:$0x15220] =	vst v63  }
0x5a: {  	_ =	swait.ge [sflag:s28], $0x1400  }
0x5b: {  	[sflag:s28] =	ssyncset.done $0x0  }
0x5c: {  	s3 =	sadd.s32 $0xC760, s20;
	[sflag:s28] =	ssyncadd.s32 $0xFFFFEC00  }
0x5d: {  	[spmem:s1] =	stream.indirect.scatter.add.f32 [tilespmem:s17], [sflag:$0x7], $0x40, s3, s14, $0xb8;
	[tilespmem:$0x15220] =	vst v63  }
0x5e: {  	_ =	swait.ge [sflag:s29], $0x1400  }
0x5f: {  	[sflag:s29] =	ssyncset.done $0x0  }
0x60: {  	s3 =	sadd.s32 $0xA1E0, s20;
	[sflag:s29] =	ssyncadd.s32 $0xFFFFEC00  }
0x61: {  	[tilespmem:s17], [sflag:$0x2] =	stream.indirect.gather [hbm4b:s4+s14], $0x40, s3, s14, $0xb8;
	[tilespmem:$0x15220] =	vst v63  }
0x62: {  	_ =	swait.ge [sflag:s30], $0x1400  }
0x63: {  	[sflag:s30] =	ssyncset.done $0x0  }
0x64: {  	s3 =	sadd.s32 $0xC7B0, s20;
	[sflag:s30] =	ssyncadd.s32 $0xFFFFEC00  }
0x65: {  	[spmem:s1] =	stream.indirect.scatter.add.f32 [tilespmem:s19], [sflag:$0x8], $0x40, s3, s14, $0xb8;
	[tilespmem:$0x15220] =	vst v63  }
0x66: {  	_ =	swait.ge [sflag:s31], $0x1400  }
0x67: {  	[sflag:s31] =	ssyncset.done $0x0  }
0x68: {  	s3 =	sadd.s32 $0xA230, s20;
	[sflag:s31] =	ssyncadd.s32 $0xFFFFEC00  }
0x69: {  	[tilespmem:s19], [sflag:$0x3] =	stream.indirect.gather [hbm4b:s4+s14], $0x40, s3, s14, $0xb8;
	[tilespmem:$0x15220] =	vst v63  }
0x6a: {  	_ =	swait.ge [sflag:s0], $0x1400  }
0x6b: {  	[sflag:s0] =	ssyncset.done $0x0  }
0x6c: {  	s3 =	sadd.s32 $0xC800, s20;
	[sflag:s0] =	ssyncadd.s32 $0xFFFFEC00  }
0x6d: {  	[spmem:s1] =	stream.indirect.scatter.add.f32 [tilespmem:s21], [sflag:$0x9], $0x40, s3, s14, $0xb8;
	[tilespmem:$0x15220] =	vst v63  }
0x6e: {  	_ =	swait.ge [sflag:s2], $0x1400  }
0x6f: {  	[sflag:s2] =	ssyncset.done $0x0  }
0x70: {  	s3 =	sadd.s32 $0xA280, s20;
	[sflag:s2] =	ssyncadd.s32 $0xFFFFEC00  }
0x71: {  	[tilespmem:s21], [sflag:$0x4] =	stream.indirect.gather [hbm4b:s4+s14], $0x40, s3, s14, $0xb8;
	[tilespmem:$0x15220] =	vst v63  }
0x72: {  	_ =	swait.ge [sflag:s13], $0x1400  }
0x73: {  	[sflag:s13] =	ssyncset.done $0x0  }
.Ltmp0:
0x74: {  	s3 =	sadd.s32 $0xC850, s20;
	[sflag:s13] =	ssyncadd.s32 $0xFFFFEC00;
	(pc) =	sbr.rel @p0 .LBB2_2-.Ltmp0, $4  }
0x75: {  	[spmem:s1] =	stream.indirect.scatter.add.f32 [tilespmem:s23], [sflag:$0xA], $0x40, s3, s14, $0xb8;
	[tilespmem:$0x15220] =	vst v63  }
0x76: {  	_ =	swait.ge [sflag:s16], $0x1400  }
0x77: {  	[sflag:s16] =	ssyncset.done $0x0  }
0x78: {  	s20 =	sadd.s32 $0xA2D0, s20;
	[sflag:s16] =	ssyncadd.s32 $0xFFFFEC00  }
0x79: {  	[tilespmem:s23], [sflag:$0x5] =	stream.indirect.gather [hbm4b:s4+s14], $0x40, s20, s14, $0xb8;
	[tilespmem:$0x15220] =	vst v63  }
0x7a: {  	_ =	swait.ge [sflag:s25], $0x1400  }
0x7b: {  	[sflag:s25] =	ssyncset.done $0x0  }
0x7c: {  	s3 =	simm.s32 $0xEC90;
	[sflag:s25] =	ssyncadd.s32 $0xFFFFEC00  }
0x7d: {  	[spmem:s1] =	stream.indirect.scatter.add.f32 [tilespmem:s15], [sflag:$0x6], $0x40, s3, s14, $0xb8;
	[tilespmem:$0x15220] =	vst v63  }
0x7e: {  	_ =	swait.ge [sflag:s28], $0x1400  }
0x7f: {  	[sflag:s28] =	ssyncset.done $0x0  }
0x80: {  	s18 =	simm.s32 $0xECE0;
	[sflag:s28] =	ssyncadd.s32 $0xFFFFEC00  }
0x81: {  	[spmem:s1] =	stream.indirect.scatter.add.f32 [tilespmem:s17], [sflag:$0x7], $0x40, s18, s14, $0xb8;
	[tilespmem:$0x15220] =	vst v63  }
0x82: {  	_ =	swait.ge [sflag:s30], $0x1400  }
0x83: {  	[sflag:s30] =	ssyncset.done $0x0  }
0x84: {  	s20 =	simm.s32 $0xED30;
	[sflag:s30] =	ssyncadd.s32 $0xFFFFEC00  }
0x85: {  	[spmem:s1] =	stream.indirect.scatter.add.f32 [tilespmem:s19], [sflag:$0x8], $0x40, s20, s14, $0xb8;
	[tilespmem:$0x15220] =	vst v63  }
0x86: {  	_ =	swait.ge [sflag:s0], $0x1400  }
0x87: {  	[sflag:s0] =	ssyncset.done $0x0  }
0x88: {  	s18 =	simm.s32 $0xED80;
	[sflag:s0] =	ssyncadd.s32 $0xFFFFEC00  }
0x89: {  	[spmem:s1] =	stream.indirect.scatter.add.f32 [tilespmem:s21], [sflag:$0x9], $0x40, s18, s14, $0xb8;
	[tilespmem:$0x15220] =	vst v63  }
0x8a: {  	_ =	swait.ge [sflag:s13], $0x1400  }
0x8b: {  	[sflag:s13] =	ssyncset.done $0x0  }
0x8c: {  	s20 =	simm.s32 $0xEDD0;
	[sflag:s13] =	ssyncadd.s32 $0xFFFFEC00  }
0x8d: {  	[spmem:s1] =	stream.indirect.scatter.add.f32 [tilespmem:s23], [sflag:$0xA], $0x40, s20, s14, $0xb8;
	[tilespmem:$0x15220] =	vst v63  }
0x8e: {  	_ =	swait.ge [sflag:s26], $0x1400  }
0x8f: {  	[sflag:s26] =	ssyncset.done $0x0  }
0x90: {  	[sflag:s26] =	ssyncadd.s32 $0xFFFFEC00  }
0x91: {  	_ =	swait.ge [sflag:s29], $0x1400  }
0x92: {  	[sflag:s29] =	ssyncset.done $0x0  }
0x93: {  	[sflag:s29] =	ssyncadd.s32 $0xFFFFEC00  }
0x94: {  	_ =	swait.ge [sflag:s31], $0x1400  }
0x95: {  	[sflag:s31] =	ssyncset.done $0x0  }
0x96: {  	[sflag:s31] =	ssyncadd.s32 $0xFFFFEC00  }
0x97: {  	_ =	swait.ge [sflag:s2], $0x1400  }
0x98: {  	[sflag:s2] =	ssyncset.done $0x0  }
0x99: {  	[sflag:s2] =	ssyncadd.s32 $0xFFFFEC00  }
0x9a: {  	_ =	swait.ge [sflag:s16], $0x1400  }
0x9b: {  	s22 =	sadd.s32 $0x1, s22;
	[sflag:s16] =	ssyncset.done $0x0  }
0x9c: {  	p0 =	sne.s32 s22, s7;
	[sflag:s16] =	ssyncadd.s32 $0xFFFFEC00  }
.Ltmp1:
0x9d: {  	[bflag:$0x0] =	sbarrier.arrive $0xFFFF;
	(pc) =	sbr.rel @p0 .LBB2_1-.Ltmp1, $4  }
0x9e: {  	[hbm:s24], [sflag:s9] =	dma.local [spmem:s10], $0x1400  }
0x9f: {  	_ =	swait.ge [sflag:s11], $0x1400  }
0xa0: {  	[sflag:s11] =	ssyncset.done $0x0  }
0xa1: {  	[sflag:s11] =	ssyncadd.s32 $0xFFFFEC00  }
0xa2: {  	_ =	sfence.sel $0x180000  }
0xa3: {  	[bflag:$0x0] =	sbarrier.arrive $0xFFFF  }
0xa4: {  	_ =	strace $0x90000050  }
0xa5: {  	s0 =	stileid.u32;
	[bflag:$0x2] =	sbarrier.arrive $0xFFFF  }
0xa6: {  	p0 =	sne.s32 s0, $0x0;
	s0 =	rddreg [dreg:$0x2]  }
0xa7: {  	s0 =	sadd.s32 @!p0 $0x100000, s0  }
0xa8: {  	[sflag:s0] =	ssyncadd.tile.s32 @!p0 $0x1;
	_ =	shalt  }
.Lfunc_end2:
_tile_overlayer_lowered:
.L_overlay_start_2:
0xa9: {  	(tag) =	ssettag $0x2  }
0xaa: {  	s0 =	rddreg [dreg:$0x0];
	s2 =	stileid.u32  }
0xab: {  	s1 =	rddreg [dreg:$0x1];
	p0 =	sne.s32 s2, $0x0  }
0xac: {  	s3 =	rddreg [dreg:$0x2];
	[bflag:$0x3] =	sbarrier.arrive $0xFFFF;
	s2 =	simm.s32 @!p0 $0x1C0B  }
0xad: {  	[timem:s3], [sflag:s2] =	dma.local @!p0 [hbm:s0], s1  }
0xae: {  	s0 =	simm.s32 @!p0 $0xB  }
0xaf: {  	_ =	swait.ge @!p0 [sflag:s0], s1  }
0xb0: {  	s1 =	ssub.s32 @!p0 $0x0, s1;
	[sflag:s0] =	ssyncset.done @!p0 $0x0  }
0xb1: {  	[sflag:s0] =	ssyncadd.s32 @!p0 s1  }
0xb2: {  	[bflag:$0x3] =	sbarrier.arrive $0xFFFF  }
0xb3: {  	_ =	shalt  }

</sc_bundles>
